<compile_context>
chip_gen: v7x
topology: tpu7x:2x2x1
jax: 0.10.2.dev20260603
libtpu: 0.0.44.dev20260713+nightly
codegen_flags: <defaults>
</compile_context>

<pallas_src>
import functools

import jax
import jax.numpy as jnp
from jax import lax
from jax.experimental import pallas as pl
from jax.experimental.pallas import tpu as pltpu
from jax.experimental.pallas import tpu_sc as plsc

N = 10000
E = 320000
F = 128

NC = 2
NS = 16
LANES = 16

C = 128
NW = NC * NS
CHUNKS = E // C
CPT = CHUNKS // NW
PAIRS = CPT // 2
EXTRA_BASE = NW * CPT
N_EXTRA = CHUNKS - EXTRA_BASE
N_ACC = 10240
ZPT = N_ACC // NS

_mesh = plsc.VectorSubcoreMesh(
    core_axis_name="c", subcore_axis_name="s", num_cores=NC, num_subcores=NS)


@functools.partial(
    pl.kernel,
    out_type=jax.ShapeDtypeStruct((NC, N_ACC, F), jnp.float32),
    mesh=_mesh,
    scratch_types=[
        pltpu.VMEM((2, C), jnp.int32),
        pltpu.VMEM((C, F), jnp.float32),
        pltpu.VMEM((16, F), jnp.float32),
        pltpu.VMEM_SHARED((N_ACC, F), jnp.float32),
        pltpu.SemaphoreType.DMA,
        pltpu.SemaphoreType.DMA,
    ],
)
def _deg_kernel(ei_hbm, out_hbm, didx, ones, zrow, acc, sj0, sj1):
    c = lax.axis_index("c")
    s = lax.axis_index("s")
    w = c * NS + s
    base = w * CPT

    def fill(i, _):
        r = i // 8
        cl = (i % 8) * LANES
        ones[r, pl.ds(cl, LANES)] = jnp.full((LANES,), 1.0, jnp.float32)
        return _
    lax.fori_loop(0, C * 8, fill, None)

    def zfill(i, _):
        r = i // 8
        cl = (i % 8) * LANES
        zrow[r, pl.ds(cl, LANES)] = jnp.zeros((LANES,), jnp.float32)
        return _
    lax.fori_loop(0, 16 * 8, zfill, None)

    def zcopy(t, _):
        pltpu.sync_copy(zrow, acc.at[pl.ds(s * ZPT + t * 16, 16)])
        return _
    lax.fori_loop(0, ZPT // 16, zcopy, None)
    plsc.subcore_barrier()

    pltpu.sync_copy(ei_hbm.at[1, pl.ds(base * C, C)], didx.at[0])
    pltpu.async_copy(ei_hbm.at[1, pl.ds((base + 1) * C, C)], didx.at[1], sj1)

    def wait_idx(sem, ref):
        pltpu.make_async_copy(ei_hbm.at[1, pl.ds(0, C)], ref, sem).wait()

    def pair(t, _):
        a_off = (base + 2 * t) * C
        more = t < PAIRS - 1
        pltpu.sync_copy(ones, acc.at[didx.at[0]], add=True)

        @pl.when(more)
        def _():
            pltpu.async_copy(
                ei_hbm.at[1, pl.ds(a_off + 2 * C, C)], didx.at[0], sj0)
        wait_idx(sj1, didx.at[1])
        pltpu.sync_copy(ones, acc.at[didx.at[1]], add=True)

        @pl.when(more)
        def _():
            pltpu.async_copy(
                ei_hbm.at[1, pl.ds(a_off + 3 * C, C)], didx.at[1], sj1)
            wait_idx(sj0, didx.at[0])
        return _
    lax.fori_loop(0, PAIRS, pair, None)

    @pl.when(w < N_EXTRA)
    def _():
        pltpu.sync_copy(ei_hbm.at[1, pl.ds((EXTRA_BASE + w) * C, C)],
                        didx.at[0])
        pltpu.sync_copy(ones, acc.at[didx.at[0]], add=True)
    plsc.subcore_barrier()

    def wb(q, _):
        r = s * ZPT + q * C
        pltpu.sync_copy(acc.at[pl.ds(r, C)], ones)
        pltpu.sync_copy(ones, out_hbm.at[c, pl.ds(r, C)])
        return _
    lax.fori_loop(0, ZPT // C, wb, None)


@functools.partial(
    pl.kernel,
    out_type=jax.ShapeDtypeStruct((NC, N_ACC, F), jnp.float32),
    mesh=_mesh,
    scratch_types=[
        pltpu.VMEM((2, C), jnp.int32),
        pltpu.VMEM((2, C), jnp.int32),
        pltpu.VMEM((2, C, F), jnp.float32),
        pltpu.VMEM((16, F), jnp.float32),
        pltpu.VMEM_SHARED((N_ACC, F), jnp.float32),
        pltpu.SemaphoreType.DMA,
        pltpu.SemaphoreType.DMA,
        pltpu.SemaphoreType.DMA,
        pltpu.SemaphoreType.DMA,
        pltpu.SemaphoreType.DMA,
        pltpu.SemaphoreType.DMA,
        pltpu.SemaphoreType.DMA,
        pltpu.SemaphoreType.DMA,
    ],
)
def _edge_kernel(y_hbm, ei_hbm, out_hbm, sidx, didx, rows, zrow,
                 acc, sg0, sg1, si0, si1, sj0, sj1, ss0, ss1):
    c = lax.axis_index("c")
    s = lax.axis_index("s")
    w = c * NS + s
    base = w * CPT

    def zfill(i, _):
        r = i // 8
        col = (i % 8) * LANES
        zrow[r, pl.ds(col, LANES)] = jnp.zeros((LANES,), jnp.float32)
        return _
    lax.fori_loop(0, 16 * 8, zfill, None)

    def zcopy(t, _):
        pltpu.sync_copy(zrow, acc.at[pl.ds(s * ZPT + t * 16, 16)])
        return _
    lax.fori_loop(0, ZPT // 16, zcopy, None)
    plsc.subcore_barrier()

    def wait_rows(sem):
        pltpu.make_async_copy(y_hbm.at[pl.ds(0, C)], rows.at[0], sem).wait()

    def wait_idx(sem, ref):
        pltpu.make_async_copy(ei_hbm.at[0, pl.ds(0, C)], ref, sem).wait()

    pltpu.sync_copy(ei_hbm.at[0, pl.ds(base * C, C)], sidx.at[0])
    pltpu.sync_copy(ei_hbm.at[1, pl.ds(base * C, C)], didx.at[0])
    pltpu.async_copy(ei_hbm.at[0, pl.ds((base + 1) * C, C)], sidx.at[1], si1)
    pltpu.async_copy(ei_hbm.at[1, pl.ds((base + 1) * C, C)], didx.at[1], sj1)
    pltpu.async_copy(y_hbm.at[sidx.at[0]], rows.at[0], sg0)

    def wait_scat(slot_rows, slot_idx, sem):
        pltpu.make_async_copy(slot_rows, acc.at[slot_idx], sem).wait()

    def pair(t, _):
        a_off = (base + 2 * t) * C
        more = t < PAIRS - 1
        wait_rows(sg0)

        @pl.when(t > 0)
        def _():
            wait_idx(sj0, didx.at[0])
        pltpu.async_copy(rows.at[0], acc.at[didx.at[0]], ss0, add=True)

        @pl.when(more)
        def _():
            pltpu.async_copy(
                ei_hbm.at[0, pl.ds(a_off + 2 * C, C)], sidx.at[0], si0)
        wait_idx(si1, sidx.at[1])

        @pl.when(t > 0)
        def _():
            wait_scat(rows.at[1], didx.at[1], ss1)
            pltpu.async_copy(
                ei_hbm.at[1, pl.ds(a_off + C, C)], didx.at[1], sj1)
        gb = pltpu.async_copy(y_hbm.at[sidx.at[1]], rows.at[1], sg1)
        gb.wait()
        wait_idx(sj1, didx.at[1])
        pltpu.async_copy(rows.at[1], acc.at[didx.at[1]], ss1, add=True)
        wait_scat(rows.at[0], didx.at[0], ss0)

        @pl.when(more)
        def _():
            pltpu.async_copy(
                ei_hbm.at[1, pl.ds(a_off + 2 * C, C)], didx.at[0], sj0)
            wait_idx(si0, sidx.at[0])
            pltpu.async_copy(y_hbm.at[sidx.at[0]], rows.at[0], sg0)
            pltpu.async_copy(
                ei_hbm.at[0, pl.ds(a_off + 3 * C, C)], sidx.at[1], si1)
        return _
    lax.fori_loop(0, PAIRS, pair, None)
    wait_scat(rows.at[1], didx.at[1], ss1)

    @pl.when(w < N_EXTRA)
    def _():
        off = (EXTRA_BASE + w) * C
        pltpu.sync_copy(ei_hbm.at[0, pl.ds(off, C)], sidx.at[0])
        pltpu.sync_copy(ei_hbm.at[1, pl.ds(off, C)], didx.at[0])
        pltpu.async_copy(y_hbm.at[sidx.at[0]], rows.at[0], sg0).wait()
        pltpu.sync_copy(rows.at[0], acc.at[didx.at[0]], add=True)
    plsc.subcore_barrier()

    def wb(q, _):
        r = s * ZPT + q * C
        pltpu.sync_copy(acc.at[pl.ds(r, C)], rows.at[0])
        pltpu.sync_copy(rows.at[0], out_hbm.at[c, pl.ds(r, C)])
        return _
    lax.fori_loop(0, ZPT // C, wb, None)


def _dinv(dega, degb):
    deg = dega[...] + degb[...] + 1.0
    return lax.rsqrt(deg)


def _tc_a_body(dega, degb, x, w1, o):
    o[...] = jnp.dot(x[...], w1[...],
                     preferred_element_type=jnp.float32) * _dinv(dega, degb)


_tc_a = pl.pallas_call(
    _tc_a_body, out_shape=jax.ShapeDtypeStruct((N, F), jnp.float32))


def _bn(t, g, b):
    mean = jnp.mean(t, axis=0, keepdims=True)
    d = t - mean
    var = jnp.mean(d * d, axis=0, keepdims=True)
    return g * (d * lax.rsqrt(var + 1e-5)) + b


def _tc_b_body(p, y, dega, degb, b1, wf, bf, g, bb, w2, o):
    dinv = _dinv(dega, degb)
    h = (p[0, :N, :] + p[1, :N, :] + y[...]) * dinv + b1[...]
    t = jnp.maximum(jnp.dot(h, wf[...], preferred_element_type=jnp.float32)
                    + bf[...], 0.0)
    hbn = _bn(t, g[...], bb[...])
    o[...] = jnp.dot(hbn, w2[...], preferred_element_type=jnp.float32) * dinv


_tc_b = pl.pallas_call(
    _tc_b_body, out_shape=jax.ShapeDtypeStruct((N, F), jnp.float32))


def _tc_c_body(p, y, dega, degb, b2, wf, bf, g, bb, wl, bl, o):
    dinv = _dinv(dega, degb)
    h = (p[0, :N, :] + p[1, :N, :] + y[...]) * dinv + b2[...]
    t = jnp.maximum(jnp.dot(h, wf[...], preferred_element_type=jnp.float32)
                    + bf[...], 0.0)
    hbn = _bn(t, g[...], bb[...])
    o[...] = jnp.maximum(
        jnp.dot(hbn, wl[...], preferred_element_type=jnp.float32) + bl[...],
        0.0)


_tc_c = pl.pallas_call(
    _tc_c_body, out_shape=jax.ShapeDtypeStruct((N, F), jnp.float32))


def kernel(x, edge_index, GCN1_W, GCN1_b, fc1_W, fc1_b, bn1_g, bn1_b,
           GCN2_W, GCN2_b, fc2_W, fc2_b, bn2_g, bn2_b, lin_W, lin_b):
    ei = edge_index.astype(jnp.int32)

    degp = _deg_kernel(ei)
    dega, degb = degp[0, :N, 0:1], degp[1, :N, 0:1]

    b1 = GCN1_b.reshape(1, F)
    b2 = GCN2_b.reshape(1, F)
    f1b = fc1_b.reshape(1, F)
    f2b = fc2_b.reshape(1, F)
    g1 = bn1_g.reshape(1, F)
    bb1 = bn1_b.reshape(1, F)
    g2 = bn2_g.reshape(1, F)
    bb2 = bn2_b.reshape(1, F)
    lb = lin_b.reshape(1, F)

    y1 = _tc_a(dega, degb, x, GCN1_W)
    p1 = _edge_kernel(y1, ei)
    y2 = _tc_b(p1, y1, dega, degb, b1, fc1_W, f1b, g1, bb1, GCN2_W)
    p2 = _edge_kernel(y2, ei)
    out = _tc_c(p2, y2, dega, degb, b2, fc2_W, f2b, g2, bb2, lin_W, lb)
    return out

# --- scband reference (transcript-rebuilt; emitter-appended) ---
"""Pipeline reference for scband-gcnnet-17102559772860 (READ-ONLY COPY).

The authoritative reference and input builder live on the scoring server;
editing this copy changes nothing except your own understanding.
"""

import jax, jax.numpy as jnp
import numpy as np

N = 10000
E = 320000
D = 128
H = 128
O = 128

def setup_inputs(seed: int = 0) -> dict:
    key = jax.random.key(seed)
    ks = jax.random.split(key, 20)
    inp = {}
    inp['x'] = jax.random.normal(ks[0], (N, D), dtype=jnp.float32)
    inp['edge_index'] = jax.random.randint(ks[1], (2, E), 0, N, dtype=jnp.int64)
    s = 1.0 / np.sqrt(D)
    inp['GCN1_W'] = jax.random.uniform(ks[2], (D, H), jnp.float32, -s, s)
    inp['GCN1_b'] = jnp.zeros((H,), jnp.float32)
    sh = 1.0 / np.sqrt(H)
    inp['fc1_W'] = jax.random.uniform(ks[3], (H, H), jnp.float32, -sh, sh)
    inp['fc1_b'] = jax.random.uniform(ks[4], (H,), jnp.float32, -sh, sh)
    inp['bn1_g'] = jnp.ones((H,), jnp.float32)
    inp['bn1_b'] = jnp.zeros((H,), jnp.float32)
    inp['GCN2_W'] = jax.random.uniform(ks[5], (H, H), jnp.float32, -sh, sh)
    inp['GCN2_b'] = jnp.zeros((H,), jnp.float32)
    inp['fc2_W'] = jax.random.uniform(ks[6], (H, H), jnp.float32, -sh, sh)
    inp['fc2_b'] = jax.random.uniform(ks[7], (H,), jnp.float32, -sh, sh)
    inp['bn2_g'] = jnp.ones((H,), jnp.float32)
    inp['bn2_b'] = jnp.zeros((H,), jnp.float32)
    inp['lin_W'] = jax.random.uniform(ks[8], (H, O), jnp.float32, -sh, sh)
    inp['lin_b'] = jax.random.uniform(ks[9], (O,), jnp.float32, -sh, sh)
    return inp

def gcn_conv(x, edge_index, W, b, num_nodes):
    xw = x @ W
    src = edge_index[0]
    dst = edge_index[1]
    loop = jnp.arange(num_nodes, dtype=edge_index.dtype)
    src = jnp.concatenate([src, loop])
    dst = jnp.concatenate([dst, loop])
    deg = jnp.zeros((num_nodes,), xw.dtype).at[dst].add(1.0)
    dinv = jnp.where(deg > 0, deg ** -0.5, 0.0)
    norm = dinv[src] * dinv[dst]
    msg = xw[src] * norm[:, None]
    out = jax.ops.segment_sum(msg, dst, num_segments=num_nodes)
    return out + b

def batch_norm(x, g, b, eps=1e-5):
    mean = jnp.mean(x, axis=0)
    var = jnp.mean((x - mean) ** 2, axis=0)
    xn = (x - mean) / jnp.sqrt(var + eps)
    return g * xn + b

def reference(x, edge_index, GCN1_W, GCN1_b, fc1_W, fc1_b, bn1_g, bn1_b, GCN2_W, GCN2_b, fc2_W, fc2_b, bn2_g, bn2_b, lin_W, lin_b):
    h = gcn_conv(x, edge_index, GCN1_W, GCN1_b, N)
    h = batch_norm(jax.nn.relu(h @ fc1_W + fc1_b), bn1_g, bn1_b)
    h = gcn_conv(h, edge_index, GCN2_W, GCN2_b, N)
    h = batch_norm(jax.nn.relu(h @ fc2_W + fc2_b), bn2_g, bn2_b)
    h = h @ lin_W + lin_b
    h = jax.nn.relu(h)  # dropout p=0 is identity
    return h

if __name__ == "__main__":
    import jax
    _d = setup_inputs()
    print(jax.jit(kernel)(*tuple(_d.values())))

</pallas_src>

<mosaic_0001>
#map = affine_map<(d0, d1) -> (0, 0)>
#map1 = affine_map<(d0, d1) -> (0, 0, 0)>
module attributes {stable_mosaic.version = 14 : i64} {
  func.func @_deg_kernel(%arg0: i32, %arg1: i32, %arg2: memref<2x320000xi32, #tpu.memory_space<hbm>>, %arg3: memref<2x10240x128xf32, #tpu.memory_space<hbm>>, %arg4: memref<2x128xi32, #tpu.memory_space<vmem>>, %arg5: memref<128x128xf32, #tpu.memory_space<vmem>>, %arg6: memref<16x128xf32, #tpu.memory_space<vmem>>, %arg7: memref<10240x128xf32, #tpu.memory_space<vmem_shared>>, %arg8: memref<!tpu.dma_semaphore, #tpu.memory_space<semaphore_mem>>, %arg9: memref<!tpu.dma_semaphore, #tpu.memory_space<semaphore_mem>>) attributes {dimension_semantics = [#tpu.dimension_semantics<core_parallel>, #tpu.dimension_semantics<subcore_parallel>], iteration_bounds = array<i64: 2, 16>, scalar_prefetch = 0 : i64, scratch_operands = 6 : i64, tpu.core_type = #tpu.core_type<sc_vector_subcore>, window_params = [{transform_indices = #map}, {transform_indices = #map1}]} {
    %mul3A = arith.constant 16 : i32
    %mul3A_0 = arith.muli %arg0, %mul3A : i32
    %add3A = arith.addi %mul3A_0, %arg1 : i32
    %mul3A_1 = arith.constant 78 : i32
    %mul3A_2 = arith.muli %add3A, %mul3A_1 : i32
    %scan3A = arith.constant 0 : i32
    %scan3A_3 = arith.constant 1024 : i32
    %scan3A_4 = arith.addi %scan3A, %scan3A_3 : i32
    %scan3A_5 = arith.constant 1 : i32
    scf.for %scan3A_48 = %scan3A to %scan3A_4 step %scan3A_5  : i32 {
      %jit3A = arith.constant 8 : i32
      %div3A = arith.divsi %scan3A_48, %jit3A : i32
      %sign3A = arith.constant 0 : i32
      %sign3A_49 = arith.cmpi sgt, %scan3A_48, %sign3A : i32
      %sign3A_50 = arith.extui %sign3A_49 : i1 to i32
      %sign3A_51 = arith.constant 0 : i32
      %sign3A_52 = arith.cmpi slt, %scan3A_48, %sign3A_51 : i32
      %sign3A_53 = arith.extui %sign3A_52 : i1 to i32
      %sign3A_54 = arith.subi %sign3A_50, %sign3A_53 : i32
      %sign3A_55 = arith.constant 0 : i32
      %sign3A_56 = arith.cmpi sgt, %jit3A, %sign3A_55 : i32
      %sign3A_57 = arith.extui %sign3A_56 : i1 to i32
      %sign3A_58 = arith.constant 0 : i32
      %sign3A_59 = arith.cmpi slt, %jit3A, %sign3A_58 : i32
      %sign3A_60 = arith.extui %sign3A_59 : i1 to i32
      %sign3A_61 = arith.subi %sign3A_57, %sign3A_60 : i32
      %ne3A = arith.cmpi ne, %sign3A_54, %sign3A_61 : i32
      %rem3A = arith.remsi %scan3A_48, %jit3A : i32
      %ne3A_62 = arith.constant 0 : i32
      %ne3A_63 = arith.cmpi ne, %rem3A, %ne3A_62 : i32
      %and3A = arith.andi %ne3A, %ne3A_63 : i1
      %sub3A = arith.constant 1 : i32
      %sub3A_64 = arith.subi %div3A, %sub3A : i32
      %select_n3A = arith.select %and3A, %sub3A_64, %div3A : i32
      %jit3A_65 = arith.constant 8 : i32
      %eq3A = arith.constant 0 : i32
      %eq3A_66 = arith.cmpi eq, %jit3A_65, %eq3A : i32
      %jit3A_67 = arith.constant 1 : i32
      %select_n3A_68 = arith.select %eq3A_66, %jit3A_67, %jit3A_65 : i32
      %rem3A_69 = arith.remsi %scan3A_48, %select_n3A_68 : i32
      %ne3A_70 = arith.constant 0 : i32
      %ne3A_71 = arith.cmpi ne, %rem3A_69, %ne3A_70 : i32
      %lt3A_72 = arith.constant 0 : i32
      %lt3A_73 = arith.cmpi slt, %rem3A_69, %lt3A_72 : i32
      %lt3A_74 = arith.constant 0 : i32
      %lt3A_75 = arith.cmpi slt, %select_n3A_68, %lt3A_74 : i32
      %ne3A_76 = arith.xori %lt3A_73, %lt3A_75 : i1
      %and3A_77 = arith.andi %ne3A_76, %ne3A_71 : i1
      %add3A_78 = arith.addi %rem3A_69, %select_n3A_68 : i32
      %select_n3A_79 = arith.select %and3A_77, %add3A_78, %rem3A_69 : i32
      %mul3A_80 = arith.constant 16 : i32
      %mul3A_81 = arith.muli %select_n3A_79, %mul3A_80 : i32
      %broadcast_in_dim3A = arith.constant 1.000000e+00 : f32
      %broadcast_in_dim3A_82 = vector.broadcast %broadcast_in_dim3A : f32 to vector<16xf32>
      %swap3A = arith.index_cast %select_n3A : i32 to index
      %swap3A_83 = arith.index_cast %mul3A_81 : i32 to index
      %swap3A_84 = tpu.vector_load %arg5[%swap3A, %swap3A_83] {strides = array<i32>} : memref<128x128xf32, #tpu.memory_space<vmem>>, vector<1x16xf32>,
      %swap3A_85 = vector.shape_cast %swap3A_84 : vector<1x16xf32> to vector<16xf32>
      %swap3A_86 = vector.shape_cast %broadcast_in_dim3A_82 : vector<16xf32> to vector<1x16xf32>
      tpu.vector_store %arg5[%swap3A, %swap3A_83], %swap3A_86 {strides = array<i32>} : memref<128x128xf32, #tpu.memory_space<vmem>>, vector<1x16xf32>,
    }
    %scan3A_6 = arith.constant 1024 : i32
    %scan3A_7 = arith.constant 0 : i32
    %scan3A_8 = arith.constant 128 : i32
    %scan3A_9 = arith.addi %scan3A_7, %scan3A_8 : i32
    %scan3A_10 = arith.constant 1 : i32
    scf.for %scan3A_48 = %scan3A_7 to %scan3A_9 step %scan3A_10  : i32 {
      %jit3A = arith.constant 8 : i32
      %div3A = arith.divsi %scan3A_48, %jit3A : i32
      %sign3A = arith.constant 0 : i32
      %sign3A_49 = arith.cmpi sgt, %scan3A_48, %sign3A : i32
      %sign3A_50 = arith.extui %sign3A_49 : i1 to i32
      %sign3A_51 = arith.constant 0 : i32
      %sign3A_52 = arith.cmpi slt, %scan3A_48, %sign3A_51 : i32
      %sign3A_53 = arith.extui %sign3A_52 : i1 to i32
      %sign3A_54 = arith.subi %sign3A_50, %sign3A_53 : i32
      %sign3A_55 = arith.constant 0 : i32
      %sign3A_56 = arith.cmpi sgt, %jit3A, %sign3A_55 : i32
      %sign3A_57 = arith.extui %sign3A_56 : i1 to i32
      %sign3A_58 = arith.constant 0 : i32
      %sign3A_59 = arith.cmpi slt, %jit3A, %sign3A_58 : i32
      %sign3A_60 = arith.extui %sign3A_59 : i1 to i32
      %sign3A_61 = arith.subi %sign3A_57, %sign3A_60 : i32
      %ne3A = arith.cmpi ne, %sign3A_54, %sign3A_61 : i32
      %rem3A = arith.remsi %scan3A_48, %jit3A : i32
      %ne3A_62 = arith.constant 0 : i32
      %ne3A_63 = arith.cmpi ne, %rem3A, %ne3A_62 : i32
      %and3A = arith.andi %ne3A, %ne3A_63 : i1
      %sub3A = arith.constant 1 : i32
      %sub3A_64 = arith.subi %div3A, %sub3A : i32
      %select_n3A = arith.select %and3A, %sub3A_64, %div3A : i32
      %jit3A_65 = arith.constant 8 : i32
      %eq3A = arith.constant 0 : i32
      %eq3A_66 = arith.cmpi eq, %jit3A_65, %eq3A : i32
      %jit3A_67 = arith.constant 1 : i32
      %select_n3A_68 = arith.select %eq3A_66, %jit3A_67, %jit3A_65 : i32
      %rem3A_69 = arith.remsi %scan3A_48, %select_n3A_68 : i32
      %ne3A_70 = arith.constant 0 : i32
      %ne3A_71 = arith.cmpi ne, %rem3A_69, %ne3A_70 : i32
      %lt3A_72 = arith.constant 0 : i32
      %lt3A_73 = arith.cmpi slt, %rem3A_69, %lt3A_72 : i32
      %lt3A_74 = arith.constant 0 : i32
      %lt3A_75 = arith.cmpi slt, %select_n3A_68, %lt3A_74 : i32
      %ne3A_76 = arith.xori %lt3A_73, %lt3A_75 : i1
      %and3A_77 = arith.andi %ne3A_76, %ne3A_71 : i1
      %add3A_78 = arith.addi %rem3A_69, %select_n3A_68 : i32
      %select_n3A_79 = arith.select %and3A_77, %add3A_78, %rem3A_69 : i32
      %mul3A_80 = arith.constant 16 : i32
      %mul3A_81 = arith.muli %select_n3A_79, %mul3A_80 : i32
      %broadcast_in_dim3A = arith.constant 0.000000e+00 : f32
      %broadcast_in_dim3A_82 = vector.broadcast %broadcast_in_dim3A : f32 to vector<16xf32>
      %swap3A = arith.index_cast %select_n3A : i32 to index
      %swap3A_83 = arith.index_cast %mul3A_81 : i32 to index
      %swap3A_84 = tpu.vector_load %arg6[%swap3A, %swap3A_83] {strides = array<i32>} : memref<16x128xf32, #tpu.memory_space<vmem>>, vector<1x16xf32>,
      %swap3A_85 = vector.shape_cast %swap3A_84 : vector<1x16xf32> to vector<16xf32>
      %swap3A_86 = vector.shape_cast %broadcast_in_dim3A_82 : vector<16xf32> to vector<1x16xf32>
      tpu.vector_store %arg6[%swap3A, %swap3A_83], %swap3A_86 {strides = array<i32>} : memref<16x128xf32, #tpu.memory_space<vmem>>, vector<1x16xf32>,
    }
    %scan3A_11 = arith.constant 128 : i32
    %scan3A_12 = arith.constant 0 : i32
    %scan3A_13 = arith.constant 40 : i32
    %scan3A_14 = arith.addi %scan3A_12, %scan3A_13 : i32
    %scan3A_15 = arith.constant 1 : i32
    scf.for %scan3A_48 = %scan3A_12 to %scan3A_14 step %scan3A_15  : i32 {
      %mul3A_49 = arith.constant 640 : i32
      %mul3A_50 = arith.muli %arg1, %mul3A_49 : i32
      %mul3A_51 = arith.constant 16 : i32
      %mul3A_52 = arith.muli %scan3A_48, %mul3A_51 : i32
      %add3A_53 = arith.addi %mul3A_50, %mul3A_52 : i32
      "tpu.region"() ({
        %run_scoped3A_54 = tpu.sem_alloc : memref<!tpu.dma_semaphore, #tpu.memory_space<semaphore_mem>>
        %dma_start3A_55 = arith.constant 0 : i32
        %dma_start3A_56 = tpu.memref_slice %arg7[%add3A_53, %dma_start3A_55] : memref<10240x128xf32, #tpu.memory_space<vmem_shared>> -> memref<16x128xf32, #tpu.memory_space<vmem_shared>>
        %dma_start3A_57 = arith.constant 0 : i32
        %dma_start3A_58 = tpu.memref_slice %arg7[%add3A_53, %dma_start3A_57] : memref<10240x128xf32, #tpu.memory_space<vmem_shared>> -> memref<16x128xf32, #tpu.memory_space<vmem_shared>>
        tpu.enqueue_dma source(%arg6 : memref<16x128xf32, #tpu.memory_space<vmem>>) target(%dma_start3A_58 : memref<16x128xf32, #tpu.memory_space<vmem_shared>>) target_semaphore(%run_scoped3A_54 : memref<!tpu.dma_semaphore, #tpu.memory_space<semaphore_mem>>)
        %dma_wait3A = arith.constant 0 : i32
        %dma_wait3A_59 = tpu.memref_slice %arg7[%add3A_53, %dma_wait3A] : memref<10240x128xf32, #tpu.memory_space<vmem_shared>> -> memref<16x128xf32, #tpu.memory_space<vmem_shared>>
        %dma_wait3A_60 = arith.constant 0 : i32
        %dma_wait3A_61 = tpu.memref_slice %arg7[%add3A_53, %dma_wait3A_60] : memref<10240x128xf32, #tpu.memory_space<vmem_shared>> -> memref<16x128xf32, #tpu.memory_space<vmem_shared>>
        tpu.wait_dma2 semaphore(%run_scoped3A_54 : memref<!tpu.dma_semaphore, #tpu.memory_space<semaphore_mem>>) src(%arg6 : memref<16x128xf32, #tpu.memory_space<vmem>>) dst(%dma_wait3A_61 : memref<16x128xf32, #tpu.memory_space<vmem_shared>>)
        tpu.yield
      }) : () -> ()
    }
    %scan3A_16 = arith.constant 40 : i32
    %barrier3A = arith.constant 0 : index
    tpu.barrier barrier_id(%barrier3A)
    %mul3A_17 = arith.constant 128 : i32
    %mul3A_18 = arith.muli %mul3A_2, %mul3A_17 : i32
    %run_scoped3A = arith.constant 1 : i32
    %run_scoped3A_19 = arith.constant 0 : i32
    "tpu.region"() ({
      %run_scoped3A_48 = tpu.sem_alloc : memref<!tpu.dma_semaphore, #tpu.memory_space<semaphore_mem>>
      %dma_start3A_49 = arith.constant 0 : i32
      %dma_start3A_50 = tpu.memref_slice %arg4[%run_scoped3A_19, %dma_start3A_49] : memref<2x128xi32, #tpu.memory_space<vmem>> -> memref<1x128xi32, #tpu.memory_space<vmem>>
      %dma_start3A_51 = tpu.memref_squeeze %dma_start3A_50 : memref<1x128xi32, #tpu.memory_space<vmem>> -> memref<128xi32, #tpu.memory_space<vmem>>
      %dma_start3A_52 = tpu.memref_slice %arg2[%run_scoped3A, %mul3A_18] : memref<2x320000xi32, #tpu.memory_space<hbm>> -> memref<1x128xi32, #tpu.memory_space<hbm>>
      %dma_start3A_53 = tpu.memref_squeeze %dma_start3A_52 : memref<1x128xi32, #tpu.memory_space<hbm>> -> memref<128xi32, #tpu.memory_space<hbm>>
      %dma_start3A_54 = arith.constant 0 : i32
      %dma_start3A_55 = tpu.memref_slice %arg4[%run_scoped3A_19, %dma_start3A_54] : memref<2x128xi32, #tpu.memory_space<vmem>> -> memref<1x128xi32, #tpu.memory_space<vmem>>
      %dma_start3A_56 = tpu.memref_squeeze %dma_start3A_55 : memref<1x128xi32, #tpu.memory_space<vmem>> -> memref<128xi32, #tpu.memory_space<vmem>>
      %dma_start3A_57 = tpu.memref_slice %arg2[%run_scoped3A, %mul3A_18] : memref<2x320000xi32, #tpu.memory_space<hbm>> -> memref<1x128xi32, #tpu.memory_space<hbm>>
      %dma_start3A_58 = tpu.memref_squeeze %dma_start3A_57 : memref<1x128xi32, #tpu.memory_space<hbm>> -> memref<128xi32, #tpu.memory_space<hbm>>
      tpu.enqueue_dma source(%dma_start3A_58 : memref<128xi32, #tpu.memory_space<hbm>>) target(%dma_start3A_56 : memref<128xi32, #tpu.memory_space<vmem>>) target_semaphore(%run_scoped3A_48 : memref<!tpu.dma_semaphore, #tpu.memory_space<semaphore_mem>>)
      %dma_wait3A = arith.constant 0 : i32
      %dma_wait3A_59 = tpu.memref_slice %arg4[%run_scoped3A_19, %dma_wait3A] : memref<2x128xi32, #tpu.memory_space<vmem>> -> memref<1x128xi32, #tpu.memory_space<vmem>>
      %dma_wait3A_60 = tpu.memref_squeeze %dma_wait3A_59 : memref<1x128xi32, #tpu.memory_space<vmem>> -> memref<128xi32, #tpu.memory_space<vmem>>
      %dma_wait3A_61 = tpu.memref_slice %arg2[%run_scoped3A, %mul3A_18] : memref<2x320000xi32, #tpu.memory_space<hbm>> -> memref<1x128xi32, #tpu.memory_space<hbm>>
      %dma_wait3A_62 = tpu.memref_squeeze %dma_wait3A_61 : memref<1x128xi32, #tpu.memory_space<hbm>> -> memref<128xi32, #tpu.memory_space<hbm>>
      %dma_wait3A_63 = arith.constant 0 : i32
      %dma_wait3A_64 = tpu.memref_slice %arg4[%run_scoped3A_19, %dma_wait3A_63] : memref<2x128xi32, #tpu.memory_space<vmem>> -> memref<1x128xi32, #tpu.memory_space<vmem>>
      %dma_wait3A_65 = tpu.memref_squeeze %dma_wait3A_64 : memref<1x128xi32, #tpu.memory_space<vmem>> -> memref<128xi32, #tpu.memory_space<vmem>>
      %dma_wait3A_66 = tpu.memref_slice %arg2[%run_scoped3A, %mul3A_18] : memref<2x320000xi32, #tpu.memory_space<hbm>> -> memref<1x128xi32, #tpu.memory_space<hbm>>
      %dma_wait3A_67 = tpu.memref_squeeze %dma_wait3A_66 : memref<1x128xi32, #tpu.memory_space<hbm>> -> memref<128xi32, #tpu.memory_space<hbm>>
      tpu.wait_dma2 semaphore(%run_scoped3A_48 : memref<!tpu.dma_semaphore, #tpu.memory_space<semaphore_mem>>) src(%dma_wait3A_67 : memref<128xi32, #tpu.memory_space<hbm>>) dst(%dma_wait3A_65 : memref<128xi32, #tpu.memory_space<vmem>>)
      tpu.yield
    }) : () -> ()
    %add3A_20 = arith.constant 1 : i32
    %add3A_21 = arith.addi %mul3A_2, %add3A_20 : i32
    %mul3A_22 = arith.constant 128 : i32
    %mul3A_23 = arith.muli %add3A_21, %mul3A_22 : i32
    %dma_start3A = arith.constant 1 : i32
    %dma_start3A_24 = arith.constant 1 : i32
    %dma_start3A_25 = arith.constant 0 : i32
    %dma_start3A_26 = tpu.memref_slice %arg4[%dma_start3A_24, %dma_start3A_25] : memref<2x128xi32, #tpu.memory_space<vmem>> -> memref<1x128xi32, #tpu.memory_space<vmem>>
    %dma_start3A_27 = tpu.memref_squeeze %dma_start3A_26 : memref<1x128xi32, #tpu.memory_space<vmem>> -> memref<128xi32, #tpu.memory_space<vmem>>
    %dma_start3A_28 = tpu.memref_slice %arg2[%dma_start3A, %mul3A_23] : memref<2x320000xi32, #tpu.memory_space<hbm>> -> memref<1x128xi32, #tpu.memory_space<hbm>>
    %dma_start3A_29 = tpu.memref_squeeze %dma_start3A_28 : memref<1x128xi32, #tpu.memory_space<hbm>> -> memref<128xi32, #tpu.memory_space<hbm>>
    %dma_start3A_30 = arith.constant 0 : i32
    %dma_start3A_31 = tpu.memref_slice %arg4[%dma_start3A_24, %dma_start3A_30] : memref<2x128xi32, #tpu.memory_space<vmem>> -> memref<1x128xi32, #tpu.memory_space<vmem>>
    %dma_start3A_32 = tpu.memref_squeeze %dma_start3A_31 : memref<1x128xi32, #tpu.memory_space<vmem>> -> memref<128xi32, #tpu.memory_space<vmem>>
    %dma_start3A_33 = tpu.memref_slice %arg2[%dma_start3A, %mul3A_23] : memref<2x320000xi32, #tpu.memory_space<hbm>> -> memref<1x128xi32, #tpu.memory_space<hbm>>
    %dma_start3A_34 = tpu.memref_squeeze %dma_start3A_33 : memref<1x128xi32, #tpu.memory_space<hbm>> -> memref<128xi32, #tpu.memory_space<hbm>>
    tpu.enqueue_dma source(%dma_start3A_34 : memref<128xi32, #tpu.memory_space<hbm>>) target(%dma_start3A_32 : memref<128xi32, #tpu.memory_space<vmem>>) target_semaphore(%arg9 : memref<!tpu.dma_semaphore, #tpu.memory_space<semaphore_mem>>)
    %scan3A_35 = arith.constant 0 : i32
    %scan3A_36 = arith.constant 39 : i32
    %scan3A_37 = arith.addi %scan3A_35, %scan3A_36 : i32
    %scan3A_38 = arith.constant 1 : i32
    scf.for %scan3A_48 = %scan3A_35 to %scan3A_37 step %scan3A_38  : i32 {
      %mul3A_49 = arith.constant 2 : i32
      %mul3A_50 = arith.muli %mul3A_49, %scan3A_48 : i32
      %add3A_51 = arith.addi %mul3A_2, %mul3A_50 : i32
      %mul3A_52 = arith.constant 128 : i32
      %mul3A_53 = arith.muli %add3A_51, %mul3A_52 : i32
      %lt3A_54 = arith.constant 38 : i32
      %lt3A_55 = arith.cmpi slt, %scan3A_48, %lt3A_54 : i32
      %run_scoped3A_56 = arith.constant 0 : i32
      "tpu.region"() ({
        %run_scoped3A_77 = tpu.sem_alloc : memref<!tpu.dma_semaphore, #tpu.memory_space<semaphore_mem>>
        %dma_start3A_78 = arith.constant 0 : i32
        %dma_start3A_79 = tpu.memref_slice %arg4[%run_scoped3A_56, %dma_start3A_78] : memref<2x128xi32, #tpu.memory_space<vmem>> -> memref<1x128xi32, #tpu.memory_space<vmem>>
        %dma_start3A_80 = tpu.memref_squeeze %dma_start3A_79 : memref<1x128xi32, #tpu.memory_space<vmem>> -> memref<128xi32, #tpu.memory_space<vmem>>
        %dma_start3A_81 = arith.constant 0 : i32
        %dma_start3A_82 = arith.constant 0 : i32
        %dma_start3A_83 = tpu.memref_slice %arg7[%dma_start3A_81, %dma_start3A_82] : memref<10240x128xf32, #tpu.memory_space<vmem_shared>> -> memref<10240x128xf32, #tpu.memory_space<vmem_shared>>
        tpu.enqueue_indirect_dma source(%arg5 : memref<128x128xf32, #tpu.memory_space<vmem>>) target(%dma_start3A_83 : memref<10240x128xf32, #tpu.memory_space<vmem_shared>>) offsets(%dma_start3A_80 : memref<128xi32, #tpu.memory_space<vmem>>) semaphore(%run_scoped3A_77 : memref<!tpu.dma_semaphore, #tpu.memory_space<semaphore_mem>>) {add = true}
        %dma_wait3A_84 = arith.constant 0 : i32
        %dma_wait3A_85 = tpu.memref_slice %arg4[%run_scoped3A_56, %dma_wait3A_84] : memref<2x128xi32, #tpu.memory_space<vmem>> -> memref<1x128xi32, #tpu.memory_space<vmem>>
        %dma_wait3A_86 = tpu.memref_squeeze %dma_wait3A_85 : memref<1x128xi32, #tpu.memory_space<vmem>> -> memref<128xi32, #tpu.memory_space<vmem>>
        %dma_wait3A_87 = arith.constant 0 : i32
        %dma_wait3A_88 = arith.constant 0 : i32
        %dma_wait3A_89 = tpu.memref_slice %arg7[%dma_wait3A_87, %dma_wait3A_88] : memref<10240x128xf32, #tpu.memory_space<vmem_shared>> -> memref<10240x128xf32, #tpu.memory_space<vmem_shared>>
        tpu.wait_indirect_dma semaphore(%run_scoped3A_77 : memref<!tpu.dma_semaphore, #tpu.memory_space<semaphore_mem>>) src(%arg5 : memref<128x128xf32, #tpu.memory_space<vmem>>) dst(%dma_wait3A_89 : memref<10240x128xf32, #tpu.memory_space<vmem_shared>>)
        tpu.yield
      }) : () -> ()
      %convert_element_type3A_57 = arith.extui %lt3A_55 : i1 to i32
      %cond3A_58 = arith.constant 0 : i32
      %cond3A_59 = arith.cmpi ne, %convert_element_type3A_57, %cond3A_58 : i32
      scf.if %cond3A_59 {
        %add3A_77 = arith.constant 256 : i32
        %add3A_78 = arith.addi %mul3A_53, %add3A_77 : i32
        %dma_start3A_79 = arith.constant 1 : i32
        %dma_start3A_80 = arith.constant 0 : i32
        %dma_start3A_81 = arith.constant 0 : i32
        %dma_start3A_82 = tpu.memref_slice %arg4[%dma_start3A_80, %dma_start3A_81] : memref<2x128xi32, #tpu.memory_space<vmem>> -> memref<1x128xi32, #tpu.memory_space<vmem>>
        %dma_start3A_83 = tpu.memref_squeeze %dma_start3A_82 : memref<1x128xi32, #tpu.memory_space<vmem>> -> memref<128xi32, #tpu.memory_space<vmem>>
        %dma_start3A_84 = tpu.memref_slice %arg2[%dma_start3A_79, %add3A_78] : memref<2x320000xi32, #tpu.memory_space<hbm>> -> memref<1x128xi32, #tpu.memory_space<hbm>>
        %dma_start3A_85 = tpu.memref_squeeze %dma_start3A_84 : memref<1x128xi32, #tpu.memory_space<hbm>> -> memref<128xi32, #tpu.memory_space<hbm>>
        %dma_start3A_86 = arith.constant 0 : i32
        %dma_start3A_87 = tpu.memref_slice %arg4[%dma_start3A_80, %dma_start3A_86] : memref<2x128xi32, #tpu.memory_space<vmem>> -> memref<1x128xi32, #tpu.memory_space<vmem>>
        %dma_start3A_88 = tpu.memref_squeeze %dma_start3A_87 : memref<1x128xi32, #tpu.memory_space<vmem>> -> memref<128xi32, #tpu.memory_space<vmem>>
        %dma_start3A_89 = tpu.memref_slice %arg2[%dma_start3A_79, %add3A_78] : memref<2x320000xi32, #tpu.memory_space<hbm>> -> memref<1x128xi32, #tpu.memory_space<hbm>>
        %dma_start3A_90 = tpu.memref_squeeze %dma_start3A_89 : memref<1x128xi32, #tpu.memory_space<hbm>> -> memref<128xi32, #tpu.memory_space<hbm>>
        tpu.enqueue_dma source(%dma_start3A_90 : memref<128xi32, #tpu.memory_space<hbm>>) target(%dma_start3A_88 : memref<128xi32, #tpu.memory_space<vmem>>) target_semaphore(%arg8 : memref<!tpu.dma_semaphore, #tpu.memory_space<semaphore_mem>>)
      } else {
      }
      %dma_wait3A = arith.constant 1 : i32
      %dma_wait3A_60 = arith.constant 1 : i32
      %dma_wait3A_61 = arith.constant 0 : i32
      %dma_wait3A_62 = tpu.memref_slice %arg4[%dma_wait3A_60, %dma_wait3A_61] : memref<2x128xi32, #tpu.memory_space<vmem>> -> memref<1x128xi32, #tpu.memory_space<vmem>>
      %dma_wait3A_63 = tpu.memref_squeeze %dma_wait3A_62 : memref<1x128xi32, #tpu.memory_space<vmem>> -> memref<128xi32, #tpu.memory_space<vmem>>
      %dma_wait3A_64 = arith.constant 0 : i32
      %dma_wait3A_65 = tpu.memref_slice %arg2[%dma_wait3A, %dma_wait3A_64] : memref<2x320000xi32, #tpu.memory_space<hbm>> -> memref<1x128xi32, #tpu.memory_space<hbm>>
      %dma_wait3A_66 = tpu.memref_squeeze %dma_wait3A_65 : memref<1x128xi32, #tpu.memory_space<hbm>> -> memref<128xi32, #tpu.memory_space<hbm>>
      %dma_wait3A_67 = arith.constant 0 : i32
      %dma_wait3A_68 = tpu.memref_slice %arg4[%dma_wait3A_60, %dma_wait3A_67] : memref<2x128xi32, #tpu.memory_space<vmem>> -> memref<1x128xi32, #tpu.memory_space<vmem>>
      %dma_wait3A_69 = tpu.memref_squeeze %dma_wait3A_68 : memref<1x128xi32, #tpu.memory_space<vmem>> -> memref<128xi32, #tpu.memory_space<vmem>>
      %dma_wait3A_70 = arith.constant 0 : i32
      %dma_wait3A_71 = tpu.memref_slice %arg2[%dma_wait3A, %dma_wait3A_70] : memref<2x320000xi32, #tpu.memory_space<hbm>> -> memref<1x128xi32, #tpu.memory_space<hbm>>
      %dma_wait3A_72 = tpu.memref_squeeze %dma_wait3A_71 : memref<1x128xi32, #tpu.memory_space<hbm>> -> memref<128xi32, #tpu.memory_space<hbm>>
      tpu.wait_dma2 semaphore(%arg9 : memref<!tpu.dma_semaphore, #tpu.memory_space<semaphore_mem>>) src(%dma_wait3A_72 : memref<128xi32, #tpu.memory_space<hbm>>) dst(%dma_wait3A_69 : memref<128xi32, #tpu.memory_space<vmem>>)
      %run_scoped3A_73 = arith.constant 1 : i32
      "tpu.region"() ({
        %run_scoped3A_77 = tpu.sem_alloc : memref<!tpu.dma_semaphore, #tpu.memory_space<semaphore_mem>>
        %dma_start3A_78 = arith.constant 0 : i32
        %dma_start3A_79 = tpu.memref_slice %arg4[%run_scoped3A_73, %dma_start3A_78] : memref<2x128xi32, #tpu.memory_space<vmem>> -> memref<1x128xi32, #tpu.memory_space<vmem>>
        %dma_start3A_80 = tpu.memref_squeeze %dma_start3A_79 : memref<1x128xi32, #tpu.memory_space<vmem>> -> memref<128xi32, #tpu.memory_space<vmem>>
        %dma_start3A_81 = arith.constant 0 : i32
        %dma_start3A_82 = arith.constant 0 : i32
        %dma_start3A_83 = tpu.memref_slice %arg7[%dma_start3A_81, %dma_start3A_82] : memref<10240x128xf32, #tpu.memory_space<vmem_shared>> -> memref<10240x128xf32, #tpu.memory_space<vmem_shared>>
        tpu.enqueue_indirect_dma source(%arg5 : memref<128x128xf32, #tpu.memory_space<vmem>>) target(%dma_start3A_83 : memref<10240x128xf32, #tpu.memory_space<vmem_shared>>) offsets(%dma_start3A_80 : memref<128xi32, #tpu.memory_space<vmem>>) semaphore(%run_scoped3A_77 : memref<!tpu.dma_semaphore, #tpu.memory_space<semaphore_mem>>) {add = true}
        %dma_wait3A_84 = arith.constant 0 : i32
        %dma_wait3A_85 = tpu.memref_slice %arg4[%run_scoped3A_73, %dma_wait3A_84] : memref<2x128xi32, #tpu.memory_space<vmem>> -> memref<1x128xi32, #tpu.memory_space<vmem>>
        %dma_wait3A_86 = tpu.memref_squeeze %dma_wait3A_85 : memref<1x128xi32, #tpu.memory_space<vmem>> -> memref<128xi32, #tpu.memory_space<vmem>>
        %dma_wait3A_87 = arith.constant 0 : i32
        %dma_wait3A_88 = arith.constant 0 : i32
        %dma_wait3A_89 = tpu.memref_slice %arg7[%dma_wait3A_87, %dma_wait3A_88] : memref<10240x128xf32, #tpu.memory_space<vmem_shared>> -> memref<10240x128xf32, #tpu.memory_space<vmem_shared>>
        tpu.wait_indirect_dma semaphore(%run_scoped3A_77 : memref<!tpu.dma_semaphore, #tpu.memory_space<semaphore_mem>>) src(%arg5 : memref<128x128xf32, #tpu.memory_space<vmem>>) dst(%dma_wait3A_89 : memref<10240x128xf32, #tpu.memory_space<vmem_shared>>)
        tpu.yield
      }) : () -> ()
      %convert_element_type3A_74 = arith.extui %lt3A_55 : i1 to i32
      %cond3A_75 = arith.constant 0 : i32
      %cond3A_76 = arith.cmpi ne, %convert_element_type3A_74, %cond3A_75 : i32
      scf.if %cond3A_76 {
        %add3A_77 = arith.constant 384 : i32
        %add3A_78 = arith.addi %mul3A_53, %add3A_77 : i32
        %dma_start3A_79 = arith.constant 1 : i32
        %dma_start3A_80 = arith.constant 1 : i32
        %dma_start3A_81 = arith.constant 0 : i32
        %dma_start3A_82 = tpu.memref_slice %arg4[%dma_start3A_80, %dma_start3A_81] : memref<2x128xi32, #tpu.memory_space<vmem>> -> memref<1x128xi32, #tpu.memory_space<vmem>>
        %dma_start3A_83 = tpu.memref_squeeze %dma_start3A_82 : memref<1x128xi32, #tpu.memory_space<vmem>> -> memref<128xi32, #tpu.memory_space<vmem>>
        %dma_start3A_84 = tpu.memref_slice %arg2[%dma_start3A_79, %add3A_78] : memref<2x320000xi32, #tpu.memory_space<hbm>> -> memref<1x128xi32, #tpu.memory_space<hbm>>
        %dma_start3A_85 = tpu.memref_squeeze %dma_start3A_84 : memref<1x128xi32, #tpu.memory_space<hbm>> -> memref<128xi32, #tpu.memory_space<hbm>>
        %dma_start3A_86 = arith.constant 0 : i32
        %dma_start3A_87 = tpu.memref_slice %arg4[%dma_start3A_80, %dma_start3A_86] : memref<2x128xi32, #tpu.memory_space<vmem>> -> memref<1x128xi32, #tpu.memory_space<vmem>>
        %dma_start3A_88 = tpu.memref_squeeze %dma_start3A_87 : memref<1x128xi32, #tpu.memory_space<vmem>> -> memref<128xi32, #tpu.memory_space<vmem>>
        %dma_start3A_89 = tpu.memref_slice %arg2[%dma_start3A_79, %add3A_78] : memref<2x320000xi32, #tpu.memory_space<hbm>> -> memref<1x128xi32, #tpu.memory_space<hbm>>
        %dma_start3A_90 = tpu.memref_squeeze %dma_start3A_89 : memref<1x128xi32, #tpu.memory_space<hbm>> -> memref<128xi32, #tpu.memory_space<hbm>>
        tpu.enqueue_dma source(%dma_start3A_90 : memref<128xi32, #tpu.memory_space<hbm>>) target(%dma_start3A_88 : memref<128xi32, #tpu.memory_space<vmem>>) target_semaphore(%arg9 : memref<!tpu.dma_semaphore, #tpu.memory_space<semaphore_mem>>)
        %dma_wait3A_91 = arith.constant 1 : i32
        %dma_wait3A_92 = arith.constant 0 : i32
        %dma_wait3A_93 = arith.constant 0 : i32
        %dma_wait3A_94 = tpu.memref_slice %arg4[%dma_wait3A_92, %dma_wait3A_93] : memref<2x128xi32, #tpu.memory_space<vmem>> -> memref<1x128xi32, #tpu.memory_space<vmem>>
        %dma_wait3A_95 = tpu.memref_squeeze %dma_wait3A_94 : memref<1x128xi32, #tpu.memory_space<vmem>> -> memref<128xi32, #tpu.memory_space<vmem>>
        %dma_wait3A_96 = arith.constant 0 : i32
        %dma_wait3A_97 = tpu.memref_slice %arg2[%dma_wait3A_91, %dma_wait3A_96] : memref<2x320000xi32, #tpu.memory_space<hbm>> -> memref<1x128xi32, #tpu.memory_space<hbm>>
        %dma_wait3A_98 = tpu.memref_squeeze %dma_wait3A_97 : memref<1x128xi32, #tpu.memory_space<hbm>> -> memref<128xi32, #tpu.memory_space<hbm>>
        %dma_wait3A_99 = arith.constant 0 : i32
        %dma_wait3A_100 = tpu.memref_slice %arg4[%dma_wait3A_92, %dma_wait3A_99] : memref<2x128xi32, #tpu.memory_space<vmem>> -> memref<1x128xi32, #tpu.memory_space<vmem>>
        %dma_wait3A_101 = tpu.memref_squeeze %dma_wait3A_100 : memref<1x128xi32, #tpu.memory_space<vmem>> -> memref<128xi32, #tpu.memory_space<vmem>>
        %dma_wait3A_102 = arith.constant 0 : i32
        %dma_wait3A_103 = tpu.memref_slice %arg2[%dma_wait3A_91, %dma_wait3A_102] : memref<2x320000xi32, #tpu.memory_space<hbm>> -> memref<1x128xi32, #tpu.memory_space<hbm>>
        %dma_wait3A_104 = tpu.memref_squeeze %dma_wait3A_103 : memref<1x128xi32, #tpu.memory_space<hbm>> -> memref<128xi32, #tpu.memory_space<hbm>>
        tpu.wait_dma2 semaphore(%arg8 : memref<!tpu.dma_semaphore, #tpu.memory_space<semaphore_mem>>) src(%dma_wait3A_104 : memref<128xi32, #tpu.memory_space<hbm>>) dst(%dma_wait3A_101 : memref<128xi32, #tpu.memory_space<vmem>>)
      } else {
      }
    }
    %scan3A_39 = arith.constant 39 : i32
    %lt3A = arith.constant 4 : i32
    %lt3A_40 = arith.cmpi slt, %add3A, %lt3A : i32
    %convert_element_type3A = arith.extui %lt3A_40 : i1 to i32
    %cond3A = arith.constant 0 : i32
    %cond3A_41 = arith.cmpi ne, %convert_element_type3A, %cond3A : i32
    scf.if %cond3A_41 {
      %add3A_48 = arith.constant 2496 : i32
      %add3A_49 = arith.addi %add3A_48, %add3A : i32
      %mul3A_50 = arith.constant 128 : i32
      %mul3A_51 = arith.muli %add3A_49, %mul3A_50 : i32
      %run_scoped3A_52 = arith.constant 1 : i32
      %run_scoped3A_53 = arith.constant 0 : i32
      "tpu.region"() ({
        %run_scoped3A_55 = tpu.sem_alloc : memref<!tpu.dma_semaphore, #tpu.memory_space<semaphore_mem>>
        %dma_start3A_56 = arith.constant 0 : i32
        %dma_start3A_57 = tpu.memref_slice %arg4[%run_scoped3A_53, %dma_start3A_56] : memref<2x128xi32, #tpu.memory_space<vmem>> -> memref<1x128xi32, #tpu.memory_space<vmem>>
        %dma_start3A_58 = tpu.memref_squeeze %dma_start3A_57 : memref<1x128xi32, #tpu.memory_space<vmem>> -> memref<128xi32, #tpu.memory_space<vmem>>
        %dma_start3A_59 = tpu.memref_slice %arg2[%run_scoped3A_52, %mul3A_51] : memref<2x320000xi32, #tpu.memory_space<hbm>> -> memref<1x128xi32, #tpu.memory_space<hbm>>
        %dma_start3A_60 = tpu.memref_squeeze %dma_start3A_59 : memref<1x128xi32, #tpu.memory_space<hbm>> -> memref<128xi32, #tpu.memory_space<hbm>>
        %dma_start3A_61 = arith.constant 0 : i32
        %dma_start3A_62 = tpu.memref_slice %arg4[%run_scoped3A_53, %dma_start3A_61] : memref<2x128xi32, #tpu.memory_space<vmem>> -> memref<1x128xi32, #tpu.memory_space<vmem>>
        %dma_start3A_63 = tpu.memref_squeeze %dma_start3A_62 : memref<1x128xi32, #tpu.memory_space<vmem>> -> memref<128xi32, #tpu.memory_space<vmem>>
        %dma_start3A_64 = tpu.memref_slice %arg2[%run_scoped3A_52, %mul3A_51] : memref<2x320000xi32, #tpu.memory_space<hbm>> -> memref<1x128xi32, #tpu.memory_space<hbm>>
        %dma_start3A_65 = tpu.memref_squeeze %dma_start3A_64 : memref<1x128xi32, #tpu.memory_space<hbm>> -> memref<128xi32, #tpu.memory_space<hbm>>
        tpu.enqueue_dma source(%dma_start3A_65 : memref<128xi32, #tpu.memory_space<hbm>>) target(%dma_start3A_63 : memref<128xi32, #tpu.memory_space<vmem>>) target_semaphore(%run_scoped3A_55 : memref<!tpu.dma_semaphore, #tpu.memory_space<semaphore_mem>>)
        %dma_wait3A = arith.constant 0 : i32
        %dma_wait3A_66 = tpu.memref_slice %arg4[%run_scoped3A_53, %dma_wait3A] : memref<2x128xi32, #tpu.memory_space<vmem>> -> memref<1x128xi32, #tpu.memory_space<vmem>>
        %dma_wait3A_67 = tpu.memref_squeeze %dma_wait3A_66 : memref<1x128xi32, #tpu.memory_space<vmem>> -> memref<128xi32, #tpu.memory_space<vmem>>
        %dma_wait3A_68 = tpu.memref_slice %arg2[%run_scoped3A_52, %mul3A_51] : memref<2x320000xi32, #tpu.memory_space<hbm>> -> memref<1x128xi32, #tpu.memory_space<hbm>>
        %dma_wait3A_69 = tpu.memref_squeeze %dma_wait3A_68 : memref<1x128xi32, #tpu.memory_space<hbm>> -> memref<128xi32, #tpu.memory_space<hbm>>
        %dma_wait3A_70 = arith.constant 0 : i32
        %dma_wait3A_71 = tpu.memref_slice %arg4[%run_scoped3A_53, %dma_wait3A_70] : memref<2x128xi32, #tpu.memory_space<vmem>> -> memref<1x128xi32, #tpu.memory_space<vmem>>
        %dma_wait3A_72 = tpu.memref_squeeze %dma_wait3A_71 : memref<1x128xi32, #tpu.memory_space<vmem>> -> memref<128xi32, #tpu.memory_space<vmem>>
        %dma_wait3A_73 = tpu.memref_slice %arg2[%run_scoped3A_52, %mul3A_51] : memref<2x320000xi32, #tpu.memory_space<hbm>> -> memref<1x128xi32, #tpu.memory_space<hbm>>
        %dma_wait3A_74 = tpu.memref_squeeze %dma_wait3A_73 : memref<1x128xi32, #tpu.memory_space<hbm>> -> memref<128xi32, #tpu.memory_space<hbm>>
        tpu.wait_dma2 semaphore(%run_scoped3A_55 : memref<!tpu.dma_semaphore, #tpu.memory_space<semaphore_mem>>) src(%dma_wait3A_74 : memref<128xi32, #tpu.memory_space<hbm>>) dst(%dma_wait3A_72 : memref<128xi32, #tpu.memory_space<vmem>>)
        tpu.yield
      }) : () -> ()
      %run_scoped3A_54 = arith.constant 0 : i32
      "tpu.region"() ({
        %run_scoped3A_55 = tpu.sem_alloc : memref<!tpu.dma_semaphore, #tpu.memory_space<semaphore_mem>>
        %dma_start3A_56 = arith.constant 0 : i32
        %dma_start3A_57 = tpu.memref_slice %arg4[%run_scoped3A_54, %dma_start3A_56] : memref<2x128xi32, #tpu.memory_space<vmem>> -> memref<1x128xi32, #tpu.memory_space<vmem>>
        %dma_start3A_58 = tpu.memref_squeeze %dma_start3A_57 : memref<1x128xi32, #tpu.memory_space<vmem>> -> memref<128xi32, #tpu.memory_space<vmem>>
        %dma_start3A_59 = arith.constant 0 : i32
        %dma_start3A_60 = arith.constant 0 : i32
        %dma_start3A_61 = tpu.memref_slice %arg7[%dma_start3A_59, %dma_start3A_60] : memref<10240x128xf32, #tpu.memory_space<vmem_shared>> -> memref<10240x128xf32, #tpu.memory_space<vmem_shared>>
        tpu.enqueue_indirect_dma source(%arg5 : memref<128x128xf32, #tpu.memory_space<vmem>>) target(%dma_start3A_61 : memref<10240x128xf32, #tpu.memory_space<vmem_shared>>) offsets(%dma_start3A_58 : memref<128xi32, #tpu.memory_space<vmem>>) semaphore(%run_scoped3A_55 : memref<!tpu.dma_semaphore, #tpu.memory_space<semaphore_mem>>) {add = true}
        %dma_wait3A = arith.constant 0 : i32
        %dma_wait3A_62 = tpu.memref_slice %arg4[%run_scoped3A_54, %dma_wait3A] : memref<2x128xi32, #tpu.memory_space<vmem>> -> memref<1x128xi32, #tpu.memory_space<vmem>>
        %dma_wait3A_63 = tpu.memref_squeeze %dma_wait3A_62 : memref<1x128xi32, #tpu.memory_space<vmem>> -> memref<128xi32, #tpu.memory_space<vmem>>
        %dma_wait3A_64 = arith.constant 0 : i32
        %dma_wait3A_65 = arith.constant 0 : i32
        %dma_wait3A_66 = tpu.memref_slice %arg7[%dma_wait3A_64, %dma_wait3A_65] : memref<10240x128xf32, #tpu.memory_space<vmem_shared>> -> memref<10240x128xf32, #tpu.memory_space<vmem_shared>>
        tpu.wait_indirect_dma semaphore(%run_scoped3A_55 : memref<!tpu.dma_semaphore, #tpu.memory_space<semaphore_mem>>) src(%arg5 : memref<128x128xf32, #tpu.memory_space<vmem>>) dst(%dma_wait3A_66 : memref<10240x128xf32, #tpu.memory_space<vmem_shared>>)
        tpu.yield
      }) : () -> ()
    } else {
    }
    %barrier3A_42 = arith.constant 0 : index
    tpu.barrier barrier_id(%barrier3A_42)
    %scan3A_43 = arith.constant 0 : i32
    %scan3A_44 = arith.constant 5 : i32
    %scan3A_45 = arith.addi %scan3A_43, %scan3A_44 : i32
    %scan3A_46 = arith.constant 1 : i32
    scf.for %scan3A_48 = %scan3A_43 to %scan3A_45 step %scan3A_46  : i32 {
      %mul3A_49 = arith.constant 640 : i32
      %mul3A_50 = arith.muli %arg1, %mul3A_49 : i32
      %mul3A_51 = arith.constant 128 : i32
      %mul3A_52 = arith.muli %scan3A_48, %mul3A_51 : i32
      %add3A_53 = arith.addi %mul3A_50, %mul3A_52 : i32
      "tpu.region"() ({
        %run_scoped3A_54 = tpu.sem_alloc : memref<!tpu.dma_semaphore, #tpu.memory_space<semaphore_mem>>
        %dma_start3A_55 = arith.constant 0 : i32
        %dma_start3A_56 = tpu.memref_slice %arg7[%add3A_53, %dma_start3A_55] : memref<10240x128xf32, #tpu.memory_space<vmem_shared>> -> memref<128x128xf32, #tpu.memory_space<vmem_shared>>
        %dma_start3A_57 = arith.constant 0 : i32
        %dma_start3A_58 = tpu.memref_slice %arg7[%add3A_53, %dma_start3A_57] : memref<10240x128xf32, #tpu.memory_space<vmem_shared>> -> memref<128x128xf32, #tpu.memory_space<vmem_shared>>
        tpu.enqueue_dma source(%dma_start3A_58 : memref<128x128xf32, #tpu.memory_space<vmem_shared>>) target(%arg5 : memref<128x128xf32, #tpu.memory_space<vmem>>) target_semaphore(%run_scoped3A_54 : memref<!tpu.dma_semaphore, #tpu.memory_space<semaphore_mem>>)
        %dma_wait3A = arith.constant 0 : i32
        %dma_wait3A_59 = tpu.memref_slice %arg7[%add3A_53, %dma_wait3A] : memref<10240x128xf32, #tpu.memory_space<vmem_shared>> -> memref<128x128xf32, #tpu.memory_space<vmem_shared>>
        %dma_wait3A_60 = arith.constant 0 : i32
        %dma_wait3A_61 = tpu.memref_slice %arg7[%add3A_53, %dma_wait3A_60] : memref<10240x128xf32, #tpu.memory_space<vmem_shared>> -> memref<128x128xf32, #tpu.memory_space<vmem_shared>>
        tpu.wait_dma2 semaphore(%run_scoped3A_54 : memref<!tpu.dma_semaphore, #tpu.memory_space<semaphore_mem>>) src(%dma_wait3A_61 : memref<128x128xf32, #tpu.memory_space<vmem_shared>>) dst(%arg5 : memref<128x128xf32, #tpu.memory_space<vmem>>)
        tpu.yield
      }) : () -> ()
      "tpu.region"() ({
        %run_scoped3A_54 = tpu.sem_alloc : memref<!tpu.dma_semaphore, #tpu.memory_space<semaphore_mem>>
        %dma_start3A_55 = arith.constant 0 : i32
        %dma_start3A_56 = tpu.memref_slice %arg3[%arg0, %add3A_53, %dma_start3A_55] : memref<2x10240x128xf32, #tpu.memory_space<hbm>> -> memref<1x128x128xf32, #tpu.memory_space<hbm>>
        %dma_start3A_57 = tpu.memref_squeeze %dma_start3A_56 : memref<1x128x128xf32, #tpu.memory_space<hbm>> -> memref<128x128xf32, #tpu.memory_space<hbm>>
        %dma_start3A_58 = arith.constant 0 : i32
        %dma_start3A_59 = tpu.memref_slice %arg3[%arg0, %add3A_53, %dma_start3A_58] : memref<2x10240x128xf32, #tpu.memory_space<hbm>> -> memref<1x128x128xf32, #tpu.memory_space<hbm>>
        %dma_start3A_60 = tpu.memref_squeeze %dma_start3A_59 : memref<1x128x128xf32, #tpu.memory_space<hbm>> -> memref<128x128xf32, #tpu.memory_space<hbm>>
        tpu.enqueue_dma source(%arg5 : memref<128x128xf32, #tpu.memory_space<vmem>>) target(%dma_start3A_60 : memref<128x128xf32, #tpu.memory_space<hbm>>) target_semaphore(%run_scoped3A_54 : memref<!tpu.dma_semaphore, #tpu.memory_space<semaphore_mem>>)
        %dma_wait3A = arith.constant 0 : i32
        %dma_wait3A_61 = tpu.memref_slice %arg3[%arg0, %add3A_53, %dma_wait3A] : memref<2x10240x128xf32, #tpu.memory_space<hbm>> -> memref<1x128x128xf32, #tpu.memory_space<hbm>>
        %dma_wait3A_62 = tpu.memref_squeeze %dma_wait3A_61 : memref<1x128x128xf32, #tpu.memory_space<hbm>> -> memref<128x128xf32, #tpu.memory_space<hbm>>
        %dma_wait3A_63 = arith.constant 0 : i32
        %dma_wait3A_64 = tpu.memref_slice %arg3[%arg0, %add3A_53, %dma_wait3A_63] : memref<2x10240x128xf32, #tpu.memory_space<hbm>> -> memref<1x128x128xf32, #tpu.memory_space<hbm>>
        %dma_wait3A_65 = tpu.memref_squeeze %dma_wait3A_64 : memref<1x128x128xf32, #tpu.memory_space<hbm>> -> memref<128x128xf32, #tpu.memory_space<hbm>>
        tpu.wait_dma2 semaphore(%run_scoped3A_54 : memref<!tpu.dma_semaphore, #tpu.memory_space<semaphore_mem>>) src(%arg5 : memref<128x128xf32, #tpu.memory_space<vmem>>) dst(%dma_wait3A_65 : memref<128x128xf32, #tpu.memory_space<hbm>>)
        tpu.yield
      }) : () -> ()
    }
    %scan3A_47 = arith.constant 5 : i32
    return
  }
}

#map = affine_map<(d0, d1) -> (0, 0)>
#map1 = affine_map<(d0, d1) -> (0, 0, 0)>
module attributes {stable_mosaic.version = 14 : i64} {
  func.func @_edge_kernel(%arg0: i32, %arg1: i32, %arg2: memref<10000x128xf32, #tpu.memory_space<hbm>>, %arg3: memref<2x320000xi32, #tpu.memory_space<hbm>>, %arg4: memref<2x10240x128xf32, #tpu.memory_space<hbm>>, %arg5: memref<2x128xi32, #tpu.memory_space<vmem>>, %arg6: memref<2x128xi32, #tpu.memory_space<vmem>>, %arg7: memref<2x128x128xf32, #tpu.memory_space<vmem>>, %arg8: memref<16x128xf32, #tpu.memory_space<vmem>>, %arg9: memref<10240x128xf32, #tpu.memory_space<vmem_shared>>, %arg10: memref<!tpu.dma_semaphore, #tpu.memory_space<semaphore_mem>>, %arg11: memref<!tpu.dma_semaphore, #tpu.memory_space<semaphore_mem>>, %arg12: memref<!tpu.dma_semaphore, #tpu.memory_space<semaphore_mem>>, %arg13: memref<!tpu.dma_semaphore, #tpu.memory_space<semaphore_mem>>, %arg14: memref<!tpu.dma_semaphore, #tpu.memory_space<semaphore_mem>>, %arg15: memref<!tpu.dma_semaphore, #tpu.memory_space<semaphore_mem>>, %arg16: memref<!tpu.dma_semaphore, #tpu.memory_space<semaphore_mem>>, %arg17: memref<!tpu.dma_semaphore, #tpu.memory_space<semaphore_mem>>) attributes {dimension_semantics = [#tpu.dimension_semantics<core_parallel>, #tpu.dimension_semantics<subcore_parallel>], iteration_bounds = array<i64: 2, 16>, scalar_prefetch = 0 : i64, scratch_operands = 13 : i64, tpu.core_type = #tpu.core_type<sc_vector_subcore>, window_params = [{transform_indices = #map}, {transform_indices = #map}, {transform_indices = #map1}]} {
    %mul3A = arith.constant 16 : i32
    %mul3A_0 = arith.muli %arg0, %mul3A : i32
    %add3A = arith.addi %mul3A_0, %arg1 : i32
    %mul3A_1 = arith.constant 78 : i32
    %mul3A_2 = arith.muli %add3A, %mul3A_1 : i32
    %scan3A = arith.constant 0 : i32
    %scan3A_3 = arith.constant 128 : i32
    %scan3A_4 = arith.addi %scan3A, %scan3A_3 : i32
    %scan3A_5 = arith.constant 1 : i32
    scf.for %scan3A_86 = %scan3A to %scan3A_4 step %scan3A_5  : i32 {
      %jit3A = arith.constant 8 : i32
      %div3A = arith.divsi %scan3A_86, %jit3A : i32
      %sign3A = arith.constant 0 : i32
      %sign3A_87 = arith.cmpi sgt, %scan3A_86, %sign3A : i32
      %sign3A_88 = arith.extui %sign3A_87 : i1 to i32
      %sign3A_89 = arith.constant 0 : i32
      %sign3A_90 = arith.cmpi slt, %scan3A_86, %sign3A_89 : i32
      %sign3A_91 = arith.extui %sign3A_90 : i1 to i32
      %sign3A_92 = arith.subi %sign3A_88, %sign3A_91 : i32
      %sign3A_93 = arith.constant 0 : i32
      %sign3A_94 = arith.cmpi sgt, %jit3A, %sign3A_93 : i32
      %sign3A_95 = arith.extui %sign3A_94 : i1 to i32
      %sign3A_96 = arith.constant 0 : i32
      %sign3A_97 = arith.cmpi slt, %jit3A, %sign3A_96 : i32
      %sign3A_98 = arith.extui %sign3A_97 : i1 to i32
      %sign3A_99 = arith.subi %sign3A_95, %sign3A_98 : i32
      %ne3A = arith.cmpi ne, %sign3A_92, %sign3A_99 : i32
      %rem3A = arith.remsi %scan3A_86, %jit3A : i32
      %ne3A_100 = arith.constant 0 : i32
      %ne3A_101 = arith.cmpi ne, %rem3A, %ne3A_100 : i32
      %and3A = arith.andi %ne3A, %ne3A_101 : i1
      %sub3A = arith.constant 1 : i32
      %sub3A_102 = arith.subi %div3A, %sub3A : i32
      %select_n3A = arith.select %and3A, %sub3A_102, %div3A : i32
      %jit3A_103 = arith.constant 8 : i32
      %eq3A = arith.constant 0 : i32
      %eq3A_104 = arith.cmpi eq, %jit3A_103, %eq3A : i32
      %jit3A_105 = arith.constant 1 : i32
      %select_n3A_106 = arith.select %eq3A_104, %jit3A_105, %jit3A_103 : i32
      %rem3A_107 = arith.remsi %scan3A_86, %select_n3A_106 : i32
      %ne3A_108 = arith.constant 0 : i32
      %ne3A_109 = arith.cmpi ne, %rem3A_107, %ne3A_108 : i32
      %lt3A_110 = arith.constant 0 : i32
      %lt3A_111 = arith.cmpi slt, %rem3A_107, %lt3A_110 : i32
      %lt3A_112 = arith.constant 0 : i32
      %lt3A_113 = arith.cmpi slt, %select_n3A_106, %lt3A_112 : i32
      %ne3A_114 = arith.xori %lt3A_111, %lt3A_113 : i1
      %and3A_115 = arith.andi %ne3A_114, %ne3A_109 : i1
      %add3A_116 = arith.addi %rem3A_107, %select_n3A_106 : i32
      %select_n3A_117 = arith.select %and3A_115, %add3A_116, %rem3A_107 : i32
      %mul3A_118 = arith.constant 16 : i32
      %mul3A_119 = arith.muli %select_n3A_117, %mul3A_118 : i32
      %broadcast_in_dim3A = arith.constant 0.000000e+00 : f32
      %broadcast_in_dim3A_120 = vector.broadcast %broadcast_in_dim3A : f32 to vector<16xf32>
      %swap3A = arith.index_cast %select_n3A : i32 to index
      %swap3A_121 = arith.index_cast %mul3A_119 : i32 to index
      %swap3A_122 = tpu.vector_load %arg8[%swap3A, %swap3A_121] {strides = array<i32>} : memref<16x128xf32, #tpu.memory_space<vmem>>, vector<1x16xf32>,
      %swap3A_123 = vector.shape_cast %swap3A_122 : vector<1x16xf32> to vector<16xf32>
      %swap3A_124 = vector.shape_cast %broadcast_in_dim3A_120 : vector<16xf32> to vector<1x16xf32>
      tpu.vector_store %arg8[%swap3A, %swap3A_121], %swap3A_124 {strides = array<i32>} : memref<16x128xf32, #tpu.memory_space<vmem>>, vector<1x16xf32>,
    }
    %scan3A_6 = arith.constant 128 : i32
    %scan3A_7 = arith.constant 0 : i32
    %scan3A_8 = arith.constant 40 : i32
    %scan3A_9 = arith.addi %scan3A_7, %scan3A_8 : i32
    %scan3A_10 = arith.constant 1 : i32
    scf.for %scan3A_86 = %scan3A_7 to %scan3A_9 step %scan3A_10  : i32 {
      %mul3A_87 = arith.constant 640 : i32
      %mul3A_88 = arith.muli %arg1, %mul3A_87 : i32
      %mul3A_89 = arith.constant 16 : i32
      %mul3A_90 = arith.muli %scan3A_86, %mul3A_89 : i32
      %add3A_91 = arith.addi %mul3A_88, %mul3A_90 : i32
      "tpu.region"() ({
        %run_scoped3A_92 = tpu.sem_alloc : memref<!tpu.dma_semaphore, #tpu.memory_space<semaphore_mem>>
        %dma_start3A_93 = arith.constant 0 : i32
        %dma_start3A_94 = tpu.memref_slice %arg9[%add3A_91, %dma_start3A_93] : memref<10240x128xf32, #tpu.memory_space<vmem_shared>> -> memref<16x128xf32, #tpu.memory_space<vmem_shared>>
        %dma_start3A_95 = arith.constant 0 : i32
        %dma_start3A_96 = tpu.memref_slice %arg9[%add3A_91, %dma_start3A_95] : memref<10240x128xf32, #tpu.memory_space<vmem_shared>> -> memref<16x128xf32, #tpu.memory_space<vmem_shared>>
        tpu.enqueue_dma source(%arg8 : memref<16x128xf32, #tpu.memory_space<vmem>>) target(%dma_start3A_96 : memref<16x128xf32, #tpu.memory_space<vmem_shared>>) target_semaphore(%run_scoped3A_92 : memref<!tpu.dma_semaphore, #tpu.memory_space<semaphore_mem>>)
        %dma_wait3A_97 = arith.constant 0 : i32
        %dma_wait3A_98 = tpu.memref_slice %arg9[%add3A_91, %dma_wait3A_97] : memref<10240x128xf32, #tpu.memory_space<vmem_shared>> -> memref<16x128xf32, #tpu.memory_space<vmem_shared>>
        %dma_wait3A_99 = arith.constant 0 : i32
        %dma_wait3A_100 = tpu.memref_slice %arg9[%add3A_91, %dma_wait3A_99] : memref<10240x128xf32, #tpu.memory_space<vmem_shared>> -> memref<16x128xf32, #tpu.memory_space<vmem_shared>>
        tpu.wait_dma2 semaphore(%run_scoped3A_92 : memref<!tpu.dma_semaphore, #tpu.memory_space<semaphore_mem>>) src(%arg8 : memref<16x128xf32, #tpu.memory_space<vmem>>) dst(%dma_wait3A_100 : memref<16x128xf32, #tpu.memory_space<vmem_shared>>)
        tpu.yield
      }) : () -> ()
    }
    %scan3A_11 = arith.constant 40 : i32
    %barrier3A = arith.constant 0 : index
    tpu.barrier barrier_id(%barrier3A)
    %mul3A_12 = arith.constant 128 : i32
    %mul3A_13 = arith.muli %mul3A_2, %mul3A_12 : i32
    %run_scoped3A = arith.constant 0 : i32
    %run_scoped3A_14 = arith.constant 0 : i32
    "tpu.region"() ({
      %run_scoped3A_86 = tpu.sem_alloc : memref<!tpu.dma_semaphore, #tpu.memory_space<semaphore_mem>>
      %dma_start3A_87 = arith.constant 0 : i32
      %dma_start3A_88 = tpu.memref_slice %arg5[%run_scoped3A_14, %dma_start3A_87] : memref<2x128xi32, #tpu.memory_space<vmem>> -> memref<1x128xi32, #tpu.memory_space<vmem>>
      %dma_start3A_89 = tpu.memref_squeeze %dma_start3A_88 : memref<1x128xi32, #tpu.memory_space<vmem>> -> memref<128xi32, #tpu.memory_space<vmem>>
      %dma_start3A_90 = tpu.memref_slice %arg3[%run_scoped3A, %mul3A_13] : memref<2x320000xi32, #tpu.memory_space<hbm>> -> memref<1x128xi32, #tpu.memory_space<hbm>>
      %dma_start3A_91 = tpu.memref_squeeze %dma_start3A_90 : memref<1x128xi32, #tpu.memory_space<hbm>> -> memref<128xi32, #tpu.memory_space<hbm>>
      %dma_start3A_92 = arith.constant 0 : i32
      %dma_start3A_93 = tpu.memref_slice %arg5[%run_scoped3A_14, %dma_start3A_92] : memref<2x128xi32, #tpu.memory_space<vmem>> -> memref<1x128xi32, #tpu.memory_space<vmem>>
      %dma_start3A_94 = tpu.memref_squeeze %dma_start3A_93 : memref<1x128xi32, #tpu.memory_space<vmem>> -> memref<128xi32, #tpu.memory_space<vmem>>
      %dma_start3A_95 = tpu.memref_slice %arg3[%run_scoped3A, %mul3A_13] : memref<2x320000xi32, #tpu.memory_space<hbm>> -> memref<1x128xi32, #tpu.memory_space<hbm>>
      %dma_start3A_96 = tpu.memref_squeeze %dma_start3A_95 : memref<1x128xi32, #tpu.memory_space<hbm>> -> memref<128xi32, #tpu.memory_space<hbm>>
      tpu.enqueue_dma source(%dma_start3A_96 : memref<128xi32, #tpu.memory_space<hbm>>) target(%dma_start3A_94 : memref<128xi32, #tpu.memory_space<vmem>>) target_semaphore(%run_scoped3A_86 : memref<!tpu.dma_semaphore, #tpu.memory_space<semaphore_mem>>)
      %dma_wait3A_97 = arith.constant 0 : i32
      %dma_wait3A_98 = tpu.memref_slice %arg5[%run_scoped3A_14, %dma_wait3A_97] : memref<2x128xi32, #tpu.memory_space<vmem>> -> memref<1x128xi32, #tpu.memory_space<vmem>>
      %dma_wait3A_99 = tpu.memref_squeeze %dma_wait3A_98 : memref<1x128xi32, #tpu.memory_space<vmem>> -> memref<128xi32, #tpu.memory_space<vmem>>
      %dma_wait3A_100 = tpu.memref_slice %arg3[%run_scoped3A, %mul3A_13] : memref<2x320000xi32, #tpu.memory_space<hbm>> -> memref<1x128xi32, #tpu.memory_space<hbm>>
      %dma_wait3A_101 = tpu.memref_squeeze %dma_wait3A_100 : memref<1x128xi32, #tpu.memory_space<hbm>> -> memref<128xi32, #tpu.memory_space<hbm>>
      %dma_wait3A_102 = arith.constant 0 : i32
      %dma_wait3A_103 = tpu.memref_slice %arg5[%run_scoped3A_14, %dma_wait3A_102] : memref<2x128xi32, #tpu.memory_space<vmem>> -> memref<1x128xi32, #tpu.memory_space<vmem>>
      %dma_wait3A_104 = tpu.memref_squeeze %dma_wait3A_103 : memref<1x128xi32, #tpu.memory_space<vmem>> -> memref<128xi32, #tpu.memory_space<vmem>>
      %dma_wait3A_105 = tpu.memref_slice %arg3[%run_scoped3A, %mul3A_13] : memref<2x320000xi32, #tpu.memory_space<hbm>> -> memref<1x128xi32, #tpu.memory_space<hbm>>
      %dma_wait3A_106 = tpu.memref_squeeze %dma_wait3A_105 : memref<1x128xi32, #tpu.memory_space<hbm>> -> memref<128xi32, #tpu.memory_space<hbm>>
      tpu.wait_dma2 semaphore(%run_scoped3A_86 : memref<!tpu.dma_semaphore, #tpu.memory_space<semaphore_mem>>) src(%dma_wait3A_106 : memref<128xi32, #tpu.memory_space<hbm>>) dst(%dma_wait3A_104 : memref<128xi32, #tpu.memory_space<vmem>>)
      tpu.yield
    }) : () -> ()
    %mul3A_15 = arith.constant 128 : i32
    %mul3A_16 = arith.muli %mul3A_2, %mul3A_15 : i32
    %run_scoped3A_17 = arith.constant 1 : i32
    %run_scoped3A_18 = arith.constant 0 : i32
    "tpu.region"() ({
      %run_scoped3A_86 = tpu.sem_alloc : memref<!tpu.dma_semaphore, #tpu.memory_space<semaphore_mem>>
      %dma_start3A_87 = arith.constant 0 : i32
      %dma_start3A_88 = tpu.memref_slice %arg6[%run_scoped3A_18, %dma_start3A_87] : memref<2x128xi32, #tpu.memory_space<vmem>> -> memref<1x128xi32, #tpu.memory_space<vmem>>
      %dma_start3A_89 = tpu.memref_squeeze %dma_start3A_88 : memref<1x128xi32, #tpu.memory_space<vmem>> -> memref<128xi32, #tpu.memory_space<vmem>>
      %dma_start3A_90 = tpu.memref_slice %arg3[%run_scoped3A_17, %mul3A_16] : memref<2x320000xi32, #tpu.memory_space<hbm>> -> memref<1x128xi32, #tpu.memory_space<hbm>>
      %dma_start3A_91 = tpu.memref_squeeze %dma_start3A_90 : memref<1x128xi32, #tpu.memory_space<hbm>> -> memref<128xi32, #tpu.memory_space<hbm>>
      %dma_start3A_92 = arith.constant 0 : i32
      %dma_start3A_93 = tpu.memref_slice %arg6[%run_scoped3A_18, %dma_start3A_92] : memref<2x128xi32, #tpu.memory_space<vmem>> -> memref<1x128xi32, #tpu.memory_space<vmem>>
      %dma_start3A_94 = tpu.memref_squeeze %dma_start3A_93 : memref<1x128xi32, #tpu.memory_space<vmem>> -> memref<128xi32, #tpu.memory_space<vmem>>
      %dma_start3A_95 = tpu.memref_slice %arg3[%run_scoped3A_17, %mul3A_16] : memref<2x320000xi32, #tpu.memory_space<hbm>> -> memref<1x128xi32, #tpu.memory_space<hbm>>
      %dma_start3A_96 = tpu.memref_squeeze %dma_start3A_95 : memref<1x128xi32, #tpu.memory_space<hbm>> -> memref<128xi32, #tpu.memory_space<hbm>>
      tpu.enqueue_dma source(%dma_start3A_96 : memref<128xi32, #tpu.memory_space<hbm>>) target(%dma_start3A_94 : memref<128xi32, #tpu.memory_space<vmem>>) target_semaphore(%run_scoped3A_86 : memref<!tpu.dma_semaphore, #tpu.memory_space<semaphore_mem>>)
      %dma_wait3A_97 = arith.constant 0 : i32
      %dma_wait3A_98 = tpu.memref_slice %arg6[%run_scoped3A_18, %dma_wait3A_97] : memref<2x128xi32, #tpu.memory_space<vmem>> -> memref<1x128xi32, #tpu.memory_space<vmem>>
      %dma_wait3A_99 = tpu.memref_squeeze %dma_wait3A_98 : memref<1x128xi32, #tpu.memory_space<vmem>> -> memref<128xi32, #tpu.memory_space<vmem>>
      %dma_wait3A_100 = tpu.memref_slice %arg3[%run_scoped3A_17, %mul3A_16] : memref<2x320000xi32, #tpu.memory_space<hbm>> -> memref<1x128xi32, #tpu.memory_space<hbm>>
      %dma_wait3A_101 = tpu.memref_squeeze %dma_wait3A_100 : memref<1x128xi32, #tpu.memory_space<hbm>> -> memref<128xi32, #tpu.memory_space<hbm>>
      %dma_wait3A_102 = arith.constant 0 : i32
      %dma_wait3A_103 = tpu.memref_slice %arg6[%run_scoped3A_18, %dma_wait3A_102] : memref<2x128xi32, #tpu.memory_space<vmem>> -> memref<1x128xi32, #tpu.memory_space<vmem>>
      %dma_wait3A_104 = tpu.memref_squeeze %dma_wait3A_103 : memref<1x128xi32, #tpu.memory_space<vmem>> -> memref<128xi32, #tpu.memory_space<vmem>>
      %dma_wait3A_105 = tpu.memref_slice %arg3[%run_scoped3A_17, %mul3A_16] : memref<2x320000xi32, #tpu.memory_space<hbm>> -> memref<1x128xi32, #tpu.memory_space<hbm>>
      %dma_wait3A_106 = tpu.memref_squeeze %dma_wait3A_105 : memref<1x128xi32, #tpu.memory_space<hbm>> -> memref<128xi32, #tpu.memory_space<hbm>>
      tpu.wait_dma2 semaphore(%run_scoped3A_86 : memref<!tpu.dma_semaphore, #tpu.memory_space<semaphore_mem>>) src(%dma_wait3A_106 : memref<128xi32, #tpu.memory_space<hbm>>) dst(%dma_wait3A_104 : memref<128xi32, #tpu.memory_space<vmem>>)
      tpu.yield
    }) : () -> ()
    %add3A_19 = arith.constant 1 : i32
    %add3A_20 = arith.addi %mul3A_2, %add3A_19 : i32
    %mul3A_21 = arith.constant 128 : i32
    %mul3A_22 = arith.muli %add3A_20, %mul3A_21 : i32
    %dma_start3A = arith.constant 0 : i32
    %dma_start3A_23 = arith.constant 1 : i32
    %dma_start3A_24 = arith.constant 0 : i32
    %dma_start3A_25 = tpu.memref_slice %arg5[%dma_start3A_23, %dma_start3A_24] : memref<2x128xi32, #tpu.memory_space<vmem>> -> memref<1x128xi32, #tpu.memory_space<vmem>>
    %dma_start3A_26 = tpu.memref_squeeze %dma_start3A_25 : memref<1x128xi32, #tpu.memory_space<vmem>> -> memref<128xi32, #tpu.memory_space<vmem>>
    %dma_start3A_27 = tpu.memref_slice %arg3[%dma_start3A, %mul3A_22] : memref<2x320000xi32, #tpu.memory_space<hbm>> -> memref<1x128xi32, #tpu.memory_space<hbm>>
    %dma_start3A_28 = tpu.memref_squeeze %dma_start3A_27 : memref<1x128xi32, #tpu.memory_space<hbm>> -> memref<128xi32, #tpu.memory_space<hbm>>
    %dma_start3A_29 = arith.constant 0 : i32
    %dma_start3A_30 = tpu.memref_slice %arg5[%dma_start3A_23, %dma_start3A_29] : memref<2x128xi32, #tpu.memory_space<vmem>> -> memref<1x128xi32, #tpu.memory_space<vmem>>
    %dma_start3A_31 = tpu.memref_squeeze %dma_start3A_30 : memref<1x128xi32, #tpu.memory_space<vmem>> -> memref<128xi32, #tpu.memory_space<vmem>>
    %dma_start3A_32 = tpu.memref_slice %arg3[%dma_start3A, %mul3A_22] : memref<2x320000xi32, #tpu.memory_space<hbm>> -> memref<1x128xi32, #tpu.memory_space<hbm>>
    %dma_start3A_33 = tpu.memref_squeeze %dma_start3A_32 : memref<1x128xi32, #tpu.memory_space<hbm>> -> memref<128xi32, #tpu.memory_space<hbm>>
    tpu.enqueue_dma source(%dma_start3A_33 : memref<128xi32, #tpu.memory_space<hbm>>) target(%dma_start3A_31 : memref<128xi32, #tpu.memory_space<vmem>>) target_semaphore(%arg13 : memref<!tpu.dma_semaphore, #tpu.memory_space<semaphore_mem>>)
    %add3A_34 = arith.constant 1 : i32
    %add3A_35 = arith.addi %mul3A_2, %add3A_34 : i32
    %mul3A_36 = arith.constant 128 : i32
    %mul3A_37 = arith.muli %add3A_35, %mul3A_36 : i32
    %dma_start3A_38 = arith.constant 1 : i32
    %dma_start3A_39 = arith.constant 1 : i32
    %dma_start3A_40 = arith.constant 0 : i32
    %dma_start3A_41 = tpu.memref_slice %arg6[%dma_start3A_39, %dma_start3A_40] : memref<2x128xi32, #tpu.memory_space<vmem>> -> memref<1x128xi32, #tpu.memory_space<vmem>>
    %dma_start3A_42 = tpu.memref_squeeze %dma_start3A_41 : memref<1x128xi32, #tpu.memory_space<vmem>> -> memref<128xi32, #tpu.memory_space<vmem>>
    %dma_start3A_43 = tpu.memref_slice %arg3[%dma_start3A_38, %mul3A_37] : memref<2x320000xi32, #tpu.memory_space<hbm>> -> memref<1x128xi32, #tpu.memory_space<hbm>>
    %dma_start3A_44 = tpu.memref_squeeze %dma_start3A_43 : memref<1x128xi32, #tpu.memory_space<hbm>> -> memref<128xi32, #tpu.memory_space<hbm>>
    %dma_start3A_45 = arith.constant 0 : i32
    %dma_start3A_46 = tpu.memref_slice %arg6[%dma_start3A_39, %dma_start3A_45] : memref<2x128xi32, #tpu.memory_space<vmem>> -> memref<1x128xi32, #tpu.memory_space<vmem>>
    %dma_start3A_47 = tpu.memref_squeeze %dma_start3A_46 : memref<1x128xi32, #tpu.memory_space<vmem>> -> memref<128xi32, #tpu.memory_space<vmem>>
    %dma_start3A_48 = tpu.memref_slice %arg3[%dma_start3A_38, %mul3A_37] : memref<2x320000xi32, #tpu.memory_space<hbm>> -> memref<1x128xi32, #tpu.memory_space<hbm>>
    %dma_start3A_49 = tpu.memref_squeeze %dma_start3A_48 : memref<1x128xi32, #tpu.memory_space<hbm>> -> memref<128xi32, #tpu.memory_space<hbm>>
    tpu.enqueue_dma source(%dma_start3A_49 : memref<128xi32, #tpu.memory_space<hbm>>) target(%dma_start3A_47 : memref<128xi32, #tpu.memory_space<vmem>>) target_semaphore(%arg15 : memref<!tpu.dma_semaphore, #tpu.memory_space<semaphore_mem>>)
    %dma_start3A_50 = arith.constant 0 : i32
    %dma_start3A_51 = arith.constant 0 : i32
    %dma_start3A_52 = arith.constant 0 : i32
    %dma_start3A_53 = arith.constant 0 : i32
    %dma_start3A_54 = tpu.memref_slice %arg7[%dma_start3A_51, %dma_start3A_52, %dma_start3A_53] : memref<2x128x128xf32, #tpu.memory_space<vmem>> -> memref<1x128x128xf32, #tpu.memory_space<vmem>>
    %dma_start3A_55 = tpu.memref_squeeze %dma_start3A_54 : memref<1x128x128xf32, #tpu.memory_space<vmem>> -> memref<128x128xf32, #tpu.memory_space<vmem>>
    %dma_start3A_56 = arith.constant 0 : i32
    %dma_start3A_57 = tpu.memref_slice %arg5[%dma_start3A_50, %dma_start3A_56] : memref<2x128xi32, #tpu.memory_space<vmem>> -> memref<1x128xi32, #tpu.memory_space<vmem>>
    %dma_start3A_58 = tpu.memref_squeeze %dma_start3A_57 : memref<1x128xi32, #tpu.memory_space<vmem>> -> memref<128xi32, #tpu.memory_space<vmem>>
    %dma_start3A_59 = arith.constant 0 : i32
    %dma_start3A_60 = arith.constant 0 : i32
    %dma_start3A_61 = tpu.memref_slice %arg2[%dma_start3A_59, %dma_start3A_60] : memref<10000x128xf32, #tpu.memory_space<hbm>> -> memref<10000x128xf32, #tpu.memory_space<hbm>>
    tpu.enqueue_indirect_dma source(%dma_start3A_61 : memref<10000x128xf32, #tpu.memory_space<hbm>>) target(%dma_start3A_55 : memref<128x128xf32, #tpu.memory_space<vmem>>) offsets(%dma_start3A_58 : memref<128xi32, #tpu.memory_space<vmem>>) semaphore(%arg10 : memref<!tpu.dma_semaphore, #tpu.memory_space<semaphore_mem>>)
    %scan3A_62 = arith.constant 0 : i32
    %scan3A_63 = arith.constant 39 : i32
    %scan3A_64 = arith.addi %scan3A_62, %scan3A_63 : i32
    %scan3A_65 = arith.constant 1 : i32
    scf.for %scan3A_86 = %scan3A_62 to %scan3A_64 step %scan3A_65  : i32 {
      %mul3A_87 = arith.constant 2 : i32
      %mul3A_88 = arith.muli %mul3A_87, %scan3A_86 : i32
      %add3A_89 = arith.addi %mul3A_2, %mul3A_88 : i32
      %mul3A_90 = arith.constant 128 : i32
      %mul3A_91 = arith.muli %add3A_89, %mul3A_90 : i32
      %lt3A_92 = arith.constant 38 : i32
      %lt3A_93 = arith.cmpi slt, %scan3A_86, %lt3A_92 : i32
      %dma_wait3A_94 = arith.constant 0 : i32
      %dma_wait3A_95 = arith.constant 0 : i32
      %dma_wait3A_96 = arith.constant 0 : i32
      %dma_wait3A_97 = tpu.memref_slice %arg7[%dma_wait3A_94, %dma_wait3A_95, %dma_wait3A_96] : memref<2x128x128xf32, #tpu.memory_space<vmem>> -> memref<1x128x128xf32, #tpu.memory_space<vmem>>
      %dma_wait3A_98 = tpu.memref_squeeze %dma_wait3A_97 : memref<1x128x128xf32, #tpu.memory_space<vmem>> -> memref<128x128xf32, #tpu.memory_space<vmem>>
      %dma_wait3A_99 = arith.constant 0 : i32
      %dma_wait3A_100 = arith.constant 0 : i32
      %dma_wait3A_101 = tpu.memref_slice %arg2[%dma_wait3A_99, %dma_wait3A_100] : memref<10000x128xf32, #tpu.memory_space<hbm>> -> memref<128x128xf32, #tpu.memory_space<hbm>>
      %dma_wait3A_102 = arith.constant 0 : i32
      %dma_wait3A_103 = arith.constant 0 : i32
      %dma_wait3A_104 = tpu.memref_slice %arg7[%dma_wait3A_94, %dma_wait3A_102, %dma_wait3A_103] : memref<2x128x128xf32, #tpu.memory_space<vmem>> -> memref<1x128x128xf32, #tpu.memory_space<vmem>>
      %dma_wait3A_105 = tpu.memref_squeeze %dma_wait3A_104 : memref<1x128x128xf32, #tpu.memory_space<vmem>> -> memref<128x128xf32, #tpu.memory_space<vmem>>
      %dma_wait3A_106 = arith.constant 0 : i32
      %dma_wait3A_107 = arith.constant 0 : i32
      %dma_wait3A_108 = tpu.memref_slice %arg2[%dma_wait3A_106, %dma_wait3A_107] : memref<10000x128xf32, #tpu.memory_space<hbm>> -> memref<128x128xf32, #tpu.memory_space<hbm>>
      tpu.wait_dma2 semaphore(%arg10 : memref<!tpu.dma_semaphore, #tpu.memory_space<semaphore_mem>>) src(%dma_wait3A_108 : memref<128x128xf32, #tpu.memory_space<hbm>>) dst(%dma_wait3A_105 : memref<128x128xf32, #tpu.memory_space<vmem>>)
      %gt3A = arith.constant 0 : i32
      %gt3A_109 = arith.cmpi sgt, %scan3A_86, %gt3A : i32
      %convert_element_type3A_110 = arith.extui %gt3A_109 : i1 to i32
      %cond3A_111 = arith.constant 0 : i32
      %cond3A_112 = arith.cmpi ne, %convert_element_type3A_110, %cond3A_111 : i32
      scf.if %cond3A_112 {
        %dma_wait3A_212 = arith.constant 0 : i32
        %dma_wait3A_213 = arith.constant 0 : i32
        %dma_wait3A_214 = arith.constant 0 : i32
        %dma_wait3A_215 = tpu.memref_slice %arg6[%dma_wait3A_213, %dma_wait3A_214] : memref<2x128xi32, #tpu.memory_space<vmem>> -> memref<1x128xi32, #tpu.memory_space<vmem>>
        %dma_wait3A_216 = tpu.memref_squeeze %dma_wait3A_215 : memref<1x128xi32, #tpu.memory_space<vmem>> -> memref<128xi32, #tpu.memory_space<vmem>>
        %dma_wait3A_217 = arith.constant 0 : i32
        %dma_wait3A_218 = tpu.memref_slice %arg3[%dma_wait3A_212, %dma_wait3A_217] : memref<2x320000xi32, #tpu.memory_space<hbm>> -> memref<1x128xi32, #tpu.memory_space<hbm>>
        %dma_wait3A_219 = tpu.memref_squeeze %dma_wait3A_218 : memref<1x128xi32, #tpu.memory_space<hbm>> -> memref<128xi32, #tpu.memory_space<hbm>>
        %dma_wait3A_220 = arith.constant 0 : i32
        %dma_wait3A_221 = tpu.memref_slice %arg6[%dma_wait3A_213, %dma_wait3A_220] : memref<2x128xi32, #tpu.memory_space<vmem>> -> memref<1x128xi32, #tpu.memory_space<vmem>>
        %dma_wait3A_222 = tpu.memref_squeeze %dma_wait3A_221 : memref<1x128xi32, #tpu.memory_space<vmem>> -> memref<128xi32, #tpu.memory_space<vmem>>
        %dma_wait3A_223 = arith.constant 0 : i32
        %dma_wait3A_224 = tpu.memref_slice %arg3[%dma_wait3A_212, %dma_wait3A_223] : memref<2x320000xi32, #tpu.memory_space<hbm>> -> memref<1x128xi32, #tpu.memory_space<hbm>>
        %dma_wait3A_225 = tpu.memref_squeeze %dma_wait3A_224 : memref<1x128xi32, #tpu.memory_space<hbm>> -> memref<128xi32, #tpu.memory_space<hbm>>
        tpu.wait_dma2 semaphore(%arg14 : memref<!tpu.dma_semaphore, #tpu.memory_space<semaphore_mem>>) src(%dma_wait3A_225 : memref<128xi32, #tpu.memory_space<hbm>>) dst(%dma_wait3A_222 : memref<128xi32, #tpu.memory_space<vmem>>)
      } else {
      }
      %dma_start3A_113 = arith.constant 0 : i32
      %dma_start3A_114 = arith.constant 0 : i32
      %dma_start3A_115 = arith.constant 0 : i32
      %dma_start3A_116 = arith.constant 0 : i32
      %dma_start3A_117 = tpu.memref_slice %arg7[%dma_start3A_113, %dma_start3A_115, %dma_start3A_116] : memref<2x128x128xf32, #tpu.memory_space<vmem>> -> memref<1x128x128xf32, #tpu.memory_space<vmem>>
      %dma_start3A_118 = tpu.memref_squeeze %dma_start3A_117 : memref<1x128x128xf32, #tpu.memory_space<vmem>> -> memref<128x128xf32, #tpu.memory_space<vmem>>
      %dma_start3A_119 = arith.constant 0 : i32
      %dma_start3A_120 = tpu.memref_slice %arg6[%dma_start3A_114, %dma_start3A_119] : memref<2x128xi32, #tpu.memory_space<vmem>> -> memref<1x128xi32, #tpu.memory_space<vmem>>
      %dma_start3A_121 = tpu.memref_squeeze %dma_start3A_120 : memref<1x128xi32, #tpu.memory_space<vmem>> -> memref<128xi32, #tpu.memory_space<vmem>>
      %dma_start3A_122 = arith.constant 0 : i32
      %dma_start3A_123 = arith.constant 0 : i32
      %dma_start3A_124 = tpu.memref_slice %arg9[%dma_start3A_122, %dma_start3A_123] : memref<10240x128xf32, #tpu.memory_space<vmem_shared>> -> memref<10240x128xf32, #tpu.memory_space<vmem_shared>>
      tpu.enqueue_indirect_dma source(%dma_start3A_118 : memref<128x128xf32, #tpu.memory_space<vmem>>) target(%dma_start3A_124 : memref<10240x128xf32, #tpu.memory_space<vmem_shared>>) offsets(%dma_start3A_121 : memref<128xi32, #tpu.memory_space<vmem>>) semaphore(%arg16 : memref<!tpu.dma_semaphore, #tpu.memory_space<semaphore_mem>>) {add = true}
      %convert_element_type3A_125 = arith.extui %lt3A_93 : i1 to i32
      %cond3A_126 = arith.constant 0 : i32
      %cond3A_127 = arith.cmpi ne, %convert_element_type3A_125, %cond3A_126 : i32
      scf.if %cond3A_127 {
        %add3A_212 = arith.constant 256 : i32
        %add3A_213 = arith.addi %mul3A_91, %add3A_212 : i32
        %dma_start3A_214 = arith.constant 0 : i32
        %dma_start3A_215 = arith.constant 0 : i32
        %dma_start3A_216 = arith.constant 0 : i32
        %dma_start3A_217 = tpu.memref_slice %arg5[%dma_start3A_215, %dma_start3A_216] : memref<2x128xi32, #tpu.memory_space<vmem>> -> memref<1x128xi32, #tpu.memory_space<vmem>>
        %dma_start3A_218 = tpu.memref_squeeze %dma_start3A_217 : memref<1x128xi32, #tpu.memory_space<vmem>> -> memref<128xi32, #tpu.memory_space<vmem>>
        %dma_start3A_219 = tpu.memref_slice %arg3[%dma_start3A_214, %add3A_213] : memref<2x320000xi32, #tpu.memory_space<hbm>> -> memref<1x128xi32, #tpu.memory_space<hbm>>
        %dma_start3A_220 = tpu.memref_squeeze %dma_start3A_219 : memref<1x128xi32, #tpu.memory_space<hbm>> -> memref<128xi32, #tpu.memory_space<hbm>>
        %dma_start3A_221 = arith.constant 0 : i32
        %dma_start3A_222 = tpu.memref_slice %arg5[%dma_start3A_215, %dma_start3A_221] : memref<2x128xi32, #tpu.memory_space<vmem>> -> memref<1x128xi32, #tpu.memory_space<vmem>>
        %dma_start3A_223 = tpu.memref_squeeze %dma_start3A_222 : memref<1x128xi32, #tpu.memory_space<vmem>> -> memref<128xi32, #tpu.memory_space<vmem>>
        %dma_start3A_224 = tpu.memref_slice %arg3[%dma_start3A_214, %add3A_213] : memref<2x320000xi32, #tpu.memory_space<hbm>> -> memref<1x128xi32, #tpu.memory_space<hbm>>
        %dma_start3A_225 = tpu.memref_squeeze %dma_start3A_224 : memref<1x128xi32, #tpu.memory_space<hbm>> -> memref<128xi32, #tpu.memory_space<hbm>>
        tpu.enqueue_dma source(%dma_start3A_225 : memref<128xi32, #tpu.memory_space<hbm>>) target(%dma_start3A_223 : memref<128xi32, #tpu.memory_space<vmem>>) target_semaphore(%arg12 : memref<!tpu.dma_semaphore, #tpu.memory_space<semaphore_mem>>)
      } else {
      }
      %dma_wait3A_128 = arith.constant 0 : i32
      %dma_wait3A_129 = arith.constant 1 : i32
      %dma_wait3A_130 = arith.constant 0 : i32
      %dma_wait3A_131 = tpu.memref_slice %arg5[%dma_wait3A_129, %dma_wait3A_130] : memref<2x128xi32, #tpu.memory_space<vmem>> -> memref<1x128xi32, #tpu.memory_space<vmem>>
      %dma_wait3A_132 = tpu.memref_squeeze %dma_wait3A_131 : memref<1x128xi32, #tpu.memory_space<vmem>> -> memref<128xi32, #tpu.memory_space<vmem>>
      %dma_wait3A_133 = arith.constant 0 : i32
      %dma_wait3A_134 = tpu.memref_slice %arg3[%dma_wait3A_128, %dma_wait3A_133] : memref<2x320000xi32, #tpu.memory_space<hbm>> -> memref<1x128xi32, #tpu.memory_space<hbm>>
      %dma_wait3A_135 = tpu.memref_squeeze %dma_wait3A_134 : memref<1x128xi32, #tpu.memory_space<hbm>> -> memref<128xi32, #tpu.memory_space<hbm>>
      %dma_wait3A_136 = arith.constant 0 : i32
      %dma_wait3A_137 = tpu.memref_slice %arg5[%dma_wait3A_129, %dma_wait3A_136] : memref<2x128xi32, #tpu.memory_space<vmem>> -> memref<1x128xi32, #tpu.memory_space<vmem>>
      %dma_wait3A_138 = tpu.memref_squeeze %dma_wait3A_137 : memref<1x128xi32, #tpu.memory_space<vmem>> -> memref<128xi32, #tpu.memory_space<vmem>>
      %dma_wait3A_139 = arith.constant 0 : i32
      %dma_wait3A_140 = tpu.memref_slice %arg3[%dma_wait3A_128, %dma_wait3A_139] : memref<2x320000xi32, #tpu.memory_space<hbm>> -> memref<1x128xi32, #tpu.memory_space<hbm>>
      %dma_wait3A_141 = tpu.memref_squeeze %dma_wait3A_140 : memref<1x128xi32, #tpu.memory_space<hbm>> -> memref<128xi32, #tpu.memory_space<hbm>>
      tpu.wait_dma2 semaphore(%arg13 : memref<!tpu.dma_semaphore, #tpu.memory_space<semaphore_mem>>) src(%dma_wait3A_141 : memref<128xi32, #tpu.memory_space<hbm>>) dst(%dma_wait3A_138 : memref<128xi32, #tpu.memory_space<vmem>>)
      %gt3A_142 = arith.constant 0 : i32
      %gt3A_143 = arith.cmpi sgt, %scan3A_86, %gt3A_142 : i32
      %convert_element_type3A_144 = arith.extui %gt3A_143 : i1 to i32
      %cond3A_145 = arith.constant 0 : i32
      %cond3A_146 = arith.cmpi ne, %convert_element_type3A_144, %cond3A_145 : i32
      scf.if %cond3A_146 {
        %dma_wait3A_212 = arith.constant 1 : i32
        %dma_wait3A_213 = arith.constant 1 : i32
        %dma_wait3A_214 = arith.constant 0 : i32
        %dma_wait3A_215 = arith.constant 0 : i32
        %dma_wait3A_216 = tpu.memref_slice %arg7[%dma_wait3A_212, %dma_wait3A_214, %dma_wait3A_215] : memref<2x128x128xf32, #tpu.memory_space<vmem>> -> memref<1x128x128xf32, #tpu.memory_space<vmem>>
        %dma_wait3A_217 = tpu.memref_squeeze %dma_wait3A_216 : memref<1x128x128xf32, #tpu.memory_space<vmem>> -> memref<128x128xf32, #tpu.memory_space<vmem>>
        %dma_wait3A_218 = arith.constant 0 : i32
        %dma_wait3A_219 = tpu.memref_slice %arg6[%dma_wait3A_213, %dma_wait3A_218] : memref<2x128xi32, #tpu.memory_space<vmem>> -> memref<1x128xi32, #tpu.memory_space<vmem>>
        %dma_wait3A_220 = tpu.memref_squeeze %dma_wait3A_219 : memref<1x128xi32, #tpu.memory_space<vmem>> -> memref<128xi32, #tpu.memory_space<vmem>>
        %dma_wait3A_221 = arith.constant 0 : i32
        %dma_wait3A_222 = arith.constant 0 : i32
        %dma_wait3A_223 = tpu.memref_slice %arg9[%dma_wait3A_221, %dma_wait3A_222] : memref<10240x128xf32, #tpu.memory_space<vmem_shared>> -> memref<10240x128xf32, #tpu.memory_space<vmem_shared>>
        tpu.wait_indirect_dma semaphore(%arg17 : memref<!tpu.dma_semaphore, #tpu.memory_space<semaphore_mem>>) src(%dma_wait3A_217 : memref<128x128xf32, #tpu.memory_space<vmem>>) dst(%dma_wait3A_223 : memref<10240x128xf32, #tpu.memory_space<vmem_shared>>)
        %add3A_224 = arith.constant 128 : i32
        %add3A_225 = arith.addi %mul3A_91, %add3A_224 : i32
        %dma_start3A_226 = arith.constant 1 : i32
        %dma_start3A_227 = arith.constant 1 : i32
        %dma_start3A_228 = arith.constant 0 : i32
        %dma_start3A_229 = tpu.memref_slice %arg6[%dma_start3A_227, %dma_start3A_228] : memref<2x128xi32, #tpu.memory_space<vmem>> -> memref<1x128xi32, #tpu.memory_space<vmem>>
        %dma_start3A_230 = tpu.memref_squeeze %dma_start3A_229 : memref<1x128xi32, #tpu.memory_space<vmem>> -> memref<128xi32, #tpu.memory_space<vmem>>
        %dma_start3A_231 = tpu.memref_slice %arg3[%dma_start3A_226, %add3A_225] : memref<2x320000xi32, #tpu.memory_space<hbm>> -> memref<1x128xi32, #tpu.memory_space<hbm>>
        %dma_start3A_232 = tpu.memref_squeeze %dma_start3A_231 : memref<1x128xi32, #tpu.memory_space<hbm>> -> memref<128xi32, #tpu.memory_space<hbm>>
        %dma_start3A_233 = arith.constant 0 : i32
        %dma_start3A_234 = tpu.memref_slice %arg6[%dma_start3A_227, %dma_start3A_233] : memref<2x128xi32, #tpu.memory_space<vmem>> -> memref<1x128xi32, #tpu.memory_space<vmem>>
        %dma_start3A_235 = tpu.memref_squeeze %dma_start3A_234 : memref<1x128xi32, #tpu.memory_space<vmem>> -> memref<128xi32, #tpu.memory_space<vmem>>
        %dma_start3A_236 = tpu.memref_slice %arg3[%dma_start3A_226, %add3A_225] : memref<2x320000xi32, #tpu.memory_space<hbm>> -> memref<1x128xi32, #tpu.memory_space<hbm>>
        %dma_start3A_237 = tpu.memref_squeeze %dma_start3A_236 : memref<1x128xi32, #tpu.memory_space<hbm>> -> memref<128xi32, #tpu.memory_space<hbm>>
        tpu.enqueue_dma source(%dma_start3A_237 : memref<128xi32, #tpu.memory_space<hbm>>) target(%dma_start3A_235 : memref<128xi32, #tpu.memory_space<vmem>>) target_semaphore(%arg15 : memref<!tpu.dma_semaphore, #tpu.memory_space<semaphore_mem>>)
      } else {
      }
      %dma_start3A_147 = arith.constant 1 : i32
      %dma_start3A_148 = arith.constant 1 : i32
      %dma_start3A_149 = arith.constant 0 : i32
      %dma_start3A_150 = arith.constant 0 : i32
      %dma_start3A_151 = tpu.memref_slice %arg7[%dma_start3A_148, %dma_start3A_149, %dma_start3A_150] : memref<2x128x128xf32, #tpu.memory_space<vmem>> -> memref<1x128x128xf32, #tpu.memory_space<vmem>>
      %dma_start3A_152 = tpu.memref_squeeze %dma_start3A_151 : memref<1x128x128xf32, #tpu.memory_space<vmem>> -> memref<128x128xf32, #tpu.memory_space<vmem>>
      %dma_start3A_153 = arith.constant 0 : i32
      %dma_start3A_154 = tpu.memref_slice %arg5[%dma_start3A_147, %dma_start3A_153] : memref<2x128xi32, #tpu.memory_space<vmem>> -> memref<1x128xi32, #tpu.memory_space<vmem>>
      %dma_start3A_155 = tpu.memref_squeeze %dma_start3A_154 : memref<1x128xi32, #tpu.memory_space<vmem>> -> memref<128xi32, #tpu.memory_space<vmem>>
      %dma_start3A_156 = arith.constant 0 : i32
      %dma_start3A_157 = arith.constant 0 : i32
      %dma_start3A_158 = tpu.memref_slice %arg2[%dma_start3A_156, %dma_start3A_157] : memref<10000x128xf32, #tpu.memory_space<hbm>> -> memref<10000x128xf32, #tpu.memory_space<hbm>>
      tpu.enqueue_indirect_dma source(%dma_start3A_158 : memref<10000x128xf32, #tpu.memory_space<hbm>>) target(%dma_start3A_152 : memref<128x128xf32, #tpu.memory_space<vmem>>) offsets(%dma_start3A_155 : memref<128xi32, #tpu.memory_space<vmem>>) semaphore(%arg11 : memref<!tpu.dma_semaphore, #tpu.memory_space<semaphore_mem>>)
      %dma_wait3A_159 = arith.constant 1 : i32
      %dma_wait3A_160 = arith.constant 1 : i32
      %dma_wait3A_161 = arith.constant 0 : i32
      %dma_wait3A_162 = arith.constant 0 : i32
      %dma_wait3A_163 = tpu.memref_slice %arg7[%dma_wait3A_160, %dma_wait3A_161, %dma_wait3A_162] : memref<2x128x128xf32, #tpu.memory_space<vmem>> -> memref<1x128x128xf32, #tpu.memory_space<vmem>>
      %dma_wait3A_164 = tpu.memref_squeeze %dma_wait3A_163 : memref<1x128x128xf32, #tpu.memory_space<vmem>> -> memref<128x128xf32, #tpu.memory_space<vmem>>
      %dma_wait3A_165 = arith.constant 0 : i32
      %dma_wait3A_166 = tpu.memref_slice %arg5[%dma_wait3A_159, %dma_wait3A_165] : memref<2x128xi32, #tpu.memory_space<vmem>> -> memref<1x128xi32, #tpu.memory_space<vmem>>
      %dma_wait3A_167 = tpu.memref_squeeze %dma_wait3A_166 : memref<1x128xi32, #tpu.memory_space<vmem>> -> memref<128xi32, #tpu.memory_space<vmem>>
      %dma_wait3A_168 = arith.constant 0 : i32
      %dma_wait3A_169 = arith.constant 0 : i32
      %dma_wait3A_170 = tpu.memref_slice %arg2[%dma_wait3A_168, %dma_wait3A_169] : memref<10000x128xf32, #tpu.memory_space<hbm>> -> memref<10000x128xf32, #tpu.memory_space<hbm>>
      tpu.wait_indirect_dma semaphore(%arg11 : memref<!tpu.dma_semaphore, #tpu.memory_space<semaphore_mem>>) src(%dma_wait3A_170 : memref<10000x128xf32, #tpu.memory_space<hbm>>) dst(%dma_wait3A_164 : memref<128x128xf32, #tpu.memory_space<vmem>>)
      %dma_wait3A_171 = arith.constant 0 : i32
      %dma_wait3A_172 = arith.constant 1 : i32
      %dma_wait3A_173 = arith.constant 0 : i32
      %dma_wait3A_174 = tpu.memref_slice %arg6[%dma_wait3A_172, %dma_wait3A_173] : memref<2x128xi32, #tpu.memory_space<vmem>> -> memref<1x128xi32, #tpu.memory_space<vmem>>
      %dma_wait3A_175 = tpu.memref_squeeze %dma_wait3A_174 : memref<1x128xi32, #tpu.memory_space<vmem>> -> memref<128xi32, #tpu.memory_space<vmem>>
      %dma_wait3A_176 = arith.constant 0 : i32
      %dma_wait3A_177 = tpu.memref_slice %arg3[%dma_wait3A_171, %dma_wait3A_176] : memref<2x320000xi32, #tpu.memory_space<hbm>> -> memref<1x128xi32, #tpu.memory_space<hbm>>
      %dma_wait3A_178 = tpu.memref_squeeze %dma_wait3A_177 : memref<1x128xi32, #tpu.memory_space<hbm>> -> memref<128xi32, #tpu.memory_space<hbm>>
      %dma_wait3A_179 = arith.constant 0 : i32
      %dma_wait3A_180 = tpu.memref_slice %arg6[%dma_wait3A_172, %dma_wait3A_179] : memref<2x128xi32, #tpu.memory_space<vmem>> -> memref<1x128xi32, #tpu.memory_space<vmem>>
      %dma_wait3A_181 = tpu.memref_squeeze %dma_wait3A_180 : memref<1x128xi32, #tpu.memory_space<vmem>> -> memref<128xi32, #tpu.memory_space<vmem>>
      %dma_wait3A_182 = arith.constant 0 : i32
      %dma_wait3A_183 = tpu.memref_slice %arg3[%dma_wait3A_171, %dma_wait3A_182] : memref<2x320000xi32, #tpu.memory_space<hbm>> -> memref<1x128xi32, #tpu.memory_space<hbm>>
      %dma_wait3A_184 = tpu.memref_squeeze %dma_wait3A_183 : memref<1x128xi32, #tpu.memory_space<hbm>> -> memref<128xi32, #tpu.memory_space<hbm>>
      tpu.wait_dma2 semaphore(%arg15 : memref<!tpu.dma_semaphore, #tpu.memory_space<semaphore_mem>>) src(%dma_wait3A_184 : memref<128xi32, #tpu.memory_space<hbm>>) dst(%dma_wait3A_181 : memref<128xi32, #tpu.memory_space<vmem>>)
      %dma_start3A_185 = arith.constant 1 : i32
      %dma_start3A_186 = arith.constant 1 : i32
      %dma_start3A_187 = arith.constant 0 : i32
      %dma_start3A_188 = arith.constant 0 : i32
      %dma_start3A_189 = tpu.memref_slice %arg7[%dma_start3A_185, %dma_start3A_187, %dma_start3A_188] : memref<2x128x128xf32, #tpu.memory_space<vmem>> -> memref<1x128x128xf32, #tpu.memory_space<vmem>>
      %dma_start3A_190 = tpu.memref_squeeze %dma_start3A_189 : memref<1x128x128xf32, #tpu.memory_space<vmem>> -> memref<128x128xf32, #tpu.memory_space<vmem>>
      %dma_start3A_191 = arith.constant 0 : i32
      %dma_start3A_192 = tpu.memref_slice %arg6[%dma_start3A_186, %dma_start3A_191] : memref<2x128xi32, #tpu.memory_space<vmem>> -> memref<1x128xi32, #tpu.memory_space<vmem>>
      %dma_start3A_193 = tpu.memref_squeeze %dma_start3A_192 : memref<1x128xi32, #tpu.memory_space<vmem>> -> memref<128xi32, #tpu.memory_space<vmem>>
      %dma_start3A_194 = arith.constant 0 : i32
      %dma_start3A_195 = arith.constant 0 : i32
      %dma_start3A_196 = tpu.memref_slice %arg9[%dma_start3A_194, %dma_start3A_195] : memref<10240x128xf32, #tpu.memory_space<vmem_shared>> -> memref<10240x128xf32, #tpu.memory_space<vmem_shared>>
      tpu.enqueue_indirect_dma source(%dma_start3A_190 : memref<128x128xf32, #tpu.memory_space<vmem>>) target(%dma_start3A_196 : memref<10240x128xf32, #tpu.memory_space<vmem_shared>>) offsets(%dma_start3A_193 : memref<128xi32, #tpu.memory_space<vmem>>) semaphore(%arg17 : memref<!tpu.dma_semaphore, #tpu.memory_space<semaphore_mem>>) {add = true}
      %dma_wait3A_197 = arith.constant 0 : i32
      %dma_wait3A_198 = arith.constant 0 : i32
      %dma_wait3A_199 = arith.constant 0 : i32
      %dma_wait3A_200 = arith.constant 0 : i32
      %dma_wait3A_201 = tpu.memref_slice %arg7[%dma_wait3A_197, %dma_wait3A_199, %dma_wait3A_200] : memref<2x128x128xf32, #tpu.memory_space<vmem>> -> memref<1x128x128xf32, #tpu.memory_space<vmem>>
      %dma_wait3A_202 = tpu.memref_squeeze %dma_wait3A_201 : memref<1x128x128xf32, #tpu.memory_space<vmem>> -> memref<128x128xf32, #tpu.memory_space<vmem>>
      %dma_wait3A_203 = arith.constant 0 : i32
      %dma_wait3A_204 = tpu.memref_slice %arg6[%dma_wait3A_198, %dma_wait3A_203] : memref<2x128xi32, #tpu.memory_space<vmem>> -> memref<1x128xi32, #tpu.memory_space<vmem>>
      %dma_wait3A_205 = tpu.memref_squeeze %dma_wait3A_204 : memref<1x128xi32, #tpu.memory_space<vmem>> -> memref<128xi32, #tpu.memory_space<vmem>>
      %dma_wait3A_206 = arith.constant 0 : i32
      %dma_wait3A_207 = arith.constant 0 : i32
      %dma_wait3A_208 = tpu.memref_slice %arg9[%dma_wait3A_206, %dma_wait3A_207] : memref<10240x128xf32, #tpu.memory_space<vmem_shared>> -> memref<10240x128xf32, #tpu.memory_space<vmem_shared>>
      tpu.wait_indirect_dma semaphore(%arg16 : memref<!tpu.dma_semaphore, #tpu.memory_space<semaphore_mem>>) src(%dma_wait3A_202 : memref<128x128xf32, #tpu.memory_space<vmem>>) dst(%dma_wait3A_208 : memref<10240x128xf32, #tpu.memory_space<vmem_shared>>)
      %convert_element_type3A_209 = arith.extui %lt3A_93 : i1 to i32
      %cond3A_210 = arith.constant 0 : i32
      %cond3A_211 = arith.cmpi ne, %convert_element_type3A_209, %cond3A_210 : i32
      scf.if %cond3A_211 {
        %add3A_212 = arith.constant 256 : i32
        %add3A_213 = arith.addi %mul3A_91, %add3A_212 : i32
        %dma_start3A_214 = arith.constant 1 : i32
        %dma_start3A_215 = arith.constant 0 : i32
        %dma_start3A_216 = arith.constant 0 : i32
        %dma_start3A_217 = tpu.memref_slice %arg6[%dma_start3A_215, %dma_start3A_216] : memref<2x128xi32, #tpu.memory_space<vmem>> -> memref<1x128xi32, #tpu.memory_space<vmem>>
        %dma_start3A_218 = tpu.memref_squeeze %dma_start3A_217 : memref<1x128xi32, #tpu.memory_space<vmem>> -> memref<128xi32, #tpu.memory_space<vmem>>
        %dma_start3A_219 = tpu.memref_slice %arg3[%dma_start3A_214, %add3A_213] : memref<2x320000xi32, #tpu.memory_space<hbm>> -> memref<1x128xi32, #tpu.memory_space<hbm>>
        %dma_start3A_220 = tpu.memref_squeeze %dma_start3A_219 : memref<1x128xi32, #tpu.memory_space<hbm>> -> memref<128xi32, #tpu.memory_space<hbm>>
        %dma_start3A_221 = arith.constant 0 : i32
        %dma_start3A_222 = tpu.memref_slice %arg6[%dma_start3A_215, %dma_start3A_221] : memref<2x128xi32, #tpu.memory_space<vmem>> -> memref<1x128xi32, #tpu.memory_space<vmem>>
        %dma_start3A_223 = tpu.memref_squeeze %dma_start3A_222 : memref<1x128xi32, #tpu.memory_space<vmem>> -> memref<128xi32, #tpu.memory_space<vmem>>
        %dma_start3A_224 = tpu.memref_slice %arg3[%dma_start3A_214, %add3A_213] : memref<2x320000xi32, #tpu.memory_space<hbm>> -> memref<1x128xi32, #tpu.memory_space<hbm>>
        %dma_start3A_225 = tpu.memref_squeeze %dma_start3A_224 : memref<1x128xi32, #tpu.memory_space<hbm>> -> memref<128xi32, #tpu.memory_space<hbm>>
        tpu.enqueue_dma source(%dma_start3A_225 : memref<128xi32, #tpu.memory_space<hbm>>) target(%dma_start3A_223 : memref<128xi32, #tpu.memory_space<vmem>>) target_semaphore(%arg14 : memref<!tpu.dma_semaphore, #tpu.memory_space<semaphore_mem>>)
        %dma_wait3A_226 = arith.constant 0 : i32
        %dma_wait3A_227 = arith.constant 0 : i32
        %dma_wait3A_228 = arith.constant 0 : i32
        %dma_wait3A_229 = tpu.memref_slice %arg5[%dma_wait3A_227, %dma_wait3A_228] : memref<2x128xi32, #tpu.memory_space<vmem>> -> memref<1x128xi32, #tpu.memory_space<vmem>>
        %dma_wait3A_230 = tpu.memref_squeeze %dma_wait3A_229 : memref<1x128xi32, #tpu.memory_space<vmem>> -> memref<128xi32, #tpu.memory_space<vmem>>
        %dma_wait3A_231 = arith.constant 0 : i32
        %dma_wait3A_232 = tpu.memref_slice %arg3[%dma_wait3A_226, %dma_wait3A_231] : memref<2x320000xi32, #tpu.memory_space<hbm>> -> memref<1x128xi32, #tpu.memory_space<hbm>>
        %dma_wait3A_233 = tpu.memref_squeeze %dma_wait3A_232 : memref<1x128xi32, #tpu.memory_space<hbm>> -> memref<128xi32, #tpu.memory_space<hbm>>
        %dma_wait3A_234 = arith.constant 0 : i32
        %dma_wait3A_235 = tpu.memref_slice %arg5[%dma_wait3A_227, %dma_wait3A_234] : memref<2x128xi32, #tpu.memory_space<vmem>> -> memref<1x128xi32, #tpu.memory_space<vmem>>
        %dma_wait3A_236 = tpu.memref_squeeze %dma_wait3A_235 : memref<1x128xi32, #tpu.memory_space<vmem>> -> memref<128xi32, #tpu.memory_space<vmem>>
        %dma_wait3A_237 = arith.constant 0 : i32
        %dma_wait3A_238 = tpu.memref_slice %arg3[%dma_wait3A_226, %dma_wait3A_237] : memref<2x320000xi32, #tpu.memory_space<hbm>> -> memref<1x128xi32, #tpu.memory_space<hbm>>
        %dma_wait3A_239 = tpu.memref_squeeze %dma_wait3A_238 : memref<1x128xi32, #tpu.memory_space<hbm>> -> memref<128xi32, #tpu.memory_space<hbm>>
        tpu.wait_dma2 semaphore(%arg12 : memref<!tpu.dma_semaphore, #tpu.memory_space<semaphore_mem>>) src(%dma_wait3A_239 : memref<128xi32, #tpu.memory_space<hbm>>) dst(%dma_wait3A_236 : memref<128xi32, #tpu.memory_space<vmem>>)
        %dma_start3A_240 = arith.constant 0 : i32
        %dma_start3A_241 = arith.constant 0 : i32
        %dma_start3A_242 = arith.constant 0 : i32
        %dma_start3A_243 = arith.constant 0 : i32
        %dma_start3A_244 = tpu.memref_slice %arg7[%dma_start3A_241, %dma_start3A_242, %dma_start3A_243] : memref<2x128x128xf32, #tpu.memory_space<vmem>> -> memref<1x128x128xf32, #tpu.memory_space<vmem>>
        %dma_start3A_245 = tpu.memref_squeeze %dma_start3A_244 : memref<1x128x128xf32, #tpu.memory_space<vmem>> -> memref<128x128xf32, #tpu.memory_space<vmem>>
        %dma_start3A_246 = arith.constant 0 : i32
        %dma_start3A_247 = tpu.memref_slice %arg5[%dma_start3A_240, %dma_start3A_246] : memref<2x128xi32, #tpu.memory_space<vmem>> -> memref<1x128xi32, #tpu.memory_space<vmem>>
        %dma_start3A_248 = tpu.memref_squeeze %dma_start3A_247 : memref<1x128xi32, #tpu.memory_space<vmem>> -> memref<128xi32, #tpu.memory_space<vmem>>
        %dma_start3A_249 = arith.constant 0 : i32
        %dma_start3A_250 = arith.constant 0 : i32
        %dma_start3A_251 = tpu.memref_slice %arg2[%dma_start3A_249, %dma_start3A_250] : memref<10000x128xf32, #tpu.memory_space<hbm>> -> memref<10000x128xf32, #tpu.memory_space<hbm>>
        tpu.enqueue_indirect_dma source(%dma_start3A_251 : memref<10000x128xf32, #tpu.memory_space<hbm>>) target(%dma_start3A_245 : memref<128x128xf32, #tpu.memory_space<vmem>>) offsets(%dma_start3A_248 : memref<128xi32, #tpu.memory_space<vmem>>) semaphore(%arg10 : memref<!tpu.dma_semaphore, #tpu.memory_space<semaphore_mem>>)
        %add3A_252 = arith.constant 384 : i32
        %add3A_253 = arith.addi %mul3A_91, %add3A_252 : i32
        %dma_start3A_254 = arith.constant 0 : i32
        %dma_start3A_255 = arith.constant 1 : i32
        %dma_start3A_256 = arith.constant 0 : i32
        %dma_start3A_257 = tpu.memref_slice %arg5[%dma_start3A_255, %dma_start3A_256] : memref<2x128xi32, #tpu.memory_space<vmem>> -> memref<1x128xi32, #tpu.memory_space<vmem>>
        %dma_start3A_258 = tpu.memref_squeeze %dma_start3A_257 : memref<1x128xi32, #tpu.memory_space<vmem>> -> memref<128xi32, #tpu.memory_space<vmem>>
        %dma_start3A_259 = tpu.memref_slice %arg3[%dma_start3A_254, %add3A_253] : memref<2x320000xi32, #tpu.memory_space<hbm>> -> memref<1x128xi32, #tpu.memory_space<hbm>>
        %dma_start3A_260 = tpu.memref_squeeze %dma_start3A_259 : memref<1x128xi32, #tpu.memory_space<hbm>> -> memref<128xi32, #tpu.memory_space<hbm>>
        %dma_start3A_261 = arith.constant 0 : i32
        %dma_start3A_262 = tpu.memref_slice %arg5[%dma_start3A_255, %dma_start3A_261] : memref<2x128xi32, #tpu.memory_space<vmem>> -> memref<1x128xi32, #tpu.memory_space<vmem>>
        %dma_start3A_263 = tpu.memref_squeeze %dma_start3A_262 : memref<1x128xi32, #tpu.memory_space<vmem>> -> memref<128xi32, #tpu.memory_space<vmem>>
        %dma_start3A_264 = tpu.memref_slice %arg3[%dma_start3A_254, %add3A_253] : memref<2x320000xi32, #tpu.memory_space<hbm>> -> memref<1x128xi32, #tpu.memory_space<hbm>>
        %dma_start3A_265 = tpu.memref_squeeze %dma_start3A_264 : memref<1x128xi32, #tpu.memory_space<hbm>> -> memref<128xi32, #tpu.memory_space<hbm>>
        tpu.enqueue_dma source(%dma_start3A_265 : memref<128xi32, #tpu.memory_space<hbm>>) target(%dma_start3A_263 : memref<128xi32, #tpu.memory_space<vmem>>) target_semaphore(%arg13 : memref<!tpu.dma_semaphore, #tpu.memory_space<semaphore_mem>>)
      } else {
      }
    }
    %scan3A_66 = arith.constant 39 : i32
    %dma_wait3A = arith.constant 1 : i32
    %dma_wait3A_67 = arith.constant 1 : i32
    %dma_wait3A_68 = arith.constant 0 : i32
    %dma_wait3A_69 = arith.constant 0 : i32
    %dma_wait3A_70 = tpu.memref_slice %arg7[%dma_wait3A, %dma_wait3A_68, %dma_wait3A_69] : memref<2x128x128xf32, #tpu.memory_space<vmem>> -> memref<1x128x128xf32, #tpu.memory_space<vmem>>
    %dma_wait3A_71 = tpu.memref_squeeze %dma_wait3A_70 : memref<1x128x128xf32, #tpu.memory_space<vmem>> -> memref<128x128xf32, #tpu.memory_space<vmem>>
    %dma_wait3A_72 = arith.constant 0 : i32
    %dma_wait3A_73 = tpu.memref_slice %arg6[%dma_wait3A_67, %dma_wait3A_72] : memref<2x128xi32, #tpu.memory_space<vmem>> -> memref<1x128xi32, #tpu.memory_space<vmem>>
    %dma_wait3A_74 = tpu.memref_squeeze %dma_wait3A_73 : memref<1x128xi32, #tpu.memory_space<vmem>> -> memref<128xi32, #tpu.memory_space<vmem>>
    %dma_wait3A_75 = arith.constant 0 : i32
    %dma_wait3A_76 = arith.constant 0 : i32
    %dma_wait3A_77 = tpu.memref_slice %arg9[%dma_wait3A_75, %dma_wait3A_76] : memref<10240x128xf32, #tpu.memory_space<vmem_shared>> -> memref<10240x128xf32, #tpu.memory_space<vmem_shared>>
    tpu.wait_indirect_dma semaphore(%arg17 : memref<!tpu.dma_semaphore, #tpu.memory_space<semaphore_mem>>) src(%dma_wait3A_71 : memref<128x128xf32, #tpu.memory_space<vmem>>) dst(%dma_wait3A_77 : memref<10240x128xf32, #tpu.memory_space<vmem_shared>>)
    %lt3A = arith.constant 4 : i32
    %lt3A_78 = arith.cmpi slt, %add3A, %lt3A : i32
    %convert_element_type3A = arith.extui %lt3A_78 : i1 to i32
    %cond3A = arith.constant 0 : i32
    %cond3A_79 = arith.cmpi ne, %convert_element_type3A, %cond3A : i32
    scf.if %cond3A_79 {
      %add3A_86 = arith.constant 2496 : i32
      %add3A_87 = arith.addi %add3A_86, %add3A : i32
      %mul3A_88 = arith.constant 128 : i32
      %mul3A_89 = arith.muli %add3A_87, %mul3A_88 : i32
      %run_scoped3A_90 = arith.constant 0 : i32
      %run_scoped3A_91 = arith.constant 0 : i32
      "tpu.region"() ({
        %run_scoped3A_120 = tpu.sem_alloc : memref<!tpu.dma_semaphore, #tpu.memory_space<semaphore_mem>>
        %dma_start3A_121 = arith.constant 0 : i32
        %dma_start3A_122 = tpu.memref_slice %arg5[%run_scoped3A_91, %dma_start3A_121] : memref<2x128xi32, #tpu.memory_space<vmem>> -> memref<1x128xi32, #tpu.memory_space<vmem>>
        %dma_start3A_123 = tpu.memref_squeeze %dma_start3A_122 : memref<1x128xi32, #tpu.memory_space<vmem>> -> memref<128xi32, #tpu.memory_space<vmem>>
        %dma_start3A_124 = tpu.memref_slice %arg3[%run_scoped3A_90, %mul3A_89] : memref<2x320000xi32, #tpu.memory_space<hbm>> -> memref<1x128xi32, #tpu.memory_space<hbm>>
        %dma_start3A_125 = tpu.memref_squeeze %dma_start3A_124 : memref<1x128xi32, #tpu.memory_space<hbm>> -> memref<128xi32, #tpu.memory_space<hbm>>
        %dma_start3A_126 = arith.constant 0 : i32
        %dma_start3A_127 = tpu.memref_slice %arg5[%run_scoped3A_91, %dma_start3A_126] : memref<2x128xi32, #tpu.memory_space<vmem>> -> memref<1x128xi32, #tpu.memory_space<vmem>>
        %dma_start3A_128 = tpu.memref_squeeze %dma_start3A_127 : memref<1x128xi32, #tpu.memory_space<vmem>> -> memref<128xi32, #tpu.memory_space<vmem>>
        %dma_start3A_129 = tpu.memref_slice %arg3[%run_scoped3A_90, %mul3A_89] : memref<2x320000xi32, #tpu.memory_space<hbm>> -> memref<1x128xi32, #tpu.memory_space<hbm>>
        %dma_start3A_130 = tpu.memref_squeeze %dma_start3A_129 : memref<1x128xi32, #tpu.memory_space<hbm>> -> memref<128xi32, #tpu.memory_space<hbm>>
        tpu.enqueue_dma source(%dma_start3A_130 : memref<128xi32, #tpu.memory_space<hbm>>) target(%dma_start3A_128 : memref<128xi32, #tpu.memory_space<vmem>>) target_semaphore(%run_scoped3A_120 : memref<!tpu.dma_semaphore, #tpu.memory_space<semaphore_mem>>)
        %dma_wait3A_131 = arith.constant 0 : i32
        %dma_wait3A_132 = tpu.memref_slice %arg5[%run_scoped3A_91, %dma_wait3A_131] : memref<2x128xi32, #tpu.memory_space<vmem>> -> memref<1x128xi32, #tpu.memory_space<vmem>>
        %dma_wait3A_133 = tpu.memref_squeeze %dma_wait3A_132 : memref<1x128xi32, #tpu.memory_space<vmem>> -> memref<128xi32, #tpu.memory_space<vmem>>
        %dma_wait3A_134 = tpu.memref_slice %arg3[%run_scoped3A_90, %mul3A_89] : memref<2x320000xi32, #tpu.memory_space<hbm>> -> memref<1x128xi32, #tpu.memory_space<hbm>>
        %dma_wait3A_135 = tpu.memref_squeeze %dma_wait3A_134 : memref<1x128xi32, #tpu.memory_space<hbm>> -> memref<128xi32, #tpu.memory_space<hbm>>
        %dma_wait3A_136 = arith.constant 0 : i32
        %dma_wait3A_137 = tpu.memref_slice %arg5[%run_scoped3A_91, %dma_wait3A_136] : memref<2x128xi32, #tpu.memory_space<vmem>> -> memref<1x128xi32, #tpu.memory_space<vmem>>
        %dma_wait3A_138 = tpu.memref_squeeze %dma_wait3A_137 : memref<1x128xi32, #tpu.memory_space<vmem>> -> memref<128xi32, #tpu.memory_space<vmem>>
        %dma_wait3A_139 = tpu.memref_slice %arg3[%run_scoped3A_90, %mul3A_89] : memref<2x320000xi32, #tpu.memory_space<hbm>> -> memref<1x128xi32, #tpu.memory_space<hbm>>
        %dma_wait3A_140 = tpu.memref_squeeze %dma_wait3A_139 : memref<1x128xi32, #tpu.memory_space<hbm>> -> memref<128xi32, #tpu.memory_space<hbm>>
        tpu.wait_dma2 semaphore(%run_scoped3A_120 : memref<!tpu.dma_semaphore, #tpu.memory_space<semaphore_mem>>) src(%dma_wait3A_140 : memref<128xi32, #tpu.memory_space<hbm>>) dst(%dma_wait3A_138 : memref<128xi32, #tpu.memory_space<vmem>>)
        tpu.yield
      }) : () -> ()
      %run_scoped3A_92 = arith.constant 1 : i32
      %run_scoped3A_93 = arith.constant 0 : i32
      "tpu.region"() ({
        %run_scoped3A_120 = tpu.sem_alloc : memref<!tpu.dma_semaphore, #tpu.memory_space<semaphore_mem>>
        %dma_start3A_121 = arith.constant 0 : i32
        %dma_start3A_122 = tpu.memref_slice %arg6[%run_scoped3A_93, %dma_start3A_121] : memref<2x128xi32, #tpu.memory_space<vmem>> -> memref<1x128xi32, #tpu.memory_space<vmem>>
        %dma_start3A_123 = tpu.memref_squeeze %dma_start3A_122 : memref<1x128xi32, #tpu.memory_space<vmem>> -> memref<128xi32, #tpu.memory_space<vmem>>
        %dma_start3A_124 = tpu.memref_slice %arg3[%run_scoped3A_92, %mul3A_89] : memref<2x320000xi32, #tpu.memory_space<hbm>> -> memref<1x128xi32, #tpu.memory_space<hbm>>
        %dma_start3A_125 = tpu.memref_squeeze %dma_start3A_124 : memref<1x128xi32, #tpu.memory_space<hbm>> -> memref<128xi32, #tpu.memory_space<hbm>>
        %dma_start3A_126 = arith.constant 0 : i32
        %dma_start3A_127 = tpu.memref_slice %arg6[%run_scoped3A_93, %dma_start3A_126] : memref<2x128xi32, #tpu.memory_space<vmem>> -> memref<1x128xi32, #tpu.memory_space<vmem>>
        %dma_start3A_128 = tpu.memref_squeeze %dma_start3A_127 : memref<1x128xi32, #tpu.memory_space<vmem>> -> memref<128xi32, #tpu.memory_space<vmem>>
        %dma_start3A_129 = tpu.memref_slice %arg3[%run_scoped3A_92, %mul3A_89] : memref<2x320000xi32, #tpu.memory_space<hbm>> -> memref<1x128xi32, #tpu.memory_space<hbm>>
        %dma_start3A_130 = tpu.memref_squeeze %dma_start3A_129 : memref<1x128xi32, #tpu.memory_space<hbm>> -> memref<128xi32, #tpu.memory_space<hbm>>
        tpu.enqueue_dma source(%dma_start3A_130 : memref<128xi32, #tpu.memory_space<hbm>>) target(%dma_start3A_128 : memref<128xi32, #tpu.memory_space<vmem>>) target_semaphore(%run_scoped3A_120 : memref<!tpu.dma_semaphore, #tpu.memory_space<semaphore_mem>>)
        %dma_wait3A_131 = arith.constant 0 : i32
        %dma_wait3A_132 = tpu.memref_slice %arg6[%run_scoped3A_93, %dma_wait3A_131] : memref<2x128xi32, #tpu.memory_space<vmem>> -> memref<1x128xi32, #tpu.memory_space<vmem>>
        %dma_wait3A_133 = tpu.memref_squeeze %dma_wait3A_132 : memref<1x128xi32, #tpu.memory_space<vmem>> -> memref<128xi32, #tpu.memory_space<vmem>>
        %dma_wait3A_134 = tpu.memref_slice %arg3[%run_scoped3A_92, %mul3A_89] : memref<2x320000xi32, #tpu.memory_space<hbm>> -> memref<1x128xi32, #tpu.memory_space<hbm>>
        %dma_wait3A_135 = tpu.memref_squeeze %dma_wait3A_134 : memref<1x128xi32, #tpu.memory_space<hbm>> -> memref<128xi32, #tpu.memory_space<hbm>>
        %dma_wait3A_136 = arith.constant 0 : i32
        %dma_wait3A_137 = tpu.memref_slice %arg6[%run_scoped3A_93, %dma_wait3A_136] : memref<2x128xi32, #tpu.memory_space<vmem>> -> memref<1x128xi32, #tpu.memory_space<vmem>>
        %dma_wait3A_138 = tpu.memref_squeeze %dma_wait3A_137 : memref<1x128xi32, #tpu.memory_space<vmem>> -> memref<128xi32, #tpu.memory_space<vmem>>
        %dma_wait3A_139 = tpu.memref_slice %arg3[%run_scoped3A_92, %mul3A_89] : memref<2x320000xi32, #tpu.memory_space<hbm>> -> memref<1x128xi32, #tpu.memory_space<hbm>>
        %dma_wait3A_140 = tpu.memref_squeeze %dma_wait3A_139 : memref<1x128xi32, #tpu.memory_space<hbm>> -> memref<128xi32, #tpu.memory_space<hbm>>
        tpu.wait_dma2 semaphore(%run_scoped3A_120 : memref<!tpu.dma_semaphore, #tpu.memory_space<semaphore_mem>>) src(%dma_wait3A_140 : memref<128xi32, #tpu.memory_space<hbm>>) dst(%dma_wait3A_138 : memref<128xi32, #tpu.memory_space<vmem>>)
        tpu.yield
      }) : () -> ()
      %dma_start3A_94 = arith.constant 0 : i32
      %dma_start3A_95 = arith.constant 0 : i32
      %dma_start3A_96 = arith.constant 0 : i32
      %dma_start3A_97 = arith.constant 0 : i32
      %dma_start3A_98 = tpu.memref_slice %arg7[%dma_start3A_95, %dma_start3A_96, %dma_start3A_97] : memref<2x128x128xf32, #tpu.memory_space<vmem>> -> memref<1x128x128xf32, #tpu.memory_space<vmem>>
      %dma_start3A_99 = tpu.memref_squeeze %dma_start3A_98 : memref<1x128x128xf32, #tpu.memory_space<vmem>> -> memref<128x128xf32, #tpu.memory_space<vmem>>
      %dma_start3A_100 = arith.constant 0 : i32
      %dma_start3A_101 = tpu.memref_slice %arg5[%dma_start3A_94, %dma_start3A_100] : memref<2x128xi32, #tpu.memory_space<vmem>> -> memref<1x128xi32, #tpu.memory_space<vmem>>
      %dma_start3A_102 = tpu.memref_squeeze %dma_start3A_101 : memref<1x128xi32, #tpu.memory_space<vmem>> -> memref<128xi32, #tpu.memory_space<vmem>>
      %dma_start3A_103 = arith.constant 0 : i32
      %dma_start3A_104 = arith.constant 0 : i32
      %dma_start3A_105 = tpu.memref_slice %arg2[%dma_start3A_103, %dma_start3A_104] : memref<10000x128xf32, #tpu.memory_space<hbm>> -> memref<10000x128xf32, #tpu.memory_space<hbm>>
      tpu.enqueue_indirect_dma source(%dma_start3A_105 : memref<10000x128xf32, #tpu.memory_space<hbm>>) target(%dma_start3A_99 : memref<128x128xf32, #tpu.memory_space<vmem>>) offsets(%dma_start3A_102 : memref<128xi32, #tpu.memory_space<vmem>>) semaphore(%arg10 : memref<!tpu.dma_semaphore, #tpu.memory_space<semaphore_mem>>)
      %dma_wait3A_106 = arith.constant 0 : i32
      %dma_wait3A_107 = arith.constant 0 : i32
      %dma_wait3A_108 = arith.constant 0 : i32
      %dma_wait3A_109 = arith.constant 0 : i32
      %dma_wait3A_110 = tpu.memref_slice %arg7[%dma_wait3A_107, %dma_wait3A_108, %dma_wait3A_109] : memref<2x128x128xf32, #tpu.memory_space<vmem>> -> memref<1x128x128xf32, #tpu.memory_space<vmem>>
      %dma_wait3A_111 = tpu.memref_squeeze %dma_wait3A_110 : memref<1x128x128xf32, #tpu.memory_space<vmem>> -> memref<128x128xf32, #tpu.memory_space<vmem>>
      %dma_wait3A_112 = arith.constant 0 : i32
      %dma_wait3A_113 = tpu.memref_slice %arg5[%dma_wait3A_106, %dma_wait3A_112] : memref<2x128xi32, #tpu.memory_space<vmem>> -> memref<1x128xi32, #tpu.memory_space<vmem>>
      %dma_wait3A_114 = tpu.memref_squeeze %dma_wait3A_113 : memref<1x128xi32, #tpu.memory_space<vmem>> -> memref<128xi32, #tpu.memory_space<vmem>>
      %dma_wait3A_115 = arith.constant 0 : i32
      %dma_wait3A_116 = arith.constant 0 : i32
      %dma_wait3A_117 = tpu.memref_slice %arg2[%dma_wait3A_115, %dma_wait3A_116] : memref<10000x128xf32, #tpu.memory_space<hbm>> -> memref<10000x128xf32, #tpu.memory_space<hbm>>
      tpu.wait_indirect_dma semaphore(%arg10 : memref<!tpu.dma_semaphore, #tpu.memory_space<semaphore_mem>>) src(%dma_wait3A_117 : memref<10000x128xf32, #tpu.memory_space<hbm>>) dst(%dma_wait3A_111 : memref<128x128xf32, #tpu.memory_space<vmem>>)
      %run_scoped3A_118 = arith.constant 0 : i32
      %run_scoped3A_119 = arith.constant 0 : i32
      "tpu.region"() ({
        %run_scoped3A_120 = tpu.sem_alloc : memref<!tpu.dma_semaphore, #tpu.memory_space<semaphore_mem>>
        %dma_start3A_121 = arith.constant 0 : i32
        %dma_start3A_122 = arith.constant 0 : i32
        %dma_start3A_123 = tpu.memref_slice %arg7[%run_scoped3A_118, %dma_start3A_121, %dma_start3A_122] : memref<2x128x128xf32, #tpu.memory_space<vmem>> -> memref<1x128x128xf32, #tpu.memory_space<vmem>>
        %dma_start3A_124 = tpu.memref_squeeze %dma_start3A_123 : memref<1x128x128xf32, #tpu.memory_space<vmem>> -> memref<128x128xf32, #tpu.memory_space<vmem>>
        %dma_start3A_125 = arith.constant 0 : i32
        %dma_start3A_126 = tpu.memref_slice %arg6[%run_scoped3A_119, %dma_start3A_125] : memref<2x128xi32, #tpu.memory_space<vmem>> -> memref<1x128xi32, #tpu.memory_space<vmem>>
        %dma_start3A_127 = tpu.memref_squeeze %dma_start3A_126 : memref<1x128xi32, #tpu.memory_space<vmem>> -> memref<128xi32, #tpu.memory_space<vmem>>
        %dma_start3A_128 = arith.constant 0 : i32
        %dma_start3A_129 = arith.constant 0 : i32
        %dma_start3A_130 = tpu.memref_slice %arg9[%dma_start3A_128, %dma_start3A_129] : memref<10240x128xf32, #tpu.memory_space<vmem_shared>> -> memref<10240x128xf32, #tpu.memory_space<vmem_shared>>
        tpu.enqueue_indirect_dma source(%dma_start3A_124 : memref<128x128xf32, #tpu.memory_space<vmem>>) target(%dma_start3A_130 : memref<10240x128xf32, #tpu.memory_space<vmem_shared>>) offsets(%dma_start3A_127 : memref<128xi32, #tpu.memory_space<vmem>>) semaphore(%run_scoped3A_120 : memref<!tpu.dma_semaphore, #tpu.memory_space<semaphore_mem>>) {add = true}
        %dma_wait3A_131 = arith.constant 0 : i32
        %dma_wait3A_132 = arith.constant 0 : i32
        %dma_wait3A_133 = tpu.memref_slice %arg7[%run_scoped3A_118, %dma_wait3A_131, %dma_wait3A_132] : memref<2x128x128xf32, #tpu.memory_space<vmem>> -> memref<1x128x128xf32, #tpu.memory_space<vmem>>
        %dma_wait3A_134 = tpu.memref_squeeze %dma_wait3A_133 : memref<1x128x128xf32, #tpu.memory_space<vmem>> -> memref<128x128xf32, #tpu.memory_space<vmem>>
        %dma_wait3A_135 = arith.constant 0 : i32
        %dma_wait3A_136 = tpu.memref_slice %arg6[%run_scoped3A_119, %dma_wait3A_135] : memref<2x128xi32, #tpu.memory_space<vmem>> -> memref<1x128xi32, #tpu.memory_space<vmem>>
        %dma_wait3A_137 = tpu.memref_squeeze %dma_wait3A_136 : memref<1x128xi32, #tpu.memory_space<vmem>> -> memref<128xi32, #tpu.memory_space<vmem>>
        %dma_wait3A_138 = arith.constant 0 : i32
        %dma_wait3A_139 = arith.constant 0 : i32
        %dma_wait3A_140 = tpu.memref_slice %arg9[%dma_wait3A_138, %dma_wait3A_139] : memref<10240x128xf32, #tpu.memory_space<vmem_shared>> -> memref<10240x128xf32, #tpu.memory_space<vmem_shared>>
        tpu.wait_indirect_dma semaphore(%run_scoped3A_120 : memref<!tpu.dma_semaphore, #tpu.memory_space<semaphore_mem>>) src(%dma_wait3A_134 : memref<128x128xf32, #tpu.memory_space<vmem>>) dst(%dma_wait3A_140 : memref<10240x128xf32, #tpu.memory_space<vmem_shared>>)
        tpu.yield
      }) : () -> ()
    } else {
    }
    %barrier3A_80 = arith.constant 0 : index
    tpu.barrier barrier_id(%barrier3A_80)
    %scan3A_81 = arith.constant 0 : i32
    %scan3A_82 = arith.constant 5 : i32
    %scan3A_83 = arith.addi %scan3A_81, %scan3A_82 : i32
    %scan3A_84 = arith.constant 1 : i32
    scf.for %scan3A_86 = %scan3A_81 to %scan3A_83 step %scan3A_84  : i32 {
      %mul3A_87 = arith.constant 640 : i32
      %mul3A_88 = arith.muli %arg1, %mul3A_87 : i32
      %mul3A_89 = arith.constant 128 : i32
      %mul3A_90 = arith.muli %scan3A_86, %mul3A_89 : i32
      %add3A_91 = arith.addi %mul3A_88, %mul3A_90 : i32
      %run_scoped3A_92 = arith.constant 0 : i32
      "tpu.region"() ({
        %run_scoped3A_94 = tpu.sem_alloc : memref<!tpu.dma_semaphore, #tpu.memory_space<semaphore_mem>>
        %dma_start3A_95 = arith.constant 0 : i32
        %dma_start3A_96 = arith.constant 0 : i32
        %dma_start3A_97 = tpu.memref_slice %arg7[%run_scoped3A_92, %dma_start3A_95, %dma_start3A_96] : memref<2x128x128xf32, #tpu.memory_space<vmem>> -> memref<1x128x128xf32, #tpu.memory_space<vmem>>
        %dma_start3A_98 = tpu.memref_squeeze %dma_start3A_97 : memref<1x128x128xf32, #tpu.memory_space<vmem>> -> memref<128x128xf32, #tpu.memory_space<vmem>>
        %dma_start3A_99 = arith.constant 0 : i32
        %dma_start3A_100 = tpu.memref_slice %arg9[%add3A_91, %dma_start3A_99] : memref<10240x128xf32, #tpu.memory_space<vmem_shared>> -> memref<128x128xf32, #tpu.memory_space<vmem_shared>>
        %dma_start3A_101 = arith.constant 0 : i32
        %dma_start3A_102 = arith.constant 0 : i32
        %dma_start3A_103 = tpu.memref_slice %arg7[%run_scoped3A_92, %dma_start3A_101, %dma_start3A_102] : memref<2x128x128xf32, #tpu.memory_space<vmem>> -> memref<1x128x128xf32, #tpu.memory_space<vmem>>
        %dma_start3A_104 = tpu.memref_squeeze %dma_start3A_103 : memref<1x128x128xf32, #tpu.memory_space<vmem>> -> memref<128x128xf32, #tpu.memory_space<vmem>>
        %dma_start3A_105 = arith.constant 0 : i32
        %dma_start3A_106 = tpu.memref_slice %arg9[%add3A_91, %dma_start3A_105] : memref<10240x128xf32, #tpu.memory_space<vmem_shared>> -> memref<128x128xf32, #tpu.memory_space<vmem_shared>>
        tpu.enqueue_dma source(%dma_start3A_106 : memref<128x128xf32, #tpu.memory_space<vmem_shared>>) target(%dma_start3A_104 : memref<128x128xf32, #tpu.memory_space<vmem>>) target_semaphore(%run_scoped3A_94 : memref<!tpu.dma_semaphore, #tpu.memory_space<semaphore_mem>>)
        %dma_wait3A_107 = arith.constant 0 : i32
        %dma_wait3A_108 = arith.constant 0 : i32
        %dma_wait3A_109 = tpu.memref_slice %arg7[%run_scoped3A_92, %dma_wait3A_107, %dma_wait3A_108] : memref<2x128x128xf32, #tpu.memory_space<vmem>> -> memref<1x128x128xf32, #tpu.memory_space<vmem>>
        %dma_wait3A_110 = tpu.memref_squeeze %dma_wait3A_109 : memref<1x128x128xf32, #tpu.memory_space<vmem>> -> memref<128x128xf32, #tpu.memory_space<vmem>>
        %dma_wait3A_111 = arith.constant 0 : i32
        %dma_wait3A_112 = tpu.memref_slice %arg9[%add3A_91, %dma_wait3A_111] : memref<10240x128xf32, #tpu.memory_space<vmem_shared>> -> memref<128x128xf32, #tpu.memory_space<vmem_shared>>
        %dma_wait3A_113 = arith.constant 0 : i32
        %dma_wait3A_114 = arith.constant 0 : i32
        %dma_wait3A_115 = tpu.memref_slice %arg7[%run_scoped3A_92, %dma_wait3A_113, %dma_wait3A_114] : memref<2x128x128xf32, #tpu.memory_space<vmem>> -> memref<1x128x128xf32, #tpu.memory_space<vmem>>
        %dma_wait3A_116 = tpu.memref_squeeze %dma_wait3A_115 : memref<1x128x128xf32, #tpu.memory_space<vmem>> -> memref<128x128xf32, #tpu.memory_space<vmem>>
        %dma_wait3A_117 = arith.constant 0 : i32
        %dma_wait3A_118 = tpu.memref_slice %arg9[%add3A_91, %dma_wait3A_117] : memref<10240x128xf32, #tpu.memory_space<vmem_shared>> -> memref<128x128xf32, #tpu.memory_space<vmem_shared>>
        tpu.wait_dma2 semaphore(%run_scoped3A_94 : memref<!tpu.dma_semaphore, #tpu.memory_space<semaphore_mem>>) src(%dma_wait3A_118 : memref<128x128xf32, #tpu.memory_space<vmem_shared>>) dst(%dma_wait3A_116 : memref<128x128xf32, #tpu.memory_space<vmem>>)
        tpu.yield
      }) : () -> ()
      %run_scoped3A_93 = arith.constant 0 : i32
      "tpu.region"() ({
        %run_scoped3A_94 = tpu.sem_alloc : memref<!tpu.dma_semaphore, #tpu.memory_space<semaphore_mem>>
        %dma_start3A_95 = arith.constant 0 : i32
        %dma_start3A_96 = arith.constant 0 : i32
        %dma_start3A_97 = tpu.memref_slice %arg7[%run_scoped3A_93, %dma_start3A_95, %dma_start3A_96] : memref<2x128x128xf32, #tpu.memory_space<vmem>> -> memref<1x128x128xf32, #tpu.memory_space<vmem>>
        %dma_start3A_98 = tpu.memref_squeeze %dma_start3A_97 : memref<1x128x128xf32, #tpu.memory_space<vmem>> -> memref<128x128xf32, #tpu.memory_space<vmem>>
        %dma_start3A_99 = arith.constant 0 : i32
        %dma_start3A_100 = tpu.memref_slice %arg4[%arg0, %add3A_91, %dma_start3A_99] : memref<2x10240x128xf32, #tpu.memory_space<hbm>> -> memref<1x128x128xf32, #tpu.memory_space<hbm>>
        %dma_start3A_101 = tpu.memref_squeeze %dma_start3A_100 : memref<1x128x128xf32, #tpu.memory_space<hbm>> -> memref<128x128xf32, #tpu.memory_space<hbm>>
        %dma_start3A_102 = arith.constant 0 : i32
        %dma_start3A_103 = tpu.memref_slice %arg4[%arg0, %add3A_91, %dma_start3A_102] : memref<2x10240x128xf32, #tpu.memory_space<hbm>> -> memref<1x128x128xf32, #tpu.memory_space<hbm>>
        %dma_start3A_104 = tpu.memref_squeeze %dma_start3A_103 : memref<1x128x128xf32, #tpu.memory_space<hbm>> -> memref<128x128xf32, #tpu.memory_space<hbm>>
        %dma_start3A_105 = arith.constant 0 : i32
        %dma_start3A_106 = arith.constant 0 : i32
        %dma_start3A_107 = tpu.memref_slice %arg7[%run_scoped3A_93, %dma_start3A_105, %dma_start3A_106] : memref<2x128x128xf32, #tpu.memory_space<vmem>> -> memref<1x128x128xf32, #tpu.memory_space<vmem>>
        %dma_start3A_108 = tpu.memref_squeeze %dma_start3A_107 : memref<1x128x128xf32, #tpu.memory_space<vmem>> -> memref<128x128xf32, #tpu.memory_space<vmem>>
        tpu.enqueue_dma source(%dma_start3A_108 : memref<128x128xf32, #tpu.memory_space<vmem>>) target(%dma_start3A_104 : memref<128x128xf32, #tpu.memory_space<hbm>>) target_semaphore(%run_scoped3A_94 : memref<!tpu.dma_semaphore, #tpu.memory_space<semaphore_mem>>)
        %dma_wait3A_109 = arith.constant 0 : i32
        %dma_wait3A_110 = arith.constant 0 : i32
        %dma_wait3A_111 = tpu.memref_slice %arg7[%run_scoped3A_93, %dma_wait3A_109, %dma_wait3A_110] : memref<2x128x128xf32, #tpu.memory_space<vmem>> -> memref<1x128x128xf32, #tpu.memory_space<vmem>>
        %dma_wait3A_112 = tpu.memref_squeeze %dma_wait3A_111 : memref<1x128x128xf32, #tpu.memory_space<vmem>> -> memref<128x128xf32, #tpu.memory_space<vmem>>
        %dma_wait3A_113 = arith.constant 0 : i32
        %dma_wait3A_114 = tpu.memref_slice %arg4[%arg0, %add3A_91, %dma_wait3A_113] : memref<2x10240x128xf32, #tpu.memory_space<hbm>> -> memref<1x128x128xf32, #tpu.memory_space<hbm>>
        %dma_wait3A_115 = tpu.memref_squeeze %dma_wait3A_114 : memref<1x128x128xf32, #tpu.memory_space<hbm>> -> memref<128x128xf32, #tpu.memory_space<hbm>>
        %dma_wait3A_116 = arith.constant 0 : i32
        %dma_wait3A_117 = tpu.memref_slice %arg4[%arg0, %add3A_91, %dma_wait3A_116] : memref<2x10240x128xf32, #tpu.memory_space<hbm>> -> memref<1x128x128xf32, #tpu.memory_space<hbm>>
        %dma_wait3A_118 = tpu.memref_squeeze %dma_wait3A_117 : memref<1x128x128xf32, #tpu.memory_space<hbm>> -> memref<128x128xf32, #tpu.memory_space<hbm>>
        %dma_wait3A_119 = arith.constant 0 : i32
        %dma_wait3A_120 = arith.constant 0 : i32
        %dma_wait3A_121 = tpu.memref_slice %arg7[%run_scoped3A_93, %dma_wait3A_119, %dma_wait3A_120] : memref<2x128x128xf32, #tpu.memory_space<vmem>> -> memref<1x128x128xf32, #tpu.memory_space<vmem>>
        %dma_wait3A_122 = tpu.memref_squeeze %dma_wait3A_121 : memref<1x128x128xf32, #tpu.memory_space<vmem>> -> memref<128x128xf32, #tpu.memory_space<vmem>>
        tpu.wait_dma2 semaphore(%run_scoped3A_94 : memref<!tpu.dma_semaphore, #tpu.memory_space<semaphore_mem>>) src(%dma_wait3A_122 : memref<128x128xf32, #tpu.memory_space<vmem>>) dst(%dma_wait3A_118 : memref<128x128xf32, #tpu.memory_space<hbm>>)
        tpu.yield
      }) : () -> ()
    }
    %scan3A_85 = arith.constant 5 : i32
    return
  }
}

#map = affine_map<(d0, d1) -> (0, 0)>
#map1 = affine_map<(d0, d1) -> (0, 0, 0)>
module attributes {stable_mosaic.version = 14 : i64} {
  func.func @_edge_kernel(%arg0: i32, %arg1: i32, %arg2: memref<10000x128xf32, #tpu.memory_space<hbm>>, %arg3: memref<2x320000xi32, #tpu.memory_space<hbm>>, %arg4: memref<2x10240x128xf32, #tpu.memory_space<hbm>>, %arg5: memref<2x128xi32, #tpu.memory_space<vmem>>, %arg6: memref<2x128xi32, #tpu.memory_space<vmem>>, %arg7: memref<2x128x128xf32, #tpu.memory_space<vmem>>, %arg8: memref<16x128xf32, #tpu.memory_space<vmem>>, %arg9: memref<10240x128xf32, #tpu.memory_space<vmem_shared>>, %arg10: memref<!tpu.dma_semaphore, #tpu.memory_space<semaphore_mem>>, %arg11: memref<!tpu.dma_semaphore, #tpu.memory_space<semaphore_mem>>, %arg12: memref<!tpu.dma_semaphore, #tpu.memory_space<semaphore_mem>>, %arg13: memref<!tpu.dma_semaphore, #tpu.memory_space<semaphore_mem>>, %arg14: memref<!tpu.dma_semaphore, #tpu.memory_space<semaphore_mem>>, %arg15: memref<!tpu.dma_semaphore, #tpu.memory_space<semaphore_mem>>, %arg16: memref<!tpu.dma_semaphore, #tpu.memory_space<semaphore_mem>>, %arg17: memref<!tpu.dma_semaphore, #tpu.memory_space<semaphore_mem>>) attributes {dimension_semantics = [#tpu.dimension_semantics<core_parallel>, #tpu.dimension_semantics<subcore_parallel>], iteration_bounds = array<i64: 2, 16>, scalar_prefetch = 0 : i64, scratch_operands = 13 : i64, tpu.core_type = #tpu.core_type<sc_vector_subcore>, window_params = [{transform_indices = #map}, {transform_indices = #map}, {transform_indices = #map1}]} {
    %mul3A = arith.constant 16 : i32
    %mul3A_0 = arith.muli %arg0, %mul3A : i32
    %add3A = arith.addi %mul3A_0, %arg1 : i32
    %mul3A_1 = arith.constant 78 : i32
    %mul3A_2 = arith.muli %add3A, %mul3A_1 : i32
    %scan3A = arith.constant 0 : i32
    %scan3A_3 = arith.constant 128 : i32
    %scan3A_4 = arith.addi %scan3A, %scan3A_3 : i32
    %scan3A_5 = arith.constant 1 : i32
    scf.for %scan3A_86 = %scan3A to %scan3A_4 step %scan3A_5  : i32 {
      %jit3A = arith.constant 8 : i32
      %div3A = arith.divsi %scan3A_86, %jit3A : i32
      %sign3A = arith.constant 0 : i32
      %sign3A_87 = arith.cmpi sgt, %scan3A_86, %sign3A : i32
      %sign3A_88 = arith.extui %sign3A_87 : i1 to i32
      %sign3A_89 = arith.constant 0 : i32
      %sign3A_90 = arith.cmpi slt, %scan3A_86, %sign3A_89 : i32
      %sign3A_91 = arith.extui %sign3A_90 : i1 to i32
      %sign3A_92 = arith.subi %sign3A_88, %sign3A_91 : i32
      %sign3A_93 = arith.constant 0 : i32
      %sign3A_94 = arith.cmpi sgt, %jit3A, %sign3A_93 : i32
      %sign3A_95 = arith.extui %sign3A_94 : i1 to i32
      %sign3A_96 = arith.constant 0 : i32
      %sign3A_97 = arith.cmpi slt, %jit3A, %sign3A_96 : i32
      %sign3A_98 = arith.extui %sign3A_97 : i1 to i32
      %sign3A_99 = arith.subi %sign3A_95, %sign3A_98 : i32
      %ne3A = arith.cmpi ne, %sign3A_92, %sign3A_99 : i32
      %rem3A = arith.remsi %scan3A_86, %jit3A : i32
      %ne3A_100 = arith.constant 0 : i32
      %ne3A_101 = arith.cmpi ne, %rem3A, %ne3A_100 : i32
      %and3A = arith.andi %ne3A, %ne3A_101 : i1
      %sub3A = arith.constant 1 : i32
      %sub3A_102 = arith.subi %div3A, %sub3A : i32
      %select_n3A = arith.select %and3A, %sub3A_102, %div3A : i32
      %jit3A_103 = arith.constant 8 : i32
      %eq3A = arith.constant 0 : i32
      %eq3A_104 = arith.cmpi eq, %jit3A_103, %eq3A : i32
      %jit3A_105 = arith.constant 1 : i32
      %select_n3A_106 = arith.select %eq3A_104, %jit3A_105, %jit3A_103 : i32
      %rem3A_107 = arith.remsi %scan3A_86, %select_n3A_106 : i32
      %ne3A_108 = arith.constant 0 : i32
      %ne3A_109 = arith.cmpi ne, %rem3A_107, %ne3A_108 : i32
      %lt3A_110 = arith.constant 0 : i32
      %lt3A_111 = arith.cmpi slt, %rem3A_107, %lt3A_110 : i32
      %lt3A_112 = arith.constant 0 : i32
      %lt3A_113 = arith.cmpi slt, %select_n3A_106, %lt3A_112 : i32
      %ne3A_114 = arith.xori %lt3A_111, %lt3A_113 : i1
      %and3A_115 = arith.andi %ne3A_114, %ne3A_109 : i1
      %add3A_116 = arith.addi %rem3A_107, %select_n3A_106 : i32
      %select_n3A_117 = arith.select %and3A_115, %add3A_116, %rem3A_107 : i32
      %mul3A_118 = arith.constant 16 : i32
      %mul3A_119 = arith.muli %select_n3A_117, %mul3A_118 : i32
      %broadcast_in_dim3A = arith.constant 0.000000e+00 : f32
      %broadcast_in_dim3A_120 = vector.broadcast %broadcast_in_dim3A : f32 to vector<16xf32>
      %swap3A = arith.index_cast %select_n3A : i32 to index
      %swap3A_121 = arith.index_cast %mul3A_119 : i32 to index
      %swap3A_122 = tpu.vector_load %arg8[%swap3A, %swap3A_121] {strides = array<i32>} : memref<16x128xf32, #tpu.memory_space<vmem>>, vector<1x16xf32>,
      %swap3A_123 = vector.shape_cast %swap3A_122 : vector<1x16xf32> to vector<16xf32>
      %swap3A_124 = vector.shape_cast %broadcast_in_dim3A_120 : vector<16xf32> to vector<1x16xf32>
      tpu.vector_store %arg8[%swap3A, %swap3A_121], %swap3A_124 {strides = array<i32>} : memref<16x128xf32, #tpu.memory_space<vmem>>, vector<1x16xf32>,
    }
    %scan3A_6 = arith.constant 128 : i32
    %scan3A_7 = arith.constant 0 : i32
    %scan3A_8 = arith.constant 40 : i32
    %scan3A_9 = arith.addi %scan3A_7, %scan3A_8 : i32
    %scan3A_10 = arith.constant 1 : i32
    scf.for %scan3A_86 = %scan3A_7 to %scan3A_9 step %scan3A_10  : i32 {
      %mul3A_87 = arith.constant 640 : i32
      %mul3A_88 = arith.muli %arg1, %mul3A_87 : i32
      %mul3A_89 = arith.constant 16 : i32
      %mul3A_90 = arith.muli %scan3A_86, %mul3A_89 : i32
      %add3A_91 = arith.addi %mul3A_88, %mul3A_90 : i32
      "tpu.region"() ({
        %run_scoped3A_92 = tpu.sem_alloc : memref<!tpu.dma_semaphore, #tpu.memory_space<semaphore_mem>>
        %dma_start3A_93 = arith.constant 0 : i32
        %dma_start3A_94 = tpu.memref_slice %arg9[%add3A_91, %dma_start3A_93] : memref<10240x128xf32, #tpu.memory_space<vmem_shared>> -> memref<16x128xf32, #tpu.memory_space<vmem_shared>>
        %dma_start3A_95 = arith.constant 0 : i32
        %dma_start3A_96 = tpu.memref_slice %arg9[%add3A_91, %dma_start3A_95] : memref<10240x128xf32, #tpu.memory_space<vmem_shared>> -> memref<16x128xf32, #tpu.memory_space<vmem_shared>>
        tpu.enqueue_dma source(%arg8 : memref<16x128xf32, #tpu.memory_space<vmem>>) target(%dma_start3A_96 : memref<16x128xf32, #tpu.memory_space<vmem_shared>>) target_semaphore(%run_scoped3A_92 : memref<!tpu.dma_semaphore, #tpu.memory_space<semaphore_mem>>)
        %dma_wait3A_97 = arith.constant 0 : i32
        %dma_wait3A_98 = tpu.memref_slice %arg9[%add3A_91, %dma_wait3A_97] : memref<10240x128xf32, #tpu.memory_space<vmem_shared>> -> memref<16x128xf32, #tpu.memory_space<vmem_shared>>
        %dma_wait3A_99 = arith.constant 0 : i32
        %dma_wait3A_100 = tpu.memref_slice %arg9[%add3A_91, %dma_wait3A_99] : memref<10240x128xf32, #tpu.memory_space<vmem_shared>> -> memref<16x128xf32, #tpu.memory_space<vmem_shared>>
        tpu.wait_dma2 semaphore(%run_scoped3A_92 : memref<!tpu.dma_semaphore, #tpu.memory_space<semaphore_mem>>) src(%arg8 : memref<16x128xf32, #tpu.memory_space<vmem>>) dst(%dma_wait3A_100 : memref<16x128xf32, #tpu.memory_space<vmem_shared>>)
        tpu.yield
      }) : () -> ()
    }
    %scan3A_11 = arith.constant 40 : i32
    %barrier3A = arith.constant 0 : index
    tpu.barrier barrier_id(%barrier3A)
    %mul3A_12 = arith.constant 128 : i32
    %mul3A_13 = arith.muli %mul3A_2, %mul3A_12 : i32
    %run_scoped3A = arith.constant 0 : i32
    %run_scoped3A_14 = arith.constant 0 : i32
    "tpu.region"() ({
      %run_scoped3A_86 = tpu.sem_alloc : memref<!tpu.dma_semaphore, #tpu.memory_space<semaphore_mem>>
      %dma_start3A_87 = arith.constant 0 : i32
      %dma_start3A_88 = tpu.memref_slice %arg5[%run_scoped3A_14, %dma_start3A_87] : memref<2x128xi32, #tpu.memory_space<vmem>> -> memref<1x128xi32, #tpu.memory_space<vmem>>
      %dma_start3A_89 = tpu.memref_squeeze %dma_start3A_88 : memref<1x128xi32, #tpu.memory_space<vmem>> -> memref<128xi32, #tpu.memory_space<vmem>>
      %dma_start3A_90 = tpu.memref_slice %arg3[%run_scoped3A, %mul3A_13] : memref<2x320000xi32, #tpu.memory_space<hbm>> -> memref<1x128xi32, #tpu.memory_space<hbm>>
      %dma_start3A_91 = tpu.memref_squeeze %dma_start3A_90 : memref<1x128xi32, #tpu.memory_space<hbm>> -> memref<128xi32, #tpu.memory_space<hbm>>
      %dma_start3A_92 = arith.constant 0 : i32
      %dma_start3A_93 = tpu.memref_slice %arg5[%run_scoped3A_14, %dma_start3A_92] : memref<2x128xi32, #tpu.memory_space<vmem>> -> memref<1x128xi32, #tpu.memory_space<vmem>>
      %dma_start3A_94 = tpu.memref_squeeze %dma_start3A_93 : memref<1x128xi32, #tpu.memory_space<vmem>> -> memref<128xi32, #tpu.memory_space<vmem>>
      %dma_start3A_95 = tpu.memref_slice %arg3[%run_scoped3A, %mul3A_13] : memref<2x320000xi32, #tpu.memory_space<hbm>> -> memref<1x128xi32, #tpu.memory_space<hbm>>
      %dma_start3A_96 = tpu.memref_squeeze %dma_start3A_95 : memref<1x128xi32, #tpu.memory_space<hbm>> -> memref<128xi32, #tpu.memory_space<hbm>>
      tpu.enqueue_dma source(%dma_start3A_96 : memref<128xi32, #tpu.memory_space<hbm>>) target(%dma_start3A_94 : memref<128xi32, #tpu.memory_space<vmem>>) target_semaphore(%run_scoped3A_86 : memref<!tpu.dma_semaphore, #tpu.memory_space<semaphore_mem>>)
      %dma_wait3A_97 = arith.constant 0 : i32
      %dma_wait3A_98 = tpu.memref_slice %arg5[%run_scoped3A_14, %dma_wait3A_97] : memref<2x128xi32, #tpu.memory_space<vmem>> -> memref<1x128xi32, #tpu.memory_space<vmem>>
      %dma_wait3A_99 = tpu.memref_squeeze %dma_wait3A_98 : memref<1x128xi32, #tpu.memory_space<vmem>> -> memref<128xi32, #tpu.memory_space<vmem>>
      %dma_wait3A_100 = tpu.memref_slice %arg3[%run_scoped3A, %mul3A_13] : memref<2x320000xi32, #tpu.memory_space<hbm>> -> memref<1x128xi32, #tpu.memory_space<hbm>>
      %dma_wait3A_101 = tpu.memref_squeeze %dma_wait3A_100 : memref<1x128xi32, #tpu.memory_space<hbm>> -> memref<128xi32, #tpu.memory_space<hbm>>
      %dma_wait3A_102 = arith.constant 0 : i32
      %dma_wait3A_103 = tpu.memref_slice %arg5[%run_scoped3A_14, %dma_wait3A_102] : memref<2x128xi32, #tpu.memory_space<vmem>> -> memref<1x128xi32, #tpu.memory_space<vmem>>
      %dma_wait3A_104 = tpu.memref_squeeze %dma_wait3A_103 : memref<1x128xi32, #tpu.memory_space<vmem>> -> memref<128xi32, #tpu.memory_space<vmem>>
      %dma_wait3A_105 = tpu.memref_slice %arg3[%run_scoped3A, %mul3A_13] : memref<2x320000xi32, #tpu.memory_space<hbm>> -> memref<1x128xi32, #tpu.memory_space<hbm>>
      %dma_wait3A_106 = tpu.memref_squeeze %dma_wait3A_105 : memref<1x128xi32, #tpu.memory_space<hbm>> -> memref<128xi32, #tpu.memory_space<hbm>>
      tpu.wait_dma2 semaphore(%run_scoped3A_86 : memref<!tpu.dma_semaphore, #tpu.memory_space<semaphore_mem>>) src(%dma_wait3A_106 : memref<128xi32, #tpu.memory_space<hbm>>) dst(%dma_wait3A_104 : memref<128xi32, #tpu.memory_space<vmem>>)
      tpu.yield
    }) : () -> ()
    %mul3A_15 = arith.constant 128 : i32
    %mul3A_16 = arith.muli %mul3A_2, %mul3A_15 : i32
    %run_scoped3A_17 = arith.constant 1 : i32
    %run_scoped3A_18 = arith.constant 0 : i32
    "tpu.region"() ({
      %run_scoped3A_86 = tpu.sem_alloc : memref<!tpu.dma_semaphore, #tpu.memory_space<semaphore_mem>>
      %dma_start3A_87 = arith.constant 0 : i32
      %dma_start3A_88 = tpu.memref_slice %arg6[%run_scoped3A_18, %dma_start3A_87] : memref<2x128xi32, #tpu.memory_space<vmem>> -> memref<1x128xi32, #tpu.memory_space<vmem>>
      %dma_start3A_89 = tpu.memref_squeeze %dma_start3A_88 : memref<1x128xi32, #tpu.memory_space<vmem>> -> memref<128xi32, #tpu.memory_space<vmem>>
      %dma_start3A_90 = tpu.memref_slice %arg3[%run_scoped3A_17, %mul3A_16] : memref<2x320000xi32, #tpu.memory_space<hbm>> -> memref<1x128xi32, #tpu.memory_space<hbm>>
      %dma_start3A_91 = tpu.memref_squeeze %dma_start3A_90 : memref<1x128xi32, #tpu.memory_space<hbm>> -> memref<128xi32, #tpu.memory_space<hbm>>
      %dma_start3A_92 = arith.constant 0 : i32
      %dma_start3A_93 = tpu.memref_slice %arg6[%run_scoped3A_18, %dma_start3A_92] : memref<2x128xi32, #tpu.memory_space<vmem>> -> memref<1x128xi32, #tpu.memory_space<vmem>>
      %dma_start3A_94 = tpu.memref_squeeze %dma_start3A_93 : memref<1x128xi32, #tpu.memory_space<vmem>> -> memref<128xi32, #tpu.memory_space<vmem>>
      %dma_start3A_95 = tpu.memref_slice %arg3[%run_scoped3A_17, %mul3A_16] : memref<2x320000xi32, #tpu.memory_space<hbm>> -> memref<1x128xi32, #tpu.memory_space<hbm>>
      %dma_start3A_96 = tpu.memref_squeeze %dma_start3A_95 : memref<1x128xi32, #tpu.memory_space<hbm>> -> memref<128xi32, #tpu.memory_space<hbm>>
      tpu.enqueue_dma source(%dma_start3A_96 : memref<128xi32, #tpu.memory_space<hbm>>) target(%dma_start3A_94 : memref<128xi32, #tpu.memory_space<vmem>>) target_semaphore(%run_scoped3A_86 : memref<!tpu.dma_semaphore, #tpu.memory_space<semaphore_mem>>)
      %dma_wait3A_97 = arith.constant 0 : i32
      %dma_wait3A_98 = tpu.memref_slice %arg6[%run_scoped3A_18, %dma_wait3A_97] : memref<2x128xi32, #tpu.memory_space<vmem>> -> memref<1x128xi32, #tpu.memory_space<vmem>>
      %dma_wait3A_99 = tpu.memref_squeeze %dma_wait3A_98 : memref<1x128xi32, #tpu.memory_space<vmem>> -> memref<128xi32, #tpu.memory_space<vmem>>
      %dma_wait3A_100 = tpu.memref_slice %arg3[%run_scoped3A_17, %mul3A_16] : memref<2x320000xi32, #tpu.memory_space<hbm>> -> memref<1x128xi32, #tpu.memory_space<hbm>>
      %dma_wait3A_101 = tpu.memref_squeeze %dma_wait3A_100 : memref<1x128xi32, #tpu.memory_space<hbm>> -> memref<128xi32, #tpu.memory_space<hbm>>
      %dma_wait3A_102 = arith.constant 0 : i32
      %dma_wait3A_103 = tpu.memref_slice %arg6[%run_scoped3A_18, %dma_wait3A_102] : memref<2x128xi32, #tpu.memory_space<vmem>> -> memref<1x128xi32, #tpu.memory_space<vmem>>
      %dma_wait3A_104 = tpu.memref_squeeze %dma_wait3A_103 : memref<1x128xi32, #tpu.memory_space<vmem>> -> memref<128xi32, #tpu.memory_space<vmem>>
      %dma_wait3A_105 = tpu.memref_slice %arg3[%run_scoped3A_17, %mul3A_16] : memref<2x320000xi32, #tpu.memory_space<hbm>> -> memref<1x128xi32, #tpu.memory_space<hbm>>
      %dma_wait3A_106 = tpu.memref_squeeze %dma_wait3A_105 : memref<1x128xi32, #tpu.memory_space<hbm>> -> memref<128xi32, #tpu.memory_space<hbm>>
      tpu.wait_dma2 semaphore(%run_scoped3A_86 : memref<!tpu.dma_semaphore, #tpu.memory_space<semaphore_mem>>) src(%dma_wait3A_106 : memref<128xi32, #tpu.memory_space<hbm>>) dst(%dma_wait3A_104 : memref<128xi32, #tpu.memory_space<vmem>>)
      tpu.yield
    }) : () -> ()
    %add3A_19 = arith.constant 1 : i32
    %add3A_20 = arith.addi %mul3A_2, %add3A_19 : i32
    %mul3A_21 = arith.constant 128 : i32
    %mul3A_22 = arith.muli %add3A_20, %mul3A_21 : i32
    %dma_start3A = arith.constant 0 : i32
    %dma_start3A_23 = arith.constant 1 : i32
    %dma_start3A_24 = arith.constant 0 : i32
    %dma_start3A_25 = tpu.memref_slice %arg5[%dma_start3A_23, %dma_start3A_24] : memref<2x128xi32, #tpu.memory_space<vmem>> -> memref<1x128xi32, #tpu.memory_space<vmem>>
    %dma_start3A_26 = tpu.memref_squeeze %dma_start3A_25 : memref<1x128xi32, #tpu.memory_space<vmem>> -> memref<128xi32, #tpu.memory_space<vmem>>
    %dma_start3A_27 = tpu.memref_slice %arg3[%dma_start3A, %mul3A_22] : memref<2x320000xi32, #tpu.memory_space<hbm>> -> memref<1x128xi32, #tpu.memory_space<hbm>>
    %dma_start3A_28 = tpu.memref_squeeze %dma_start3A_27 : memref<1x128xi32, #tpu.memory_space<hbm>> -> memref<128xi32, #tpu.memory_space<hbm>>
    %dma_start3A_29 = arith.constant 0 : i32
    %dma_start3A_30 = tpu.memref_slice %arg5[%dma_start3A_23, %dma_start3A_29] : memref<2x128xi32, #tpu.memory_space<vmem>> -> memref<1x128xi32, #tpu.memory_space<vmem>>
    %dma_start3A_31 = tpu.memref_squeeze %dma_start3A_30 : memref<1x128xi32, #tpu.memory_space<vmem>> -> memref<128xi32, #tpu.memory_space<vmem>>
    %dma_start3A_32 = tpu.memref_slice %arg3[%dma_start3A, %mul3A_22] : memref<2x320000xi32, #tpu.memory_space<hbm>> -> memref<1x128xi32, #tpu.memory_space<hbm>>
    %dma_start3A_33 = tpu.memref_squeeze %dma_start3A_32 : memref<1x128xi32, #tpu.memory_space<hbm>> -> memref<128xi32, #tpu.memory_space<hbm>>
    tpu.enqueue_dma source(%dma_start3A_33 : memref<128xi32, #tpu.memory_space<hbm>>) target(%dma_start3A_31 : memref<128xi32, #tpu.memory_space<vmem>>) target_semaphore(%arg13 : memref<!tpu.dma_semaphore, #tpu.memory_space<semaphore_mem>>)
    %add3A_34 = arith.constant 1 : i32
    %add3A_35 = arith.addi %mul3A_2, %add3A_34 : i32
    %mul3A_36 = arith.constant 128 : i32
    %mul3A_37 = arith.muli %add3A_35, %mul3A_36 : i32
    %dma_start3A_38 = arith.constant 1 : i32
    %dma_start3A_39 = arith.constant 1 : i32
    %dma_start3A_40 = arith.constant 0 : i32
    %dma_start3A_41 = tpu.memref_slice %arg6[%dma_start3A_39, %dma_start3A_40] : memref<2x128xi32, #tpu.memory_space<vmem>> -> memref<1x128xi32, #tpu.memory_space<vmem>>
    %dma_start3A_42 = tpu.memref_squeeze %dma_start3A_41 : memref<1x128xi32, #tpu.memory_space<vmem>> -> memref<128xi32, #tpu.memory_space<vmem>>
    %dma_start3A_43 = tpu.memref_slice %arg3[%dma_start3A_38, %mul3A_37] : memref<2x320000xi32, #tpu.memory_space<hbm>> -> memref<1x128xi32, #tpu.memory_space<hbm>>
    %dma_start3A_44 = tpu.memref_squeeze %dma_start3A_43 : memref<1x128xi32, #tpu.memory_space<hbm>> -> memref<128xi32, #tpu.memory_space<hbm>>
    %dma_start3A_45 = arith.constant 0 : i32
    %dma_start3A_46 = tpu.memref_slice %arg6[%dma_start3A_39, %dma_start3A_45] : memref<2x128xi32, #tpu.memory_space<vmem>> -> memref<1x128xi32, #tpu.memory_space<vmem>>
    %dma_start3A_47 = tpu.memref_squeeze %dma_start3A_46 : memref<1x128xi32, #tpu.memory_space<vmem>> -> memref<128xi32, #tpu.memory_space<vmem>>
    %dma_start3A_48 = tpu.memref_slice %arg3[%dma_start3A_38, %mul3A_37] : memref<2x320000xi32, #tpu.memory_space<hbm>> -> memref<1x128xi32, #tpu.memory_space<hbm>>
    %dma_start3A_49 = tpu.memref_squeeze %dma_start3A_48 : memref<1x128xi32, #tpu.memory_space<hbm>> -> memref<128xi32, #tpu.memory_space<hbm>>
    tpu.enqueue_dma source(%dma_start3A_49 : memref<128xi32, #tpu.memory_space<hbm>>) target(%dma_start3A_47 : memref<128xi32, #tpu.memory_space<vmem>>) target_semaphore(%arg15 : memref<!tpu.dma_semaphore, #tpu.memory_space<semaphore_mem>>)
    %dma_start3A_50 = arith.constant 0 : i32
    %dma_start3A_51 = arith.constant 0 : i32
    %dma_start3A_52 = arith.constant 0 : i32
    %dma_start3A_53 = arith.constant 0 : i32
    %dma_start3A_54 = tpu.memref_slice %arg7[%dma_start3A_51, %dma_start3A_52, %dma_start3A_53] : memref<2x128x128xf32, #tpu.memory_space<vmem>> -> memref<1x128x128xf32, #tpu.memory_space<vmem>>
    %dma_start3A_55 = tpu.memref_squeeze %dma_start3A_54 : memref<1x128x128xf32, #tpu.memory_space<vmem>> -> memref<128x128xf32, #tpu.memory_space<vmem>>
    %dma_start3A_56 = arith.constant 0 : i32
    %dma_start3A_57 = tpu.memref_slice %arg5[%dma_start3A_50, %dma_start3A_56] : memref<2x128xi32, #tpu.memory_space<vmem>> -> memref<1x128xi32, #tpu.memory_space<vmem>>
    %dma_start3A_58 = tpu.memref_squeeze %dma_start3A_57 : memref<1x128xi32, #tpu.memory_space<vmem>> -> memref<128xi32, #tpu.memory_space<vmem>>
    %dma_start3A_59 = arith.constant 0 : i32
    %dma_start3A_60 = arith.constant 0 : i32
    %dma_start3A_61 = tpu.memref_slice %arg2[%dma_start3A_59, %dma_start3A_60] : memref<10000x128xf32, #tpu.memory_space<hbm>> -> memref<10000x128xf32, #tpu.memory_space<hbm>>
    tpu.enqueue_indirect_dma source(%dma_start3A_61 : memref<10000x128xf32, #tpu.memory_space<hbm>>) target(%dma_start3A_55 : memref<128x128xf32, #tpu.memory_space<vmem>>) offsets(%dma_start3A_58 : memref<128xi32, #tpu.memory_space<vmem>>) semaphore(%arg10 : memref<!tpu.dma_semaphore, #tpu.memory_space<semaphore_mem>>)
    %scan3A_62 = arith.constant 0 : i32
    %scan3A_63 = arith.constant 39 : i32
    %scan3A_64 = arith.addi %scan3A_62, %scan3A_63 : i32
    %scan3A_65 = arith.constant 1 : i32
    scf.for %scan3A_86 = %scan3A_62 to %scan3A_64 step %scan3A_65  : i32 {
      %mul3A_87 = arith.constant 2 : i32
      %mul3A_88 = arith.muli %mul3A_87, %scan3A_86 : i32
      %add3A_89 = arith.addi %mul3A_2, %mul3A_88 : i32
      %mul3A_90 = arith.constant 128 : i32
      %mul3A_91 = arith.muli %add3A_89, %mul3A_90 : i32
      %lt3A_92 = arith.constant 38 : i32
      %lt3A_93 = arith.cmpi slt, %scan3A_86, %lt3A_92 : i32
      %dma_wait3A_94 = arith.constant 0 : i32
      %dma_wait3A_95 = arith.constant 0 : i32
      %dma_wait3A_96 = arith.constant 0 : i32
      %dma_wait3A_97 = tpu.memref_slice %arg7[%dma_wait3A_94, %dma_wait3A_95, %dma_wait3A_96] : memref<2x128x128xf32, #tpu.memory_space<vmem>> -> memref<1x128x128xf32, #tpu.memory_space<vmem>>
      %dma_wait3A_98 = tpu.memref_squeeze %dma_wait3A_97 : memref<1x128x128xf32, #tpu.memory_space<vmem>> -> memref<128x128xf32, #tpu.memory_space<vmem>>
      %dma_wait3A_99 = arith.constant 0 : i32
      %dma_wait3A_100 = arith.constant 0 : i32
      %dma_wait3A_101 = tpu.memref_slice %arg2[%dma_wait3A_99, %dma_wait3A_100] : memref<10000x128xf32, #tpu.memory_space<hbm>> -> memref<128x128xf32, #tpu.memory_space<hbm>>
      %dma_wait3A_102 = arith.constant 0 : i32
      %dma_wait3A_103 = arith.constant 0 : i32
      %dma_wait3A_104 = tpu.memref_slice %arg7[%dma_wait3A_94, %dma_wait3A_102, %dma_wait3A_103] : memref<2x128x128xf32, #tpu.memory_space<vmem>> -> memref<1x128x128xf32, #tpu.memory_space<vmem>>
      %dma_wait3A_105 = tpu.memref_squeeze %dma_wait3A_104 : memref<1x128x128xf32, #tpu.memory_space<vmem>> -> memref<128x128xf32, #tpu.memory_space<vmem>>
      %dma_wait3A_106 = arith.constant 0 : i32
      %dma_wait3A_107 = arith.constant 0 : i32
      %dma_wait3A_108 = tpu.memref_slice %arg2[%dma_wait3A_106, %dma_wait3A_107] : memref<10000x128xf32, #tpu.memory_space<hbm>> -> memref<128x128xf32, #tpu.memory_space<hbm>>
      tpu.wait_dma2 semaphore(%arg10 : memref<!tpu.dma_semaphore, #tpu.memory_space<semaphore_mem>>) src(%dma_wait3A_108 : memref<128x128xf32, #tpu.memory_space<hbm>>) dst(%dma_wait3A_105 : memref<128x128xf32, #tpu.memory_space<vmem>>)
      %gt3A = arith.constant 0 : i32
      %gt3A_109 = arith.cmpi sgt, %scan3A_86, %gt3A : i32
      %convert_element_type3A_110 = arith.extui %gt3A_109 : i1 to i32
      %cond3A_111 = arith.constant 0 : i32
      %cond3A_112 = arith.cmpi ne, %convert_element_type3A_110, %cond3A_111 : i32
      scf.if %cond3A_112 {
        %dma_wait3A_212 = arith.constant 0 : i32
        %dma_wait3A_213 = arith.constant 0 : i32
        %dma_wait3A_214 = arith.constant 0 : i32
        %dma_wait3A_215 = tpu.memref_slice %arg6[%dma_wait3A_213, %dma_wait3A_214] : memref<2x128xi32, #tpu.memory_space<vmem>> -> memref<1x128xi32, #tpu.memory_space<vmem>>
        %dma_wait3A_216 = tpu.memref_squeeze %dma_wait3A_215 : memref<1x128xi32, #tpu.memory_space<vmem>> -> memref<128xi32, #tpu.memory_space<vmem>>
        %dma_wait3A_217 = arith.constant 0 : i32
        %dma_wait3A_218 = tpu.memref_slice %arg3[%dma_wait3A_212, %dma_wait3A_217] : memref<2x320000xi32, #tpu.memory_space<hbm>> -> memref<1x128xi32, #tpu.memory_space<hbm>>
        %dma_wait3A_219 = tpu.memref_squeeze %dma_wait3A_218 : memref<1x128xi32, #tpu.memory_space<hbm>> -> memref<128xi32, #tpu.memory_space<hbm>>
        %dma_wait3A_220 = arith.constant 0 : i32
        %dma_wait3A_221 = tpu.memref_slice %arg6[%dma_wait3A_213, %dma_wait3A_220] : memref<2x128xi32, #tpu.memory_space<vmem>> -> memref<1x128xi32, #tpu.memory_space<vmem>>
        %dma_wait3A_222 = tpu.memref_squeeze %dma_wait3A_221 : memref<1x128xi32, #tpu.memory_space<vmem>> -> memref<128xi32, #tpu.memory_space<vmem>>
        %dma_wait3A_223 = arith.constant 0 : i32
        %dma_wait3A_224 = tpu.memref_slice %arg3[%dma_wait3A_212, %dma_wait3A_223] : memref<2x320000xi32, #tpu.memory_space<hbm>> -> memref<1x128xi32, #tpu.memory_space<hbm>>
        %dma_wait3A_225 = tpu.memref_squeeze %dma_wait3A_224 : memref<1x128xi32, #tpu.memory_space<hbm>> -> memref<128xi32, #tpu.memory_space<hbm>>
        tpu.wait_dma2 semaphore(%arg14 : memref<!tpu.dma_semaphore, #tpu.memory_space<semaphore_mem>>) src(%dma_wait3A_225 : memref<128xi32, #tpu.memory_space<hbm>>) dst(%dma_wait3A_222 : memref<128xi32, #tpu.memory_space<vmem>>)
      } else {
      }
      %dma_start3A_113 = arith.constant 0 : i32
      %dma_start3A_114 = arith.constant 0 : i32
      %dma_start3A_115 = arith.constant 0 : i32
      %dma_start3A_116 = arith.constant 0 : i32
      %dma_start3A_117 = tpu.memref_slice %arg7[%dma_start3A_113, %dma_start3A_115, %dma_start3A_116] : memref<2x128x128xf32, #tpu.memory_space<vmem>> -> memref<1x128x128xf32, #tpu.memory_space<vmem>>
      %dma_start3A_118 = tpu.memref_squeeze %dma_start3A_117 : memref<1x128x128xf32, #tpu.memory_space<vmem>> -> memref<128x128xf32, #tpu.memory_space<vmem>>
      %dma_start3A_119 = arith.constant 0 : i32
      %dma_start3A_120 = tpu.memref_slice %arg6[%dma_start3A_114, %dma_start3A_119] : memref<2x128xi32, #tpu.memory_space<vmem>> -> memref<1x128xi32, #tpu.memory_space<vmem>>
      %dma_start3A_121 = tpu.memref_squeeze %dma_start3A_120 : memref<1x128xi32, #tpu.memory_space<vmem>> -> memref<128xi32, #tpu.memory_space<vmem>>
      %dma_start3A_122 = arith.constant 0 : i32
      %dma_start3A_123 = arith.constant 0 : i32
      %dma_start3A_124 = tpu.memref_slice %arg9[%dma_start3A_122, %dma_start3A_123] : memref<10240x128xf32, #tpu.memory_space<vmem_shared>> -> memref<10240x128xf32, #tpu.memory_space<vmem_shared>>
      tpu.enqueue_indirect_dma source(%dma_start3A_118 : memref<128x128xf32, #tpu.memory_space<vmem>>) target(%dma_start3A_124 : memref<10240x128xf32, #tpu.memory_space<vmem_shared>>) offsets(%dma_start3A_121 : memref<128xi32, #tpu.memory_space<vmem>>) semaphore(%arg16 : memref<!tpu.dma_semaphore, #tpu.memory_space<semaphore_mem>>) {add = true}
      %convert_element_type3A_125 = arith.extui %lt3A_93 : i1 to i32
      %cond3A_126 = arith.constant 0 : i32
      %cond3A_127 = arith.cmpi ne, %convert_element_type3A_125, %cond3A_126 : i32
      scf.if %cond3A_127 {
        %add3A_212 = arith.constant 256 : i32
        %add3A_213 = arith.addi %mul3A_91, %add3A_212 : i32
        %dma_start3A_214 = arith.constant 0 : i32
        %dma_start3A_215 = arith.constant 0 : i32
        %dma_start3A_216 = arith.constant 0 : i32
        %dma_start3A_217 = tpu.memref_slice %arg5[%dma_start3A_215, %dma_start3A_216] : memref<2x128xi32, #tpu.memory_space<vmem>> -> memref<1x128xi32, #tpu.memory_space<vmem>>
        %dma_start3A_218 = tpu.memref_squeeze %dma_start3A_217 : memref<1x128xi32, #tpu.memory_space<vmem>> -> memref<128xi32, #tpu.memory_space<vmem>>
        %dma_start3A_219 = tpu.memref_slice %arg3[%dma_start3A_214, %add3A_213] : memref<2x320000xi32, #tpu.memory_space<hbm>> -> memref<1x128xi32, #tpu.memory_space<hbm>>
        %dma_start3A_220 = tpu.memref_squeeze %dma_start3A_219 : memref<1x128xi32, #tpu.memory_space<hbm>> -> memref<128xi32, #tpu.memory_space<hbm>>
        %dma_start3A_221 = arith.constant 0 : i32
        %dma_start3A_222 = tpu.memref_slice %arg5[%dma_start3A_215, %dma_start3A_221] : memref<2x128xi32, #tpu.memory_space<vmem>> -> memref<1x128xi32, #tpu.memory_space<vmem>>
        %dma_start3A_223 = tpu.memref_squeeze %dma_start3A_222 : memref<1x128xi32, #tpu.memory_space<vmem>> -> memref<128xi32, #tpu.memory_space<vmem>>
        %dma_start3A_224 = tpu.memref_slice %arg3[%dma_start3A_214, %add3A_213] : memref<2x320000xi32, #tpu.memory_space<hbm>> -> memref<1x128xi32, #tpu.memory_space<hbm>>
        %dma_start3A_225 = tpu.memref_squeeze %dma_start3A_224 : memref<1x128xi32, #tpu.memory_space<hbm>> -> memref<128xi32, #tpu.memory_space<hbm>>
        tpu.enqueue_dma source(%dma_start3A_225 : memref<128xi32, #tpu.memory_space<hbm>>) target(%dma_start3A_223 : memref<128xi32, #tpu.memory_space<vmem>>) target_semaphore(%arg12 : memref<!tpu.dma_semaphore, #tpu.memory_space<semaphore_mem>>)
      } else {
      }
      %dma_wait3A_128 = arith.constant 0 : i32
      %dma_wait3A_129 = arith.constant 1 : i32
      %dma_wait3A_130 = arith.constant 0 : i32
      %dma_wait3A_131 = tpu.memref_slice %arg5[%dma_wait3A_129, %dma_wait3A_130] : memref<2x128xi32, #tpu.memory_space<vmem>> -> memref<1x128xi32, #tpu.memory_space<vmem>>
      %dma_wait3A_132 = tpu.memref_squeeze %dma_wait3A_131 : memref<1x128xi32, #tpu.memory_space<vmem>> -> memref<128xi32, #tpu.memory_space<vmem>>
      %dma_wait3A_133 = arith.constant 0 : i32
      %dma_wait3A_134 = tpu.memref_slice %arg3[%dma_wait3A_128, %dma_wait3A_133] : memref<2x320000xi32, #tpu.memory_space<hbm>> -> memref<1x128xi32, #tpu.memory_space<hbm>>
      %dma_wait3A_135 = tpu.memref_squeeze %dma_wait3A_134 : memref<1x128xi32, #tpu.memory_space<hbm>> -> memref<128xi32, #tpu.memory_space<hbm>>
      %dma_wait3A_136 = arith.constant 0 : i32
      %dma_wait3A_137 = tpu.memref_slice %arg5[%dma_wait3A_129, %dma_wait3A_136] : memref<2x128xi32, #tpu.memory_space<vmem>> -> memref<1x128xi32, #tpu.memory_space<vmem>>
      %dma_wait3A_138 = tpu.memref_squeeze %dma_wait3A_137 : memref<1x128xi32, #tpu.memory_space<vmem>> -> memref<128xi32, #tpu.memory_space<vmem>>
      %dma_wait3A_139 = arith.constant 0 : i32
      %dma_wait3A_140 = tpu.memref_slice %arg3[%dma_wait3A_128, %dma_wait3A_139] : memref<2x320000xi32, #tpu.memory_space<hbm>> -> memref<1x128xi32, #tpu.memory_space<hbm>>
      %dma_wait3A_141 = tpu.memref_squeeze %dma_wait3A_140 : memref<1x128xi32, #tpu.memory_space<hbm>> -> memref<128xi32, #tpu.memory_space<hbm>>
      tpu.wait_dma2 semaphore(%arg13 : memref<!tpu.dma_semaphore, #tpu.memory_space<semaphore_mem>>) src(%dma_wait3A_141 : memref<128xi32, #tpu.memory_space<hbm>>) dst(%dma_wait3A_138 : memref<128xi32, #tpu.memory_space<vmem>>)
      %gt3A_142 = arith.constant 0 : i32
      %gt3A_143 = arith.cmpi sgt, %scan3A_86, %gt3A_142 : i32
      %convert_element_type3A_144 = arith.extui %gt3A_143 : i1 to i32
      %cond3A_145 = arith.constant 0 : i32
      %cond3A_146 = arith.cmpi ne, %convert_element_type3A_144, %cond3A_145 : i32
      scf.if %cond3A_146 {
        %dma_wait3A_212 = arith.constant 1 : i32
        %dma_wait3A_213 = arith.constant 1 : i32
        %dma_wait3A_214 = arith.constant 0 : i32
        %dma_wait3A_215 = arith.constant 0 : i32
        %dma_wait3A_216 = tpu.memref_slice %arg7[%dma_wait3A_212, %dma_wait3A_214, %dma_wait3A_215] : memref<2x128x128xf32, #tpu.memory_space<vmem>> -> memref<1x128x128xf32, #tpu.memory_space<vmem>>
        %dma_wait3A_217 = tpu.memref_squeeze %dma_wait3A_216 : memref<1x128x128xf32, #tpu.memory_space<vmem>> -> memref<128x128xf32, #tpu.memory_space<vmem>>
        %dma_wait3A_218 = arith.constant 0 : i32
        %dma_wait3A_219 = tpu.memref_slice %arg6[%dma_wait3A_213, %dma_wait3A_218] : memref<2x128xi32, #tpu.memory_space<vmem>> -> memref<1x128xi32, #tpu.memory_space<vmem>>
        %dma_wait3A_220 = tpu.memref_squeeze %dma_wait3A_219 : memref<1x128xi32, #tpu.memory_space<vmem>> -> memref<128xi32, #tpu.memory_space<vmem>>
        %dma_wait3A_221 = arith.constant 0 : i32
        %dma_wait3A_222 = arith.constant 0 : i32
        %dma_wait3A_223 = tpu.memref_slice %arg9[%dma_wait3A_221, %dma_wait3A_222] : memref<10240x128xf32, #tpu.memory_space<vmem_shared>> -> memref<10240x128xf32, #tpu.memory_space<vmem_shared>>
        tpu.wait_indirect_dma semaphore(%arg17 : memref<!tpu.dma_semaphore, #tpu.memory_space<semaphore_mem>>) src(%dma_wait3A_217 : memref<128x128xf32, #tpu.memory_space<vmem>>) dst(%dma_wait3A_223 : memref<10240x128xf32, #tpu.memory_space<vmem_shared>>)
        %add3A_224 = arith.constant 128 : i32
        %add3A_225 = arith.addi %mul3A_91, %add3A_224 : i32
        %dma_start3A_226 = arith.constant 1 : i32
        %dma_start3A_227 = arith.constant 1 : i32
        %dma_start3A_228 = arith.constant 0 : i32
        %dma_start3A_229 = tpu.memref_slice %arg6[%dma_start3A_227, %dma_start3A_228] : memref<2x128xi32, #tpu.memory_space<vmem>> -> memref<1x128xi32, #tpu.memory_space<vmem>>
        %dma_start3A_230 = tpu.memref_squeeze %dma_start3A_229 : memref<1x128xi32, #tpu.memory_space<vmem>> -> memref<128xi32, #tpu.memory_space<vmem>>
        %dma_start3A_231 = tpu.memref_slice %arg3[%dma_start3A_226, %add3A_225] : memref<2x320000xi32, #tpu.memory_space<hbm>> -> memref<1x128xi32, #tpu.memory_space<hbm>>
        %dma_start3A_232 = tpu.memref_squeeze %dma_start3A_231 : memref<1x128xi32, #tpu.memory_space<hbm>> -> memref<128xi32, #tpu.memory_space<hbm>>
        %dma_start3A_233 = arith.constant 0 : i32
        %dma_start3A_234 = tpu.memref_slice %arg6[%dma_start3A_227, %dma_start3A_233] : memref<2x128xi32, #tpu.memory_space<vmem>> -> memref<1x128xi32, #tpu.memory_space<vmem>>
        %dma_start3A_235 = tpu.memref_squeeze %dma_start3A_234 : memref<1x128xi32, #tpu.memory_space<vmem>> -> memref<128xi32, #tpu.memory_space<vmem>>
        %dma_start3A_236 = tpu.memref_slice %arg3[%dma_start3A_226, %add3A_225] : memref<2x320000xi32, #tpu.memory_space<hbm>> -> memref<1x128xi32, #tpu.memory_space<hbm>>
        %dma_start3A_237 = tpu.memref_squeeze %dma_start3A_236 : memref<1x128xi32, #tpu.memory_space<hbm>> -> memref<128xi32, #tpu.memory_space<hbm>>
        tpu.enqueue_dma source(%dma_start3A_237 : memref<128xi32, #tpu.memory_space<hbm>>) target(%dma_start3A_235 : memref<128xi32, #tpu.memory_space<vmem>>) target_semaphore(%arg15 : memref<!tpu.dma_semaphore, #tpu.memory_space<semaphore_mem>>)
      } else {
      }
      %dma_start3A_147 = arith.constant 1 : i32
      %dma_start3A_148 = arith.constant 1 : i32
      %dma_start3A_149 = arith.constant 0 : i32
      %dma_start3A_150 = arith.constant 0 : i32
      %dma_start3A_151 = tpu.memref_slice %arg7[%dma_start3A_148, %dma_start3A_149, %dma_start3A_150] : memref<2x128x128xf32, #tpu.memory_space<vmem>> -> memref<1x128x128xf32, #tpu.memory_space<vmem>>
      %dma_start3A_152 = tpu.memref_squeeze %dma_start3A_151 : memref<1x128x128xf32, #tpu.memory_space<vmem>> -> memref<128x128xf32, #tpu.memory_space<vmem>>
      %dma_start3A_153 = arith.constant 0 : i32
      %dma_start3A_154 = tpu.memref_slice %arg5[%dma_start3A_147, %dma_start3A_153] : memref<2x128xi32, #tpu.memory_space<vmem>> -> memref<1x128xi32, #tpu.memory_space<vmem>>
      %dma_start3A_155 = tpu.memref_squeeze %dma_start3A_154 : memref<1x128xi32, #tpu.memory_space<vmem>> -> memref<128xi32, #tpu.memory_space<vmem>>
      %dma_start3A_156 = arith.constant 0 : i32
      %dma_start3A_157 = arith.constant 0 : i32
      %dma_start3A_158 = tpu.memref_slice %arg2[%dma_start3A_156, %dma_start3A_157] : memref<10000x128xf32, #tpu.memory_space<hbm>> -> memref<10000x128xf32, #tpu.memory_space<hbm>>
      tpu.enqueue_indirect_dma source(%dma_start3A_158 : memref<10000x128xf32, #tpu.memory_space<hbm>>) target(%dma_start3A_152 : memref<128x128xf32, #tpu.memory_space<vmem>>) offsets(%dma_start3A_155 : memref<128xi32, #tpu.memory_space<vmem>>) semaphore(%arg11 : memref<!tpu.dma_semaphore, #tpu.memory_space<semaphore_mem>>)
      %dma_wait3A_159 = arith.constant 1 : i32
      %dma_wait3A_160 = arith.constant 1 : i32
      %dma_wait3A_161 = arith.constant 0 : i32
      %dma_wait3A_162 = arith.constant 0 : i32
      %dma_wait3A_163 = tpu.memref_slice %arg7[%dma_wait3A_160, %dma_wait3A_161, %dma_wait3A_162] : memref<2x128x128xf32, #tpu.memory_space<vmem>> -> memref<1x128x128xf32, #tpu.memory_space<vmem>>
      %dma_wait3A_164 = tpu.memref_squeeze %dma_wait3A_163 : memref<1x128x128xf32, #tpu.memory_space<vmem>> -> memref<128x128xf32, #tpu.memory_space<vmem>>
      %dma_wait3A_165 = arith.constant 0 : i32
      %dma_wait3A_166 = tpu.memref_slice %arg5[%dma_wait3A_159, %dma_wait3A_165] : memref<2x128xi32, #tpu.memory_space<vmem>> -> memref<1x128xi32, #tpu.memory_space<vmem>>
      %dma_wait3A_167 = tpu.memref_squeeze %dma_wait3A_166 : memref<1x128xi32, #tpu.memory_space<vmem>> -> memref<128xi32, #tpu.memory_space<vmem>>
      %dma_wait3A_168 = arith.constant 0 : i32
      %dma_wait3A_169 = arith.constant 0 : i32
      %dma_wait3A_170 = tpu.memref_slice %arg2[%dma_wait3A_168, %dma_wait3A_169] : memref<10000x128xf32, #tpu.memory_space<hbm>> -> memref<10000x128xf32, #tpu.memory_space<hbm>>
      tpu.wait_indirect_dma semaphore(%arg11 : memref<!tpu.dma_semaphore, #tpu.memory_space<semaphore_mem>>) src(%dma_wait3A_170 : memref<10000x128xf32, #tpu.memory_space<hbm>>) dst(%dma_wait3A_164 : memref<128x128xf32, #tpu.memory_space<vmem>>)
      %dma_wait3A_171 = arith.constant 0 : i32
      %dma_wait3A_172 = arith.constant 1 : i32
      %dma_wait3A_173 = arith.constant 0 : i32
      %dma_wait3A_174 = tpu.memref_slice %arg6[%dma_wait3A_172, %dma_wait3A_173] : memref<2x128xi32, #tpu.memory_space<vmem>> -> memref<1x128xi32, #tpu.memory_space<vmem>>
      %dma_wait3A_175 = tpu.memref_squeeze %dma_wait3A_174 : memref<1x128xi32, #tpu.memory_space<vmem>> -> memref<128xi32, #tpu.memory_space<vmem>>
      %dma_wait3A_176 = arith.constant 0 : i32
      %dma_wait3A_177 = tpu.memref_slice %arg3[%dma_wait3A_171, %dma_wait3A_176] : memref<2x320000xi32, #tpu.memory_space<hbm>> -> memref<1x128xi32, #tpu.memory_space<hbm>>
      %dma_wait3A_178 = tpu.memref_squeeze %dma_wait3A_177 : memref<1x128xi32, #tpu.memory_space<hbm>> -> memref<128xi32, #tpu.memory_space<hbm>>
      %dma_wait3A_179 = arith.constant 0 : i32
      %dma_wait3A_180 = tpu.memref_slice %arg6[%dma_wait3A_172, %dma_wait3A_179] : memref<2x128xi32, #tpu.memory_space<vmem>> -> memref<1x128xi32, #tpu.memory_space<vmem>>
      %dma_wait3A_181 = tpu.memref_squeeze %dma_wait3A_180 : memref<1x128xi32, #tpu.memory_space<vmem>> -> memref<128xi32, #tpu.memory_space<vmem>>
      %dma_wait3A_182 = arith.constant 0 : i32
      %dma_wait3A_183 = tpu.memref_slice %arg3[%dma_wait3A_171, %dma_wait3A_182] : memref<2x320000xi32, #tpu.memory_space<hbm>> -> memref<1x128xi32, #tpu.memory_space<hbm>>
      %dma_wait3A_184 = tpu.memref_squeeze %dma_wait3A_183 : memref<1x128xi32, #tpu.memory_space<hbm>> -> memref<128xi32, #tpu.memory_space<hbm>>
      tpu.wait_dma2 semaphore(%arg15 : memref<!tpu.dma_semaphore, #tpu.memory_space<semaphore_mem>>) src(%dma_wait3A_184 : memref<128xi32, #tpu.memory_space<hbm>>) dst(%dma_wait3A_181 : memref<128xi32, #tpu.memory_space<vmem>>)
      %dma_start3A_185 = arith.constant 1 : i32
      %dma_start3A_186 = arith.constant 1 : i32
      %dma_start3A_187 = arith.constant 0 : i32
      %dma_start3A_188 = arith.constant 0 : i32
      %dma_start3A_189 = tpu.memref_slice %arg7[%dma_start3A_185, %dma_start3A_187, %dma_start3A_188] : memref<2x128x128xf32, #tpu.memory_space<vmem>> -> memref<1x128x128xf32, #tpu.memory_space<vmem>>
      %dma_start3A_190 = tpu.memref_squeeze %dma_start3A_189 : memref<1x128x128xf32, #tpu.memory_space<vmem>> -> memref<128x128xf32, #tpu.memory_space<vmem>>
      %dma_start3A_191 = arith.constant 0 : i32
      %dma_start3A_192 = tpu.memref_slice %arg6[%dma_start3A_186, %dma_start3A_191] : memref<2x128xi32, #tpu.memory_space<vmem>> -> memref<1x128xi32, #tpu.memory_space<vmem>>
      %dma_start3A_193 = tpu.memref_squeeze %dma_start3A_192 : memref<1x128xi32, #tpu.memory_space<vmem>> -> memref<128xi32, #tpu.memory_space<vmem>>
      %dma_start3A_194 = arith.constant 0 : i32
      %dma_start3A_195 = arith.constant 0 : i32
      %dma_start3A_196 = tpu.memref_slice %arg9[%dma_start3A_194, %dma_start3A_195] : memref<10240x128xf32, #tpu.memory_space<vmem_shared>> -> memref<10240x128xf32, #tpu.memory_space<vmem_shared>>
      tpu.enqueue_indirect_dma source(%dma_start3A_190 : memref<128x128xf32, #tpu.memory_space<vmem>>) target(%dma_start3A_196 : memref<10240x128xf32, #tpu.memory_space<vmem_shared>>) offsets(%dma_start3A_193 : memref<128xi32, #tpu.memory_space<vmem>>) semaphore(%arg17 : memref<!tpu.dma_semaphore, #tpu.memory_space<semaphore_mem>>) {add = true}
      %dma_wait3A_197 = arith.constant 0 : i32
      %dma_wait3A_198 = arith.constant 0 : i32
      %dma_wait3A_199 = arith.constant 0 : i32
      %dma_wait3A_200 = arith.constant 0 : i32
      %dma_wait3A_201 = tpu.memref_slice %arg7[%dma_wait3A_197, %dma_wait3A_199, %dma_wait3A_200] : memref<2x128x128xf32, #tpu.memory_space<vmem>> -> memref<1x128x128xf32, #tpu.memory_space<vmem>>
      %dma_wait3A_202 = tpu.memref_squeeze %dma_wait3A_201 : memref<1x128x128xf32, #tpu.memory_space<vmem>> -> memref<128x128xf32, #tpu.memory_space<vmem>>
      %dma_wait3A_203 = arith.constant 0 : i32
      %dma_wait3A_204 = tpu.memref_slice %arg6[%dma_wait3A_198, %dma_wait3A_203] : memref<2x128xi32, #tpu.memory_space<vmem>> -> memref<1x128xi32, #tpu.memory_space<vmem>>
      %dma_wait3A_205 = tpu.memref_squeeze %dma_wait3A_204 : memref<1x128xi32, #tpu.memory_space<vmem>> -> memref<128xi32, #tpu.memory_space<vmem>>
      %dma_wait3A_206 = arith.constant 0 : i32
      %dma_wait3A_207 = arith.constant 0 : i32
      %dma_wait3A_208 = tpu.memref_slice %arg9[%dma_wait3A_206, %dma_wait3A_207] : memref<10240x128xf32, #tpu.memory_space<vmem_shared>> -> memref<10240x128xf32, #tpu.memory_space<vmem_shared>>
      tpu.wait_indirect_dma semaphore(%arg16 : memref<!tpu.dma_semaphore, #tpu.memory_space<semaphore_mem>>) src(%dma_wait3A_202 : memref<128x128xf32, #tpu.memory_space<vmem>>) dst(%dma_wait3A_208 : memref<10240x128xf32, #tpu.memory_space<vmem_shared>>)
      %convert_element_type3A_209 = arith.extui %lt3A_93 : i1 to i32
      %cond3A_210 = arith.constant 0 : i32
      %cond3A_211 = arith.cmpi ne, %convert_element_type3A_209, %cond3A_210 : i32
      scf.if %cond3A_211 {
        %add3A_212 = arith.constant 256 : i32
        %add3A_213 = arith.addi %mul3A_91, %add3A_212 : i32
        %dma_start3A_214 = arith.constant 1 : i32
        %dma_start3A_215 = arith.constant 0 : i32
        %dma_start3A_216 = arith.constant 0 : i32
        %dma_start3A_217 = tpu.memref_slice %arg6[%dma_start3A_215, %dma_start3A_216] : memref<2x128xi32, #tpu.memory_space<vmem>> -> memref<1x128xi32, #tpu.memory_space<vmem>>
        %dma_start3A_218 = tpu.memref_squeeze %dma_start3A_217 : memref<1x128xi32, #tpu.memory_space<vmem>> -> memref<128xi32, #tpu.memory_space<vmem>>
        %dma_start3A_219 = tpu.memref_slice %arg3[%dma_start3A_214, %add3A_213] : memref<2x320000xi32, #tpu.memory_space<hbm>> -> memref<1x128xi32, #tpu.memory_space<hbm>>
        %dma_start3A_220 = tpu.memref_squeeze %dma_start3A_219 : memref<1x128xi32, #tpu.memory_space<hbm>> -> memref<128xi32, #tpu.memory_space<hbm>>
        %dma_start3A_221 = arith.constant 0 : i32
        %dma_start3A_222 = tpu.memref_slice %arg6[%dma_start3A_215, %dma_start3A_221] : memref<2x128xi32, #tpu.memory_space<vmem>> -> memref<1x128xi32, #tpu.memory_space<vmem>>
        %dma_start3A_223 = tpu.memref_squeeze %dma_start3A_222 : memref<1x128xi32, #tpu.memory_space<vmem>> -> memref<128xi32, #tpu.memory_space<vmem>>
        %dma_start3A_224 = tpu.memref_slice %arg3[%dma_start3A_214, %add3A_213] : memref<2x320000xi32, #tpu.memory_space<hbm>> -> memref<1x128xi32, #tpu.memory_space<hbm>>
        %dma_start3A_225 = tpu.memref_squeeze %dma_start3A_224 : memref<1x128xi32, #tpu.memory_space<hbm>> -> memref<128xi32, #tpu.memory_space<hbm>>
        tpu.enqueue_dma source(%dma_start3A_225 : memref<128xi32, #tpu.memory_space<hbm>>) target(%dma_start3A_223 : memref<128xi32, #tpu.memory_space<vmem>>) target_semaphore(%arg14 : memref<!tpu.dma_semaphore, #tpu.memory_space<semaphore_mem>>)
        %dma_wait3A_226 = arith.constant 0 : i32
        %dma_wait3A_227 = arith.constant 0 : i32
        %dma_wait3A_228 = arith.constant 0 : i32
        %dma_wait3A_229 = tpu.memref_slice %arg5[%dma_wait3A_227, %dma_wait3A_228] : memref<2x128xi32, #tpu.memory_space<vmem>> -> memref<1x128xi32, #tpu.memory_space<vmem>>
        %dma_wait3A_230 = tpu.memref_squeeze %dma_wait3A_229 : memref<1x128xi32, #tpu.memory_space<vmem>> -> memref<128xi32, #tpu.memory_space<vmem>>
        %dma_wait3A_231 = arith.constant 0 : i32
        %dma_wait3A_232 = tpu.memref_slice %arg3[%dma_wait3A_226, %dma_wait3A_231] : memref<2x320000xi32, #tpu.memory_space<hbm>> -> memref<1x128xi32, #tpu.memory_space<hbm>>
        %dma_wait3A_233 = tpu.memref_squeeze %dma_wait3A_232 : memref<1x128xi32, #tpu.memory_space<hbm>> -> memref<128xi32, #tpu.memory_space<hbm>>
        %dma_wait3A_234 = arith.constant 0 : i32
        %dma_wait3A_235 = tpu.memref_slice %arg5[%dma_wait3A_227, %dma_wait3A_234] : memref<2x128xi32, #tpu.memory_space<vmem>> -> memref<1x128xi32, #tpu.memory_space<vmem>>
        %dma_wait3A_236 = tpu.memref_squeeze %dma_wait3A_235 : memref<1x128xi32, #tpu.memory_space<vmem>> -> memref<128xi32, #tpu.memory_space<vmem>>
        %dma_wait3A_237 = arith.constant 0 : i32
        %dma_wait3A_238 = tpu.memref_slice %arg3[%dma_wait3A_226, %dma_wait3A_237] : memref<2x320000xi32, #tpu.memory_space<hbm>> -> memref<1x128xi32, #tpu.memory_space<hbm>>
        %dma_wait3A_239 = tpu.memref_squeeze %dma_wait3A_238 : memref<1x128xi32, #tpu.memory_space<hbm>> -> memref<128xi32, #tpu.memory_space<hbm>>
        tpu.wait_dma2 semaphore(%arg12 : memref<!tpu.dma_semaphore, #tpu.memory_space<semaphore_mem>>) src(%dma_wait3A_239 : memref<128xi32, #tpu.memory_space<hbm>>) dst(%dma_wait3A_236 : memref<128xi32, #tpu.memory_space<vmem>>)
        %dma_start3A_240 = arith.constant 0 : i32
        %dma_start3A_241 = arith.constant 0 : i32
        %dma_start3A_242 = arith.constant 0 : i32
        %dma_start3A_243 = arith.constant 0 : i32
        %dma_start3A_244 = tpu.memref_slice %arg7[%dma_start3A_241, %dma_start3A_242, %dma_start3A_243] : memref<2x128x128xf32, #tpu.memory_space<vmem>> -> memref<1x128x128xf32, #tpu.memory_space<vmem>>
        %dma_start3A_245 = tpu.memref_squeeze %dma_start3A_244 : memref<1x128x128xf32, #tpu.memory_space<vmem>> -> memref<128x128xf32, #tpu.memory_space<vmem>>
        %dma_start3A_246 = arith.constant 0 : i32
        %dma_start3A_247 = tpu.memref_slice %arg5[%dma_start3A_240, %dma_start3A_246] : memref<2x128xi32, #tpu.memory_space<vmem>> -> memref<1x128xi32, #tpu.memory_space<vmem>>
        %dma_start3A_248 = tpu.memref_squeeze %dma_start3A_247 : memref<1x128xi32, #tpu.memory_space<vmem>> -> memref<128xi32, #tpu.memory_space<vmem>>
        %dma_start3A_249 = arith.constant 0 : i32
        %dma_start3A_250 = arith.constant 0 : i32
        %dma_start3A_251 = tpu.memref_slice %arg2[%dma_start3A_249, %dma_start3A_250] : memref<10000x128xf32, #tpu.memory_space<hbm>> -> memref<10000x128xf32, #tpu.memory_space<hbm>>
        tpu.enqueue_indirect_dma source(%dma_start3A_251 : memref<10000x128xf32, #tpu.memory_space<hbm>>) target(%dma_start3A_245 : memref<128x128xf32, #tpu.memory_space<vmem>>) offsets(%dma_start3A_248 : memref<128xi32, #tpu.memory_space<vmem>>) semaphore(%arg10 : memref<!tpu.dma_semaphore, #tpu.memory_space<semaphore_mem>>)
        %add3A_252 = arith.constant 384 : i32
        %add3A_253 = arith.addi %mul3A_91, %add3A_252 : i32
        %dma_start3A_254 = arith.constant 0 : i32
        %dma_start3A_255 = arith.constant 1 : i32
        %dma_start3A_256 = arith.constant 0 : i32
        %dma_start3A_257 = tpu.memref_slice %arg5[%dma_start3A_255, %dma_start3A_256] : memref<2x128xi32, #tpu.memory_space<vmem>> -> memref<1x128xi32, #tpu.memory_space<vmem>>
        %dma_start3A_258 = tpu.memref_squeeze %dma_start3A_257 : memref<1x128xi32, #tpu.memory_space<vmem>> -> memref<128xi32, #tpu.memory_space<vmem>>
        %dma_start3A_259 = tpu.memref_slice %arg3[%dma_start3A_254, %add3A_253] : memref<2x320000xi32, #tpu.memory_space<hbm>> -> memref<1x128xi32, #tpu.memory_space<hbm>>
        %dma_start3A_260 = tpu.memref_squeeze %dma_start3A_259 : memref<1x128xi32, #tpu.memory_space<hbm>> -> memref<128xi32, #tpu.memory_space<hbm>>
        %dma_start3A_261 = arith.constant 0 : i32
        %dma_start3A_262 = tpu.memref_slice %arg5[%dma_start3A_255, %dma_start3A_261] : memref<2x128xi32, #tpu.memory_space<vmem>> -> memref<1x128xi32, #tpu.memory_space<vmem>>
        %dma_start3A_263 = tpu.memref_squeeze %dma_start3A_262 : memref<1x128xi32, #tpu.memory_space<vmem>> -> memref<128xi32, #tpu.memory_space<vmem>>
        %dma_start3A_264 = tpu.memref_slice %arg3[%dma_start3A_254, %add3A_253] : memref<2x320000xi32, #tpu.memory_space<hbm>> -> memref<1x128xi32, #tpu.memory_space<hbm>>
        %dma_start3A_265 = tpu.memref_squeeze %dma_start3A_264 : memref<1x128xi32, #tpu.memory_space<hbm>> -> memref<128xi32, #tpu.memory_space<hbm>>
        tpu.enqueue_dma source(%dma_start3A_265 : memref<128xi32, #tpu.memory_space<hbm>>) target(%dma_start3A_263 : memref<128xi32, #tpu.memory_space<vmem>>) target_semaphore(%arg13 : memref<!tpu.dma_semaphore, #tpu.memory_space<semaphore_mem>>)
      } else {
      }
    }
    %scan3A_66 = arith.constant 39 : i32
    %dma_wait3A = arith.constant 1 : i32
    %dma_wait3A_67 = arith.constant 1 : i32
    %dma_wait3A_68 = arith.constant 0 : i32
    %dma_wait3A_69 = arith.constant 0 : i32
    %dma_wait3A_70 = tpu.memref_slice %arg7[%dma_wait3A, %dma_wait3A_68, %dma_wait3A_69] : memref<2x128x128xf32, #tpu.memory_space<vmem>> -> memref<1x128x128xf32, #tpu.memory_space<vmem>>
    %dma_wait3A_71 = tpu.memref_squeeze %dma_wait3A_70 : memref<1x128x128xf32, #tpu.memory_space<vmem>> -> memref<128x128xf32, #tpu.memory_space<vmem>>
    %dma_wait3A_72 = arith.constant 0 : i32
    %dma_wait3A_73 = tpu.memref_slice %arg6[%dma_wait3A_67, %dma_wait3A_72] : memref<2x128xi32, #tpu.memory_space<vmem>> -> memref<1x128xi32, #tpu.memory_space<vmem>>
    %dma_wait3A_74 = tpu.memref_squeeze %dma_wait3A_73 : memref<1x128xi32, #tpu.memory_space<vmem>> -> memref<128xi32, #tpu.memory_space<vmem>>
    %dma_wait3A_75 = arith.constant 0 : i32
    %dma_wait3A_76 = arith.constant 0 : i32
    %dma_wait3A_77 = tpu.memref_slice %arg9[%dma_wait3A_75, %dma_wait3A_76] : memref<10240x128xf32, #tpu.memory_space<vmem_shared>> -> memref<10240x128xf32, #tpu.memory_space<vmem_shared>>
    tpu.wait_indirect_dma semaphore(%arg17 : memref<!tpu.dma_semaphore, #tpu.memory_space<semaphore_mem>>) src(%dma_wait3A_71 : memref<128x128xf32, #tpu.memory_space<vmem>>) dst(%dma_wait3A_77 : memref<10240x128xf32, #tpu.memory_space<vmem_shared>>)
    %lt3A = arith.constant 4 : i32
    %lt3A_78 = arith.cmpi slt, %add3A, %lt3A : i32
    %convert_element_type3A = arith.extui %lt3A_78 : i1 to i32
    %cond3A = arith.constant 0 : i32
    %cond3A_79 = arith.cmpi ne, %convert_element_type3A, %cond3A : i32
    scf.if %cond3A_79 {
      %add3A_86 = arith.constant 2496 : i32
      %add3A_87 = arith.addi %add3A_86, %add3A : i32
      %mul3A_88 = arith.constant 128 : i32
      %mul3A_89 = arith.muli %add3A_87, %mul3A_88 : i32
      %run_scoped3A_90 = arith.constant 0 : i32
      %run_scoped3A_91 = arith.constant 0 : i32
      "tpu.region"() ({
        %run_scoped3A_120 = tpu.sem_alloc : memref<!tpu.dma_semaphore, #tpu.memory_space<semaphore_mem>>
        %dma_start3A_121 = arith.constant 0 : i32
        %dma_start3A_122 = tpu.memref_slice %arg5[%run_scoped3A_91, %dma_start3A_121] : memref<2x128xi32, #tpu.memory_space<vmem>> -> memref<1x128xi32, #tpu.memory_space<vmem>>
        %dma_start3A_123 = tpu.memref_squeeze %dma_start3A_122 : memref<1x128xi32, #tpu.memory_space<vmem>> -> memref<128xi32, #tpu.memory_space<vmem>>
        %dma_start3A_124 = tpu.memref_slice %arg3[%run_scoped3A_90, %mul3A_89] : memref<2x320000xi32, #tpu.memory_space<hbm>> -> memref<1x128xi32, #tpu.memory_space<hbm>>
        %dma_start3A_125 = tpu.memref_squeeze %dma_start3A_124 : memref<1x128xi32, #tpu.memory_space<hbm>> -> memref<128xi32, #tpu.memory_space<hbm>>
        %dma_start3A_126 = arith.constant 0 : i32
        %dma_start3A_127 = tpu.memref_slice %arg5[%run_scoped3A_91, %dma_start3A_126] : memref<2x128xi32, #tpu.memory_space<vmem>> -> memref<1x128xi32, #tpu.memory_space<vmem>>
        %dma_start3A_128 = tpu.memref_squeeze %dma_start3A_127 : memref<1x128xi32, #tpu.memory_space<vmem>> -> memref<128xi32, #tpu.memory_space<vmem>>
        %dma_start3A_129 = tpu.memref_slice %arg3[%run_scoped3A_90, %mul3A_89] : memref<2x320000xi32, #tpu.memory_space<hbm>> -> memref<1x128xi32, #tpu.memory_space<hbm>>
        %dma_start3A_130 = tpu.memref_squeeze %dma_start3A_129 : memref<1x128xi32, #tpu.memory_space<hbm>> -> memref<128xi32, #tpu.memory_space<hbm>>
        tpu.enqueue_dma source(%dma_start3A_130 : memref<128xi32, #tpu.memory_space<hbm>>) target(%dma_start3A_128 : memref<128xi32, #tpu.memory_space<vmem>>) target_semaphore(%run_scoped3A_120 : memref<!tpu.dma_semaphore, #tpu.memory_space<semaphore_mem>>)
        %dma_wait3A_131 = arith.constant 0 : i32
        %dma_wait3A_132 = tpu.memref_slice %arg5[%run_scoped3A_91, %dma_wait3A_131] : memref<2x128xi32, #tpu.memory_space<vmem>> -> memref<1x128xi32, #tpu.memory_space<vmem>>
        %dma_wait3A_133 = tpu.memref_squeeze %dma_wait3A_132 : memref<1x128xi32, #tpu.memory_space<vmem>> -> memref<128xi32, #tpu.memory_space<vmem>>
        %dma_wait3A_134 = tpu.memref_slice %arg3[%run_scoped3A_90, %mul3A_89] : memref<2x320000xi32, #tpu.memory_space<hbm>> -> memref<1x128xi32, #tpu.memory_space<hbm>>
        %dma_wait3A_135 = tpu.memref_squeeze %dma_wait3A_134 : memref<1x128xi32, #tpu.memory_space<hbm>> -> memref<128xi32, #tpu.memory_space<hbm>>
        %dma_wait3A_136 = arith.constant 0 : i32
        %dma_wait3A_137 = tpu.memref_slice %arg5[%run_scoped3A_91, %dma_wait3A_136] : memref<2x128xi32, #tpu.memory_space<vmem>> -> memref<1x128xi32, #tpu.memory_space<vmem>>
        %dma_wait3A_138 = tpu.memref_squeeze %dma_wait3A_137 : memref<1x128xi32, #tpu.memory_space<vmem>> -> memref<128xi32, #tpu.memory_space<vmem>>
        %dma_wait3A_139 = tpu.memref_slice %arg3[%run_scoped3A_90, %mul3A_89] : memref<2x320000xi32, #tpu.memory_space<hbm>> -> memref<1x128xi32, #tpu.memory_space<hbm>>
        %dma_wait3A_140 = tpu.memref_squeeze %dma_wait3A_139 : memref<1x128xi32, #tpu.memory_space<hbm>> -> memref<128xi32, #tpu.memory_space<hbm>>
        tpu.wait_dma2 semaphore(%run_scoped3A_120 : memref<!tpu.dma_semaphore, #tpu.memory_space<semaphore_mem>>) src(%dma_wait3A_140 : memref<128xi32, #tpu.memory_space<hbm>>) dst(%dma_wait3A_138 : memref<128xi32, #tpu.memory_space<vmem>>)
        tpu.yield
      }) : () -> ()
      %run_scoped3A_92 = arith.constant 1 : i32
      %run_scoped3A_93 = arith.constant 0 : i32
      "tpu.region"() ({
        %run_scoped3A_120 = tpu.sem_alloc : memref<!tpu.dma_semaphore, #tpu.memory_space<semaphore_mem>>
        %dma_start3A_121 = arith.constant 0 : i32
        %dma_start3A_122 = tpu.memref_slice %arg6[%run_scoped3A_93, %dma_start3A_121] : memref<2x128xi32, #tpu.memory_space<vmem>> -> memref<1x128xi32, #tpu.memory_space<vmem>>
        %dma_start3A_123 = tpu.memref_squeeze %dma_start3A_122 : memref<1x128xi32, #tpu.memory_space<vmem>> -> memref<128xi32, #tpu.memory_space<vmem>>
        %dma_start3A_124 = tpu.memref_slice %arg3[%run_scoped3A_92, %mul3A_89] : memref<2x320000xi32, #tpu.memory_space<hbm>> -> memref<1x128xi32, #tpu.memory_space<hbm>>
        %dma_start3A_125 = tpu.memref_squeeze %dma_start3A_124 : memref<1x128xi32, #tpu.memory_space<hbm>> -> memref<128xi32, #tpu.memory_space<hbm>>
        %dma_start3A_126 = arith.constant 0 : i32
        %dma_start3A_127 = tpu.memref_slice %arg6[%run_scoped3A_93, %dma_start3A_126] : memref<2x128xi32, #tpu.memory_space<vmem>> -> memref<1x128xi32, #tpu.memory_space<vmem>>
        %dma_start3A_128 = tpu.memref_squeeze %dma_start3A_127 : memref<1x128xi32, #tpu.memory_space<vmem>> -> memref<128xi32, #tpu.memory_space<vmem>>
        %dma_start3A_129 = tpu.memref_slice %arg3[%run_scoped3A_92, %mul3A_89] : memref<2x320000xi32, #tpu.memory_space<hbm>> -> memref<1x128xi32, #tpu.memory_space<hbm>>
        %dma_start3A_130 = tpu.memref_squeeze %dma_start3A_129 : memref<1x128xi32, #tpu.memory_space<hbm>> -> memref<128xi32, #tpu.memory_space<hbm>>
        tpu.enqueue_dma source(%dma_start3A_130 : memref<128xi32, #tpu.memory_space<hbm>>) target(%dma_start3A_128 : memref<128xi32, #tpu.memory_space<vmem>>) target_semaphore(%run_scoped3A_120 : memref<!tpu.dma_semaphore, #tpu.memory_space<semaphore_mem>>)
        %dma_wait3A_131 = arith.constant 0 : i32
        %dma_wait3A_132 = tpu.memref_slice %arg6[%run_scoped3A_93, %dma_wait3A_131] : memref<2x128xi32, #tpu.memory_space<vmem>> -> memref<1x128xi32, #tpu.memory_space<vmem>>
        %dma_wait3A_133 = tpu.memref_squeeze %dma_wait3A_132 : memref<1x128xi32, #tpu.memory_space<vmem>> -> memref<128xi32, #tpu.memory_space<vmem>>
        %dma_wait3A_134 = tpu.memref_slice %arg3[%run_scoped3A_92, %mul3A_89] : memref<2x320000xi32, #tpu.memory_space<hbm>> -> memref<1x128xi32, #tpu.memory_space<hbm>>
        %dma_wait3A_135 = tpu.memref_squeeze %dma_wait3A_134 : memref<1x128xi32, #tpu.memory_space<hbm>> -> memref<128xi32, #tpu.memory_space<hbm>>
        %dma_wait3A_136 = arith.constant 0 : i32
        %dma_wait3A_137 = tpu.memref_slice %arg6[%run_scoped3A_93, %dma_wait3A_136] : memref<2x128xi32, #tpu.memory_space<vmem>> -> memref<1x128xi32, #tpu.memory_space<vmem>>
        %dma_wait3A_138 = tpu.memref_squeeze %dma_wait3A_137 : memref<1x128xi32, #tpu.memory_space<vmem>> -> memref<128xi32, #tpu.memory_space<vmem>>
        %dma_wait3A_139 = tpu.memref_slice %arg3[%run_scoped3A_92, %mul3A_89] : memref<2x320000xi32, #tpu.memory_space<hbm>> -> memref<1x128xi32, #tpu.memory_space<hbm>>
        %dma_wait3A_140 = tpu.memref_squeeze %dma_wait3A_139 : memref<1x128xi32, #tpu.memory_space<hbm>> -> memref<128xi32, #tpu.memory_space<hbm>>
        tpu.wait_dma2 semaphore(%run_scoped3A_120 : memref<!tpu.dma_semaphore, #tpu.memory_space<semaphore_mem>>) src(%dma_wait3A_140 : memref<128xi32, #tpu.memory_space<hbm>>) dst(%dma_wait3A_138 : memref<128xi32, #tpu.memory_space<vmem>>)
        tpu.yield
      }) : () -> ()
      %dma_start3A_94 = arith.constant 0 : i32
      %dma_start3A_95 = arith.constant 0 : i32
      %dma_start3A_96 = arith.constant 0 : i32
      %dma_start3A_97 = arith.constant 0 : i32
      %dma_start3A_98 = tpu.memref_slice %arg7[%dma_start3A_95, %dma_start3A_96, %dma_start3A_97] : memref<2x128x128xf32, #tpu.memory_space<vmem>> -> memref<1x128x128xf32, #tpu.memory_space<vmem>>
      %dma_start3A_99 = tpu.memref_squeeze %dma_start3A_98 : memref<1x128x128xf32, #tpu.memory_space<vmem>> -> memref<128x128xf32, #tpu.memory_space<vmem>>
      %dma_start3A_100 = arith.constant 0 : i32
      %dma_start3A_101 = tpu.memref_slice %arg5[%dma_start3A_94, %dma_start3A_100] : memref<2x128xi32, #tpu.memory_space<vmem>> -> memref<1x128xi32, #tpu.memory_space<vmem>>
      %dma_start3A_102 = tpu.memref_squeeze %dma_start3A_101 : memref<1x128xi32, #tpu.memory_space<vmem>> -> memref<128xi32, #tpu.memory_space<vmem>>
      %dma_start3A_103 = arith.constant 0 : i32
      %dma_start3A_104 = arith.constant 0 : i32
      %dma_start3A_105 = tpu.memref_slice %arg2[%dma_start3A_103, %dma_start3A_104] : memref<10000x128xf32, #tpu.memory_space<hbm>> -> memref<10000x128xf32, #tpu.memory_space<hbm>>
      tpu.enqueue_indirect_dma source(%dma_start3A_105 : memref<10000x128xf32, #tpu.memory_space<hbm>>) target(%dma_start3A_99 : memref<128x128xf32, #tpu.memory_space<vmem>>) offsets(%dma_start3A_102 : memref<128xi32, #tpu.memory_space<vmem>>) semaphore(%arg10 : memref<!tpu.dma_semaphore, #tpu.memory_space<semaphore_mem>>)
      %dma_wait3A_106 = arith.constant 0 : i32
      %dma_wait3A_107 = arith.constant 0 : i32
      %dma_wait3A_108 = arith.constant 0 : i32
      %dma_wait3A_109 = arith.constant 0 : i32
      %dma_wait3A_110 = tpu.memref_slice %arg7[%dma_wait3A_107, %dma_wait3A_108, %dma_wait3A_109] : memref<2x128x128xf32, #tpu.memory_space<vmem>> -> memref<1x128x128xf32, #tpu.memory_space<vmem>>
      %dma_wait3A_111 = tpu.memref_squeeze %dma_wait3A_110 : memref<1x128x128xf32, #tpu.memory_space<vmem>> -> memref<128x128xf32, #tpu.memory_space<vmem>>
      %dma_wait3A_112 = arith.constant 0 : i32
      %dma_wait3A_113 = tpu.memref_slice %arg5[%dma_wait3A_106, %dma_wait3A_112] : memref<2x128xi32, #tpu.memory_space<vmem>> -> memref<1x128xi32, #tpu.memory_space<vmem>>
      %dma_wait3A_114 = tpu.memref_squeeze %dma_wait3A_113 : memref<1x128xi32, #tpu.memory_space<vmem>> -> memref<128xi32, #tpu.memory_space<vmem>>
      %dma_wait3A_115 = arith.constant 0 : i32
      %dma_wait3A_116 = arith.constant 0 : i32
      %dma_wait3A_117 = tpu.memref_slice %arg2[%dma_wait3A_115, %dma_wait3A_116] : memref<10000x128xf32, #tpu.memory_space<hbm>> -> memref<10000x128xf32, #tpu.memory_space<hbm>>
      tpu.wait_indirect_dma semaphore(%arg10 : memref<!tpu.dma_semaphore, #tpu.memory_space<semaphore_mem>>) src(%dma_wait3A_117 : memref<10000x128xf32, #tpu.memory_space<hbm>>) dst(%dma_wait3A_111 : memref<128x128xf32, #tpu.memory_space<vmem>>)
      %run_scoped3A_118 = arith.constant 0 : i32
      %run_scoped3A_119 = arith.constant 0 : i32
      "tpu.region"() ({
        %run_scoped3A_120 = tpu.sem_alloc : memref<!tpu.dma_semaphore, #tpu.memory_space<semaphore_mem>>
        %dma_start3A_121 = arith.constant 0 : i32
        %dma_start3A_122 = arith.constant 0 : i32
        %dma_start3A_123 = tpu.memref_slice %arg7[%run_scoped3A_118, %dma_start3A_121, %dma_start3A_122] : memref<2x128x128xf32, #tpu.memory_space<vmem>> -> memref<1x128x128xf32, #tpu.memory_space<vmem>>
        %dma_start3A_124 = tpu.memref_squeeze %dma_start3A_123 : memref<1x128x128xf32, #tpu.memory_space<vmem>> -> memref<128x128xf32, #tpu.memory_space<vmem>>
        %dma_start3A_125 = arith.constant 0 : i32
        %dma_start3A_126 = tpu.memref_slice %arg6[%run_scoped3A_119, %dma_start3A_125] : memref<2x128xi32, #tpu.memory_space<vmem>> -> memref<1x128xi32, #tpu.memory_space<vmem>>
        %dma_start3A_127 = tpu.memref_squeeze %dma_start3A_126 : memref<1x128xi32, #tpu.memory_space<vmem>> -> memref<128xi32, #tpu.memory_space<vmem>>
        %dma_start3A_128 = arith.constant 0 : i32
        %dma_start3A_129 = arith.constant 0 : i32
        %dma_start3A_130 = tpu.memref_slice %arg9[%dma_start3A_128, %dma_start3A_129] : memref<10240x128xf32, #tpu.memory_space<vmem_shared>> -> memref<10240x128xf32, #tpu.memory_space<vmem_shared>>
        tpu.enqueue_indirect_dma source(%dma_start3A_124 : memref<128x128xf32, #tpu.memory_space<vmem>>) target(%dma_start3A_130 : memref<10240x128xf32, #tpu.memory_space<vmem_shared>>) offsets(%dma_start3A_127 : memref<128xi32, #tpu.memory_space<vmem>>) semaphore(%run_scoped3A_120 : memref<!tpu.dma_semaphore, #tpu.memory_space<semaphore_mem>>) {add = true}
        %dma_wait3A_131 = arith.constant 0 : i32
        %dma_wait3A_132 = arith.constant 0 : i32
        %dma_wait3A_133 = tpu.memref_slice %arg7[%run_scoped3A_118, %dma_wait3A_131, %dma_wait3A_132] : memref<2x128x128xf32, #tpu.memory_space<vmem>> -> memref<1x128x128xf32, #tpu.memory_space<vmem>>
        %dma_wait3A_134 = tpu.memref_squeeze %dma_wait3A_133 : memref<1x128x128xf32, #tpu.memory_space<vmem>> -> memref<128x128xf32, #tpu.memory_space<vmem>>
        %dma_wait3A_135 = arith.constant 0 : i32
        %dma_wait3A_136 = tpu.memref_slice %arg6[%run_scoped3A_119, %dma_wait3A_135] : memref<2x128xi32, #tpu.memory_space<vmem>> -> memref<1x128xi32, #tpu.memory_space<vmem>>
        %dma_wait3A_137 = tpu.memref_squeeze %dma_wait3A_136 : memref<1x128xi32, #tpu.memory_space<vmem>> -> memref<128xi32, #tpu.memory_space<vmem>>
        %dma_wait3A_138 = arith.constant 0 : i32
        %dma_wait3A_139 = arith.constant 0 : i32
        %dma_wait3A_140 = tpu.memref_slice %arg9[%dma_wait3A_138, %dma_wait3A_139] : memref<10240x128xf32, #tpu.memory_space<vmem_shared>> -> memref<10240x128xf32, #tpu.memory_space<vmem_shared>>
        tpu.wait_indirect_dma semaphore(%run_scoped3A_120 : memref<!tpu.dma_semaphore, #tpu.memory_space<semaphore_mem>>) src(%dma_wait3A_134 : memref<128x128xf32, #tpu.memory_space<vmem>>) dst(%dma_wait3A_140 : memref<10240x128xf32, #tpu.memory_space<vmem_shared>>)
        tpu.yield
      }) : () -> ()
    } else {
    }
    %barrier3A_80 = arith.constant 0 : index
    tpu.barrier barrier_id(%barrier3A_80)
    %scan3A_81 = arith.constant 0 : i32
    %scan3A_82 = arith.constant 5 : i32
    %scan3A_83 = arith.addi %scan3A_81, %scan3A_82 : i32
    %scan3A_84 = arith.constant 1 : i32
    scf.for %scan3A_86 = %scan3A_81 to %scan3A_83 step %scan3A_84  : i32 {
      %mul3A_87 = arith.constant 640 : i32
      %mul3A_88 = arith.muli %arg1, %mul3A_87 : i32
      %mul3A_89 = arith.constant 128 : i32
      %mul3A_90 = arith.muli %scan3A_86, %mul3A_89 : i32
      %add3A_91 = arith.addi %mul3A_88, %mul3A_90 : i32
      %run_scoped3A_92 = arith.constant 0 : i32
      "tpu.region"() ({
        %run_scoped3A_94 = tpu.sem_alloc : memref<!tpu.dma_semaphore, #tpu.memory_space<semaphore_mem>>
        %dma_start3A_95 = arith.constant 0 : i32
        %dma_start3A_96 = arith.constant 0 : i32
        %dma_start3A_97 = tpu.memref_slice %arg7[%run_scoped3A_92, %dma_start3A_95, %dma_start3A_96] : memref<2x128x128xf32, #tpu.memory_space<vmem>> -> memref<1x128x128xf32, #tpu.memory_space<vmem>>
        %dma_start3A_98 = tpu.memref_squeeze %dma_start3A_97 : memref<1x128x128xf32, #tpu.memory_space<vmem>> -> memref<128x128xf32, #tpu.memory_space<vmem>>
        %dma_start3A_99 = arith.constant 0 : i32
        %dma_start3A_100 = tpu.memref_slice %arg9[%add3A_91, %dma_start3A_99] : memref<10240x128xf32, #tpu.memory_space<vmem_shared>> -> memref<128x128xf32, #tpu.memory_space<vmem_shared>>
        %dma_start3A_101 = arith.constant 0 : i32
        %dma_start3A_102 = arith.constant 0 : i32
        %dma_start3A_103 = tpu.memref_slice %arg7[%run_scoped3A_92, %dma_start3A_101, %dma_start3A_102] : memref<2x128x128xf32, #tpu.memory_space<vmem>> -> memref<1x128x128xf32, #tpu.memory_space<vmem>>
        %dma_start3A_104 = tpu.memref_squeeze %dma_start3A_103 : memref<1x128x128xf32, #tpu.memory_space<vmem>> -> memref<128x128xf32, #tpu.memory_space<vmem>>
        %dma_start3A_105 = arith.constant 0 : i32
        %dma_start3A_106 = tpu.memref_slice %arg9[%add3A_91, %dma_start3A_105] : memref<10240x128xf32, #tpu.memory_space<vmem_shared>> -> memref<128x128xf32, #tpu.memory_space<vmem_shared>>
        tpu.enqueue_dma source(%dma_start3A_106 : memref<128x128xf32, #tpu.memory_space<vmem_shared>>) target(%dma_start3A_104 : memref<128x128xf32, #tpu.memory_space<vmem>>) target_semaphore(%run_scoped3A_94 : memref<!tpu.dma_semaphore, #tpu.memory_space<semaphore_mem>>)
        %dma_wait3A_107 = arith.constant 0 : i32
        %dma_wait3A_108 = arith.constant 0 : i32
        %dma_wait3A_109 = tpu.memref_slice %arg7[%run_scoped3A_92, %dma_wait3A_107, %dma_wait3A_108] : memref<2x128x128xf32, #tpu.memory_space<vmem>> -> memref<1x128x128xf32, #tpu.memory_space<vmem>>
        %dma_wait3A_110 = tpu.memref_squeeze %dma_wait3A_109 : memref<1x128x128xf32, #tpu.memory_space<vmem>> -> memref<128x128xf32, #tpu.memory_space<vmem>>
        %dma_wait3A_111 = arith.constant 0 : i32
        %dma_wait3A_112 = tpu.memref_slice %arg9[%add3A_91, %dma_wait3A_111] : memref<10240x128xf32, #tpu.memory_space<vmem_shared>> -> memref<128x128xf32, #tpu.memory_space<vmem_shared>>
        %dma_wait3A_113 = arith.constant 0 : i32
        %dma_wait3A_114 = arith.constant 0 : i32
        %dma_wait3A_115 = tpu.memref_slice %arg7[%run_scoped3A_92, %dma_wait3A_113, %dma_wait3A_114] : memref<2x128x128xf32, #tpu.memory_space<vmem>> -> memref<1x128x128xf32, #tpu.memory_space<vmem>>
        %dma_wait3A_116 = tpu.memref_squeeze %dma_wait3A_115 : memref<1x128x128xf32, #tpu.memory_space<vmem>> -> memref<128x128xf32, #tpu.memory_space<vmem>>
        %dma_wait3A_117 = arith.constant 0 : i32
        %dma_wait3A_118 = tpu.memref_slice %arg9[%add3A_91, %dma_wait3A_117] : memref<10240x128xf32, #tpu.memory_space<vmem_shared>> -> memref<128x128xf32, #tpu.memory_space<vmem_shared>>
        tpu.wait_dma2 semaphore(%run_scoped3A_94 : memref<!tpu.dma_semaphore, #tpu.memory_space<semaphore_mem>>) src(%dma_wait3A_118 : memref<128x128xf32, #tpu.memory_space<vmem_shared>>) dst(%dma_wait3A_116 : memref<128x128xf32, #tpu.memory_space<vmem>>)
        tpu.yield
      }) : () -> ()
      %run_scoped3A_93 = arith.constant 0 : i32
      "tpu.region"() ({
        %run_scoped3A_94 = tpu.sem_alloc : memref<!tpu.dma_semaphore, #tpu.memory_space<semaphore_mem>>
        %dma_start3A_95 = arith.constant 0 : i32
        %dma_start3A_96 = arith.constant 0 : i32
        %dma_start3A_97 = tpu.memref_slice %arg7[%run_scoped3A_93, %dma_start3A_95, %dma_start3A_96] : memref<2x128x128xf32, #tpu.memory_space<vmem>> -> memref<1x128x128xf32, #tpu.memory_space<vmem>>
        %dma_start3A_98 = tpu.memref_squeeze %dma_start3A_97 : memref<1x128x128xf32, #tpu.memory_space<vmem>> -> memref<128x128xf32, #tpu.memory_space<vmem>>
        %dma_start3A_99 = arith.constant 0 : i32
        %dma_start3A_100 = tpu.memref_slice %arg4[%arg0, %add3A_91, %dma_start3A_99] : memref<2x10240x128xf32, #tpu.memory_space<hbm>> -> memref<1x128x128xf32, #tpu.memory_space<hbm>>
        %dma_start3A_101 = tpu.memref_squeeze %dma_start3A_100 : memref<1x128x128xf32, #tpu.memory_space<hbm>> -> memref<128x128xf32, #tpu.memory_space<hbm>>
        %dma_start3A_102 = arith.constant 0 : i32
        %dma_start3A_103 = tpu.memref_slice %arg4[%arg0, %add3A_91, %dma_start3A_102] : memref<2x10240x128xf32, #tpu.memory_space<hbm>> -> memref<1x128x128xf32, #tpu.memory_space<hbm>>
        %dma_start3A_104 = tpu.memref_squeeze %dma_start3A_103 : memref<1x128x128xf32, #tpu.memory_space<hbm>> -> memref<128x128xf32, #tpu.memory_space<hbm>>
        %dma_start3A_105 = arith.constant 0 : i32
        %dma_start3A_106 = arith.constant 0 : i32
        %dma_start3A_107 = tpu.memref_slice %arg7[%run_scoped3A_93, %dma_start3A_105, %dma_start3A_106] : memref<2x128x128xf32, #tpu.memory_space<vmem>> -> memref<1x128x128xf32, #tpu.memory_space<vmem>>
        %dma_start3A_108 = tpu.memref_squeeze %dma_start3A_107 : memref<1x128x128xf32, #tpu.memory_space<vmem>> -> memref<128x128xf32, #tpu.memory_space<vmem>>
        tpu.enqueue_dma source(%dma_start3A_108 : memref<128x128xf32, #tpu.memory_space<vmem>>) target(%dma_start3A_104 : memref<128x128xf32, #tpu.memory_space<hbm>>) target_semaphore(%run_scoped3A_94 : memref<!tpu.dma_semaphore, #tpu.memory_space<semaphore_mem>>)
        %dma_wait3A_109 = arith.constant 0 : i32
        %dma_wait3A_110 = arith.constant 0 : i32
        %dma_wait3A_111 = tpu.memref_slice %arg7[%run_scoped3A_93, %dma_wait3A_109, %dma_wait3A_110] : memref<2x128x128xf32, #tpu.memory_space<vmem>> -> memref<1x128x128xf32, #tpu.memory_space<vmem>>
        %dma_wait3A_112 = tpu.memref_squeeze %dma_wait3A_111 : memref<1x128x128xf32, #tpu.memory_space<vmem>> -> memref<128x128xf32, #tpu.memory_space<vmem>>
        %dma_wait3A_113 = arith.constant 0 : i32
        %dma_wait3A_114 = tpu.memref_slice %arg4[%arg0, %add3A_91, %dma_wait3A_113] : memref<2x10240x128xf32, #tpu.memory_space<hbm>> -> memref<1x128x128xf32, #tpu.memory_space<hbm>>
        %dma_wait3A_115 = tpu.memref_squeeze %dma_wait3A_114 : memref<1x128x128xf32, #tpu.memory_space<hbm>> -> memref<128x128xf32, #tpu.memory_space<hbm>>
        %dma_wait3A_116 = arith.constant 0 : i32
        %dma_wait3A_117 = tpu.memref_slice %arg4[%arg0, %add3A_91, %dma_wait3A_116] : memref<2x10240x128xf32, #tpu.memory_space<hbm>> -> memref<1x128x128xf32, #tpu.memory_space<hbm>>
        %dma_wait3A_118 = tpu.memref_squeeze %dma_wait3A_117 : memref<1x128x128xf32, #tpu.memory_space<hbm>> -> memref<128x128xf32, #tpu.memory_space<hbm>>
        %dma_wait3A_119 = arith.constant 0 : i32
        %dma_wait3A_120 = arith.constant 0 : i32
        %dma_wait3A_121 = tpu.memref_slice %arg7[%run_scoped3A_93, %dma_wait3A_119, %dma_wait3A_120] : memref<2x128x128xf32, #tpu.memory_space<vmem>> -> memref<1x128x128xf32, #tpu.memory_space<vmem>>
        %dma_wait3A_122 = tpu.memref_squeeze %dma_wait3A_121 : memref<1x128x128xf32, #tpu.memory_space<vmem>> -> memref<128x128xf32, #tpu.memory_space<vmem>>
        tpu.wait_dma2 semaphore(%run_scoped3A_94 : memref<!tpu.dma_semaphore, #tpu.memory_space<semaphore_mem>>) src(%dma_wait3A_122 : memref<128x128xf32, #tpu.memory_space<vmem>>) dst(%dma_wait3A_118 : memref<128x128xf32, #tpu.memory_space<hbm>>)
        tpu.yield
      }) : () -> ()
    }
    %scan3A_85 = arith.constant 5 : i32
    return
  }
}

module attributes {stable_mosaic.version = 14 : i64} {
  func.func @_tc_b_body(%arg0: memref<2x10240x128xf32, #tpu.memory_space<vmem>>, %arg1: memref<10000x128xf32, #tpu.memory_space<vmem>>, %arg2: memref<10000x1xf32, #tpu.memory_space<vmem>>, %arg3: memref<10000x1xf32, #tpu.memory_space<vmem>>, %arg4: memref<1x128xf32, #tpu.memory_space<vmem>>, %arg5: memref<128x128xf32, #tpu.memory_space<vmem>>, %arg6: memref<1x128xf32, #tpu.memory_space<vmem>>, %arg7: memref<1x128xf32, #tpu.memory_space<vmem>>, %arg8: memref<1x128xf32, #tpu.memory_space<vmem>>, %arg9: memref<128x128xf32, #tpu.memory_space<vmem>>, %arg10: memref<10000x128xf32, #tpu.memory_space<vmem>>) attributes {dimension_semantics = [], scalar_prefetch = 0 : i64, scratch_operands = 0 : i64, tpu.core_type = #tpu.core_type<tc>} {
    %get3A = arith.constant 0 : index
    %get3A_0 = arith.constant 0 : index
    %get3A_1 = vector.load %arg2[%get3A, %get3A_0] : memref<10000x1xf32, #tpu.memory_space<vmem>>, vector<10000x1xf32>
    %get3A_2 = arith.constant 0 : index
    %get3A_3 = arith.constant 0 : index
    %get3A_4 = vector.load %arg3[%get3A_2, %get3A_3] : memref<10000x1xf32, #tpu.memory_space<vmem>>, vector<10000x1xf32>
    %add3A = arith.addf %get3A_1, %get3A_4 : vector<10000x1xf32>
    %add3A_5 = arith.constant 1.000000e+00 : f32
    %add3A_6 = vector.broadcast %add3A_5 : f32 to vector<10000x1xf32>
    %add3A_7 = arith.addf %add3A, %add3A_6 : vector<10000x1xf32>
    %rsqrt3A = math.rsqrt %add3A_7 : vector<10000x1xf32>
    %get3A_8 = arith.constant 0 : index
    %get3A_9 = arith.constant 0 : index
    %get3A_10 = arith.constant 0 : index
    %get3A_11 = vector.load %arg0[%get3A_8, %get3A_9, %get3A_10] : memref<2x10240x128xf32, #tpu.memory_space<vmem>>, vector<1x10000x128xf32>
    %get3A_12 = vector.shape_cast %get3A_11 : vector<1x10000x128xf32> to vector<10000x128xf32>
    %get3A_13 = arith.constant 1 : index
    %get3A_14 = arith.constant 0 : index
    %get3A_15 = arith.constant 0 : index
    %get3A_16 = vector.load %arg0[%get3A_13, %get3A_14, %get3A_15] : memref<2x10240x128xf32, #tpu.memory_space<vmem>>, vector<1x10000x128xf32>
    %get3A_17 = vector.shape_cast %get3A_16 : vector<1x10000x128xf32> to vector<10000x128xf32>
    %add3A_18 = arith.addf %get3A_12, %get3A_17 : vector<10000x128xf32>
    %get3A_19 = arith.constant 0 : index
    %get3A_20 = arith.constant 0 : index
    %get3A_21 = vector.load %arg1[%get3A_19, %get3A_20] : memref<10000x128xf32, #tpu.memory_space<vmem>>, vector<10000x128xf32>
    %add3A_22 = arith.addf %add3A_18, %get3A_21 : vector<10000x128xf32>
    %mul3A = vector.broadcast %rsqrt3A : vector<10000x1xf32> to vector<10000x128xf32>
    %mul3A_23 = arith.mulf %add3A_22, %mul3A : vector<10000x128xf32>
    %get3A_24 = arith.constant 0 : index
    %get3A_25 = arith.constant 0 : index
    %get3A_26 = vector.load %arg4[%get3A_24, %get3A_25] : memref<1x128xf32, #tpu.memory_space<vmem>>, vector<1x128xf32>
    %add3A_27 = vector.broadcast %get3A_26 : vector<1x128xf32> to vector<10000x128xf32>
    %add3A_28 = arith.addf %mul3A_23, %add3A_27 : vector<10000x128xf32>
    %get3A_29 = arith.constant 0 : index
    %get3A_30 = arith.constant 0 : index
    %get3A_31 = vector.load %arg5[%get3A_29, %get3A_30] : memref<128x128xf32, #tpu.memory_space<vmem>>, vector<128x128xf32>
    %dot_general3A = arith.constant dense<0.000000e+00> : vector<10000x128xf32>
    %dot_general3A_32 = tpu.matmul %add3A_28, %get3A_31, %dot_general3A {dimension_numbers = #tpu.dot_dimension_numbers<[1], [0], [0], [1], [0, 0, 1, 1], [], []>, transpose_lhs_hint = false} : vector<10000x128xf32>, vector<128x128xf32>, vector<10000x128xf32> -> vector<10000x128xf32>
    %get3A_33 = arith.constant 0 : index
    %get3A_34 = arith.constant 0 : index
    %get3A_35 = vector.load %arg6[%get3A_33, %get3A_34] : memref<1x128xf32, #tpu.memory_space<vmem>>, vector<1x128xf32>
    %add3A_36 = vector.broadcast %get3A_35 : vector<1x128xf32> to vector<10000x128xf32>
    %add3A_37 = arith.addf %dot_general3A_32, %add3A_36 : vector<10000x128xf32>
    %max3A = arith.constant 0.000000e+00 : f32
    %max3A_38 = vector.broadcast %max3A : f32 to vector<10000x128xf32>
    %max3A_39 = arith.maximumf %add3A_37, %max3A_38 : vector<10000x128xf32>
    %get3A_40 = arith.constant 0 : index
    %get3A_41 = arith.constant 0 : index
    %get3A_42 = vector.load %arg7[%get3A_40, %get3A_41] : memref<1x128xf32, #tpu.memory_space<vmem>>, vector<1x128xf32>
    %get3A_43 = arith.constant 0 : index
    %get3A_44 = arith.constant 0 : index
    %get3A_45 = vector.load %arg8[%get3A_43, %get3A_44] : memref<1x128xf32, #tpu.memory_space<vmem>>, vector<1x128xf32>
    %reduce_sum3A = arith.constant dense<0.000000e+00> : vector<128xf32>
    %reduce_sum3A_46 = vector.multi_reduction <add>, %max3A_39, %reduce_sum3A [0] : vector<10000x128xf32> to vector<128xf32>
    %broadcast_in_dim3A = vector.shape_cast %reduce_sum3A_46 : vector<128xf32> to vector<1x128xf32>
    %div3A = arith.constant 1.000000e+04 : f32
    %div3A_47 = vector.broadcast %div3A : f32 to vector<1x128xf32>
    %div3A_48 = arith.divf %broadcast_in_dim3A, %div3A_47 : vector<1x128xf32>
    %sub3A = vector.broadcast %div3A_48 : vector<1x128xf32> to vector<10000x128xf32>
    %sub3A_49 = arith.subf %max3A_39, %sub3A : vector<10000x128xf32>
    %mul3A_50 = arith.mulf %sub3A_49, %sub3A_49 : vector<10000x128xf32>
    %reduce_sum3A_51 = arith.constant dense<0.000000e+00> : vector<128xf32>
    %reduce_sum3A_52 = vector.multi_reduction <add>, %mul3A_50, %reduce_sum3A_51 [0] : vector<10000x128xf32> to vector<128xf32>
    %broadcast_in_dim3A_53 = vector.shape_cast %reduce_sum3A_52 : vector<128xf32> to vector<1x128xf32>
    %div3A_54 = arith.constant 1.000000e+04 : f32
    %div3A_55 = vector.broadcast %div3A_54 : f32 to vector<1x128xf32>
    %div3A_56 = arith.divf %broadcast_in_dim3A_53, %div3A_55 : vector<1x128xf32>
    %add3A_57 = arith.constant 9.99999974E-6 : f32
    %add3A_58 = vector.broadcast %add3A_57 : f32 to vector<1x128xf32>
    %add3A_59 = arith.addf %div3A_56, %add3A_58 : vector<1x128xf32>
    %rsqrt3A_60 = math.rsqrt %add3A_59 : vector<1x128xf32>
    %mul3A_61 = vector.broadcast %rsqrt3A_60 : vector<1x128xf32> to vector<10000x128xf32>
    %mul3A_62 = arith.mulf %sub3A_49, %mul3A_61 : vector<10000x128xf32>
    %mul3A_63 = vector.broadcast %get3A_42 : vector<1x128xf32> to vector<10000x128xf32>
    %mul3A_64 = arith.mulf %mul3A_63, %mul3A_62 : vector<10000x128xf32>
    %add3A_65 = vector.broadcast %get3A_45 : vector<1x128xf32> to vector<10000x128xf32>
    %add3A_66 = arith.addf %mul3A_64, %add3A_65 : vector<10000x128xf32>
    %get3A_67 = arith.constant 0 : index
    %get3A_68 = arith.constant 0 : index
    %get3A_69 = vector.load %arg9[%get3A_67, %get3A_68] : memref<128x128xf32, #tpu.memory_space<vmem>>, vector<128x128xf32>
    %dot_general3A_70 = arith.constant dense<0.000000e+00> : vector<10000x128xf32>
    %dot_general3A_71 = tpu.matmul %add3A_66, %get3A_69, %dot_general3A_70 {dimension_numbers = #tpu.dot_dimension_numbers<[1], [0], [0], [1], [0, 0, 1, 1], [], []>, transpose_lhs_hint = false} : vector<10000x128xf32>, vector<128x128xf32>, vector<10000x128xf32> -> vector<10000x128xf32>
    %mul3A_72 = vector.broadcast %rsqrt3A : vector<10000x1xf32> to vector<10000x128xf32>
    %mul3A_73 = arith.mulf %dot_general3A_71, %mul3A_72 : vector<10000x128xf32>
    %swap3A = arith.constant 0 : index
    %swap3A_74 = arith.constant 0 : index
    %swap3A_75 = vector.load %arg10[%swap3A, %swap3A_74] : memref<10000x128xf32, #tpu.memory_space<vmem>>, vector<10000x128xf32>
    tpu.vector_store %arg10[%swap3A, %swap3A_74], %mul3A_73 {strides = array<i32>} : memref<10000x128xf32, #tpu.memory_space<vmem>>, vector<10000x128xf32>,
    return
  }
}

module attributes {stable_mosaic.version = 14 : i64} {
  func.func @_tc_a_body(%arg0: memref<10000x1xf32, #tpu.memory_space<vmem>>, %arg1: memref<10000x1xf32, #tpu.memory_space<vmem>>, %arg2: memref<10000x128xf32, #tpu.memory_space<vmem>>, %arg3: memref<128x128xf32, #tpu.memory_space<vmem>>, %arg4: memref<10000x128xf32, #tpu.memory_space<vmem>>) attributes {dimension_semantics = [], scalar_prefetch = 0 : i64, scratch_operands = 0 : i64, tpu.core_type = #tpu.core_type<tc>} {
    %get3A = arith.constant 0 : index
    %get3A_0 = arith.constant 0 : index
    %get3A_1 = vector.load %arg2[%get3A, %get3A_0] : memref<10000x128xf32, #tpu.memory_space<vmem>>, vector<10000x128xf32>
    %get3A_2 = arith.constant 0 : index
    %get3A_3 = arith.constant 0 : index
    %get3A_4 = vector.load %arg3[%get3A_2, %get3A_3] : memref<128x128xf32, #tpu.memory_space<vmem>>, vector<128x128xf32>
    %dot_general3A = arith.constant dense<0.000000e+00> : vector<10000x128xf32>
    %dot_general3A_5 = tpu.matmul %get3A_1, %get3A_4, %dot_general3A {dimension_numbers = #tpu.dot_dimension_numbers<[1], [0], [0], [1], [0, 0, 1, 1], [], []>, transpose_lhs_hint = false} : vector<10000x128xf32>, vector<128x128xf32>, vector<10000x128xf32> -> vector<10000x128xf32>
    %get3A_6 = arith.constant 0 : index
    %get3A_7 = arith.constant 0 : index
    %get3A_8 = vector.load %arg0[%get3A_6, %get3A_7] : memref<10000x1xf32, #tpu.memory_space<vmem>>, vector<10000x1xf32>
    %get3A_9 = arith.constant 0 : index
    %get3A_10 = arith.constant 0 : index
    %get3A_11 = vector.load %arg1[%get3A_9, %get3A_10] : memref<10000x1xf32, #tpu.memory_space<vmem>>, vector<10000x1xf32>
    %add3A = arith.addf %get3A_8, %get3A_11 : vector<10000x1xf32>
    %add3A_12 = arith.constant 1.000000e+00 : f32
    %add3A_13 = vector.broadcast %add3A_12 : f32 to vector<10000x1xf32>
    %add3A_14 = arith.addf %add3A, %add3A_13 : vector<10000x1xf32>
    %rsqrt3A = math.rsqrt %add3A_14 : vector<10000x1xf32>
    %mul3A = vector.broadcast %rsqrt3A : vector<10000x1xf32> to vector<10000x128xf32>
    %mul3A_15 = arith.mulf %dot_general3A_5, %mul3A : vector<10000x128xf32>
    %swap3A = arith.constant 0 : index
    %swap3A_16 = arith.constant 0 : index
    %swap3A_17 = vector.load %arg4[%swap3A, %swap3A_16] : memref<10000x128xf32, #tpu.memory_space<vmem>>, vector<10000x128xf32>
    tpu.vector_store %arg4[%swap3A, %swap3A_16], %mul3A_15 {strides = array<i32>} : memref<10000x128xf32, #tpu.memory_space<vmem>>, vector<10000x128xf32>,
    return
  }
}

module attributes {stable_mosaic.version = 14 : i64} {
  func.func @_tc_c_body(%arg0: memref<2x10240x128xf32, #tpu.memory_space<vmem>>, %arg1: memref<10000x128xf32, #tpu.memory_space<vmem>>, %arg2: memref<10000x1xf32, #tpu.memory_space<vmem>>, %arg3: memref<10000x1xf32, #tpu.memory_space<vmem>>, %arg4: memref<1x128xf32, #tpu.memory_space<vmem>>, %arg5: memref<128x128xf32, #tpu.memory_space<vmem>>, %arg6: memref<1x128xf32, #tpu.memory_space<vmem>>, %arg7: memref<1x128xf32, #tpu.memory_space<vmem>>, %arg8: memref<1x128xf32, #tpu.memory_space<vmem>>, %arg9: memref<128x128xf32, #tpu.memory_space<vmem>>, %arg10: memref<1x128xf32, #tpu.memory_space<vmem>>, %arg11: memref<10000x128xf32, #tpu.memory_space<vmem>>) attributes {dimension_semantics = [], scalar_prefetch = 0 : i64, scratch_operands = 0 : i64, tpu.core_type = #tpu.core_type<tc>} {
    %get3A = arith.constant 0 : index
    %get3A_0 = arith.constant 0 : index
    %get3A_1 = vector.load %arg2[%get3A, %get3A_0] : memref<10000x1xf32, #tpu.memory_space<vmem>>, vector<10000x1xf32>
    %get3A_2 = arith.constant 0 : index
    %get3A_3 = arith.constant 0 : index
    %get3A_4 = vector.load %arg3[%get3A_2, %get3A_3] : memref<10000x1xf32, #tpu.memory_space<vmem>>, vector<10000x1xf32>
    %add3A = arith.addf %get3A_1, %get3A_4 : vector<10000x1xf32>
    %add3A_5 = arith.constant 1.000000e+00 : f32
    %add3A_6 = vector.broadcast %add3A_5 : f32 to vector<10000x1xf32>
    %add3A_7 = arith.addf %add3A, %add3A_6 : vector<10000x1xf32>
    %rsqrt3A = math.rsqrt %add3A_7 : vector<10000x1xf32>
    %get3A_8 = arith.constant 0 : index
    %get3A_9 = arith.constant 0 : index
    %get3A_10 = arith.constant 0 : index
    %get3A_11 = vector.load %arg0[%get3A_8, %get3A_9, %get3A_10] : memref<2x10240x128xf32, #tpu.memory_space<vmem>>, vector<1x10000x128xf32>
    %get3A_12 = vector.shape_cast %get3A_11 : vector<1x10000x128xf32> to vector<10000x128xf32>
    %get3A_13 = arith.constant 1 : index
    %get3A_14 = arith.constant 0 : index
    %get3A_15 = arith.constant 0 : index
    %get3A_16 = vector.load %arg0[%get3A_13, %get3A_14, %get3A_15] : memref<2x10240x128xf32, #tpu.memory_space<vmem>>, vector<1x10000x128xf32>
    %get3A_17 = vector.shape_cast %get3A_16 : vector<1x10000x128xf32> to vector<10000x128xf32>
    %add3A_18 = arith.addf %get3A_12, %get3A_17 : vector<10000x128xf32>
    %get3A_19 = arith.constant 0 : index
    %get3A_20 = arith.constant 0 : index
    %get3A_21 = vector.load %arg1[%get3A_19, %get3A_20] : memref<10000x128xf32, #tpu.memory_space<vmem>>, vector<10000x128xf32>
    %add3A_22 = arith.addf %add3A_18, %get3A_21 : vector<10000x128xf32>
    %mul3A = vector.broadcast %rsqrt3A : vector<10000x1xf32> to vector<10000x128xf32>
    %mul3A_23 = arith.mulf %add3A_22, %mul3A : vector<10000x128xf32>
    %get3A_24 = arith.constant 0 : index
    %get3A_25 = arith.constant 0 : index
    %get3A_26 = vector.load %arg4[%get3A_24, %get3A_25] : memref<1x128xf32, #tpu.memory_space<vmem>>, vector<1x128xf32>
    %add3A_27 = vector.broadcast %get3A_26 : vector<1x128xf32> to vector<10000x128xf32>
    %add3A_28 = arith.addf %mul3A_23, %add3A_27 : vector<10000x128xf32>
    %get3A_29 = arith.constant 0 : index
    %get3A_30 = arith.constant 0 : index
    %get3A_31 = vector.load %arg5[%get3A_29, %get3A_30] : memref<128x128xf32, #tpu.memory_space<vmem>>, vector<128x128xf32>
    %dot_general3A = arith.constant dense<0.000000e+00> : vector<10000x128xf32>
    %dot_general3A_32 = tpu.matmul %add3A_28, %get3A_31, %dot_general3A {dimension_numbers = #tpu.dot_dimension_numbers<[1], [0], [0], [1], [0, 0, 1, 1], [], []>, transpose_lhs_hint = false} : vector<10000x128xf32>, vector<128x128xf32>, vector<10000x128xf32> -> vector<10000x128xf32>
    %get3A_33 = arith.constant 0 : index
    %get3A_34 = arith.constant 0 : index
    %get3A_35 = vector.load %arg6[%get3A_33, %get3A_34] : memref<1x128xf32, #tpu.memory_space<vmem>>, vector<1x128xf32>
    %add3A_36 = vector.broadcast %get3A_35 : vector<1x128xf32> to vector<10000x128xf32>
    %add3A_37 = arith.addf %dot_general3A_32, %add3A_36 : vector<10000x128xf32>
    %max3A = arith.constant 0.000000e+00 : f32
    %max3A_38 = vector.broadcast %max3A : f32 to vector<10000x128xf32>
    %max3A_39 = arith.maximumf %add3A_37, %max3A_38 : vector<10000x128xf32>
    %get3A_40 = arith.constant 0 : index
    %get3A_41 = arith.constant 0 : index
    %get3A_42 = vector.load %arg7[%get3A_40, %get3A_41] : memref<1x128xf32, #tpu.memory_space<vmem>>, vector<1x128xf32>
    %get3A_43 = arith.constant 0 : index
    %get3A_44 = arith.constant 0 : index
    %get3A_45 = vector.load %arg8[%get3A_43, %get3A_44] : memref<1x128xf32, #tpu.memory_space<vmem>>, vector<1x128xf32>
    %reduce_sum3A = arith.constant dense<0.000000e+00> : vector<128xf32>
    %reduce_sum3A_46 = vector.multi_reduction <add>, %max3A_39, %reduce_sum3A [0] : vector<10000x128xf32> to vector<128xf32>
    %broadcast_in_dim3A = vector.shape_cast %reduce_sum3A_46 : vector<128xf32> to vector<1x128xf32>
    %div3A = arith.constant 1.000000e+04 : f32
    %div3A_47 = vector.broadcast %div3A : f32 to vector<1x128xf32>
    %div3A_48 = arith.divf %broadcast_in_dim3A, %div3A_47 : vector<1x128xf32>
    %sub3A = vector.broadcast %div3A_48 : vector<1x128xf32> to vector<10000x128xf32>
    %sub3A_49 = arith.subf %max3A_39, %sub3A : vector<10000x128xf32>
    %mul3A_50 = arith.mulf %sub3A_49, %sub3A_49 : vector<10000x128xf32>
    %reduce_sum3A_51 = arith.constant dense<0.000000e+00> : vector<128xf32>
    %reduce_sum3A_52 = vector.multi_reduction <add>, %mul3A_50, %reduce_sum3A_51 [0] : vector<10000x128xf32> to vector<128xf32>
    %broadcast_in_dim3A_53 = vector.shape_cast %reduce_sum3A_52 : vector<128xf32> to vector<1x128xf32>
    %div3A_54 = arith.constant 1.000000e+04 : f32
    %div3A_55 = vector.broadcast %div3A_54 : f32 to vector<1x128xf32>
    %div3A_56 = arith.divf %broadcast_in_dim3A_53, %div3A_55 : vector<1x128xf32>
    %add3A_57 = arith.constant 9.99999974E-6 : f32
    %add3A_58 = vector.broadcast %add3A_57 : f32 to vector<1x128xf32>
    %add3A_59 = arith.addf %div3A_56, %add3A_58 : vector<1x128xf32>
    %rsqrt3A_60 = math.rsqrt %add3A_59 : vector<1x128xf32>
    %mul3A_61 = vector.broadcast %rsqrt3A_60 : vector<1x128xf32> to vector<10000x128xf32>
    %mul3A_62 = arith.mulf %sub3A_49, %mul3A_61 : vector<10000x128xf32>
    %mul3A_63 = vector.broadcast %get3A_42 : vector<1x128xf32> to vector<10000x128xf32>
    %mul3A_64 = arith.mulf %mul3A_63, %mul3A_62 : vector<10000x128xf32>
    %add3A_65 = vector.broadcast %get3A_45 : vector<1x128xf32> to vector<10000x128xf32>
    %add3A_66 = arith.addf %mul3A_64, %add3A_65 : vector<10000x128xf32>
    %get3A_67 = arith.constant 0 : index
    %get3A_68 = arith.constant 0 : index
    %get3A_69 = vector.load %arg9[%get3A_67, %get3A_68] : memref<128x128xf32, #tpu.memory_space<vmem>>, vector<128x128xf32>
    %dot_general3A_70 = arith.constant dense<0.000000e+00> : vector<10000x128xf32>
    %dot_general3A_71 = tpu.matmul %add3A_66, %get3A_69, %dot_general3A_70 {dimension_numbers = #tpu.dot_dimension_numbers<[1], [0], [0], [1], [0, 0, 1, 1], [], []>, transpose_lhs_hint = false} : vector<10000x128xf32>, vector<128x128xf32>, vector<10000x128xf32> -> vector<10000x128xf32>
    %get3A_72 = arith.constant 0 : index
    %get3A_73 = arith.constant 0 : index
    %get3A_74 = vector.load %arg10[%get3A_72, %get3A_73] : memref<1x128xf32, #tpu.memory_space<vmem>>, vector<1x128xf32>
    %add3A_75 = vector.broadcast %get3A_74 : vector<1x128xf32> to vector<10000x128xf32>
    %add3A_76 = arith.addf %dot_general3A_71, %add3A_75 : vector<10000x128xf32>
    %max3A_77 = arith.constant 0.000000e+00 : f32
    %max3A_78 = vector.broadcast %max3A_77 : f32 to vector<10000x128xf32>
    %max3A_79 = arith.maximumf %add3A_76, %max3A_78 : vector<10000x128xf32>
    %swap3A = arith.constant 0 : index
    %swap3A_80 = arith.constant 0 : index
    %swap3A_81 = vector.load %arg11[%swap3A, %swap3A_80] : memref<10000x128xf32, #tpu.memory_space<vmem>>, vector<10000x128xf32>
    tpu.vector_store %arg11[%swap3A, %swap3A_80], %max3A_79 {strides = array<i32>} : memref<10000x128xf32, #tpu.memory_space<vmem>>, vector<10000x128xf32>,
    return
  }
}

</mosaic_0001>

<sc_bundles>
// kernel: kernel.11.cloned.1.call-start
scs
__scs_entry_jumppad:
0x0: {  	(pc) =	sbr.rel $0x88, $3  }
0x1: {  	(tag) =	ssettag $0x0;
	lr =	simm.s32 $0x1  }
0x2: {  	[smem:$0x3F91] =	sst lr;
	_ =	strace $0xD0000000  }
0x3: {  	_ = 	snop  }
0x4: {  	_ = 	snop  }
0x5: {  	_ = 	snop  }
0x6: {  	_ = 	snop  }
0x7: {  	_ = 	snop  }
__scs_overlays_trampoline_lowered:
0x8: {  	[smem:$0x3FA0] =	sst s0  }
0x9: {  	[smem:$0x3FA1] =	sst s1  }
0xa: {  	[smem:$0x3FA2] =	sst s2  }
0xb: {  	[smem:$0x3FA3] =	sst s3  }
0xc: {  	[smem:$0x3FA4] =	sst s4  }
0xd: {  	[smem:$0x3FA5] =	sst s5  }
0xe: {  	[smem:$0x3FA6] =	sst s6  }
0xf: {  	[smem:$0x3FA7] =	sst s7  }
0x10: {  	[smem:$0x3FA8] =	sst s8  }
0x11: {  	[smem:$0x3FA9] =	sst s9;
	s0 =	simm.s32 @!p0 $0x0  }
0x12: {  	s1 =	sld [smem:$0x3F8F];
	s0 =	simm.s32 @p0 $0x1  }
0x13: {  	[smem:$0x3FAA] =	sst s0;
	s0 =	simm.s32 @!p1 $0x0  }
0x14: {  	s2 =	sld [smem:$0x3F8E];
	s0 =	simm.s32 @p1 $0x1  }
0x15: {  	[smem:$0x3FAB] =	sst s0;
	s0 =	simm.s32 @!p2 $0x0  }
0x16: {  	s3 =	sld [smem:$0x3FDB];
	s0 =	simm.s32 @p2 $0x1  }
0x17: {  	s4 =	simm.s32 $0x1BF5;
	[smem:$0x3FAD] =	sst s0  }
0x18: {  	s0 =	sld [smem:$0x3F90];
	_ =	swait.ge [sflag:s4], $0x0  }
0x19: {  	s7 =	sld [smem:$0x3F91]  }
0x1a: {  	s8 =	sadd.s32 $0xFFFFE003, lr  }
0x1b: {  	s9 =	sadd.s32 $0xFFFFFEF7, lr;
	s5 =	simm.s32 $0xFFFFFFFF;
	p2 =	slt.u32 s8, $0xFFFFF086  }
0x1c: {  	p1 =	slt.u32 s9, $0xF7A;
	s5 =	simm.s32 @!p2 $0x0  }
0x1d: {  	s5 =	simm.s32 @p1 $0x1;
	p0 =	seq.s32 s7, s2  }
0x1e: {  	s7 =	smul.u32 @!p0 $0xF7A, s2;
	p2 =	seq.s32 @!p0 s5, $0x0  }
0x1f: {  	s9 =	smul.u32 $0xF7A, s1;
	s8 =	simm.s32 @!p0 $0x1BF5;
	p2 =	por !p2, p0  }
0x20: {  	[sflag:s8] =	ssyncset.s32 @!p0 $0xFFFFF086;
	s6 =	sadd.s32 @!p0 s3, s7;
	s7 =	simm.s32 @!p0 $0x108  }
0x21: {  	s3 =	sadd.s32 s3, s9;
	s6 =	sadd.s32 @!p0 $0x88, s6;
	s7 =	simm.s32 @p2 $0x1082  }
0x22: {  	[simem:s7], [sflag:s8] =	dma.local @!p0 [hbm:s6], $0xF7A  }
0x23: {  	s9 =	sor.u32 $0xD0000000, s2;
	s6 =	simm.s32 $0x108;
	_ =	swait.ge @!p0 [sflag:s8], $0x0  }
0x24: {  	s3 =	sadd.s32 $0x88, s3;
	s6 =	simm.s32 @!p1 $0x1082;
	[sflag:s4] =	ssyncset.s32 $0xFFFFF086  }
0x25: {  	[simem:s6], [sflag:s4] =	dma.local [hbm:s3], $0xF7A  }
0x26: {  	[smem:$0x3F91] =	sst s1;
	(tag) =	ssettag s2;
	_ =	strace s9  }
0x27: {  	s1 =	sld [smem:$0x3FA1]  }
0x28: {  	s2 =	sld [smem:$0x3FA2]  }
0x29: {  	s4 =	sld [smem:$0x3FA4]  }
0x2a: {  	p0 =	seq.s32 s5, $0x0;
	s5 =	sld [smem:$0x3FA5]  }
0x2b: {  	s6 =	sld [smem:$0x3FA6]  }
0x2c: {  	s7 =	sld [smem:$0x3FA7]  }
0x2d: {  	s3 =	simm.s32 $0x108;
	s8 =	sld [smem:$0x3FA8]  }
0x2e: {  	s3 =	simm.s32 @!p0 $0x1082;
	s9 =	sld [smem:$0x3FA9]  }
0x2f: {  	lr =	sadd.s32 s0, s3;
	s0 =	sld [smem:$0x3FA0]  }
0x30: {  	s3 =	sld [smem:$0x3FA3]  }
0x31: {  	[smem:$0x3FAC] =	sst s10  }
0x32: {  	s10 =	sld [smem:$0x3FAA];
	_ =	sdelay $0x3  }
0x33: {  	p0 =	seq.s32 s10, $0x1;
	s10 =	sld [smem:$0x3FAC];
	_ =	sdelay $0x3  }
0x34: {  	[smem:$0x3FAC] =	sst s10  }
0x35: {  	s10 =	sld [smem:$0x3FAB];
	_ =	sdelay $0x3  }
0x36: {  	p1 =	seq.s32 s10, $0x1;
	s10 =	sld [smem:$0x3FAC];
	_ =	sdelay $0x3  }
0x37: {  	[smem:$0x3FAC] =	sst s10  }
0x38: {  	s10 =	sld [smem:$0x3FAD]  }
0x39: {  	_ = 	snop;
	(pc) =	sbr.ind lr, $3  }
0x3a: {  	_ = 	snop  }
0x3b: {  	_ = 	snop  }
0x3c: {  	p2 =	seq.s32 s10, $0x1;
	s10 =	sld [smem:$0x3FAC]  }
0x3d: {  	_ =	shalt  }
0x3e: {  	_ =	shalt  }
0x3f: {  	_ =	shalt  }
0x40: {  	_ =	shalt  }
0x41: {  	_ =	shalt  }
0x42: {  	_ =	shalt  }
0x43: {  	_ =	shalt  }
0x44: {  	_ =	shalt  }
0x45: {  	_ =	shalt  }
0x46: {  	_ =	shalt  }
0x47: {  	_ =	shalt  }
0x48: {  	_ =	shalt  }
0x49: {  	_ =	shalt  }
0x4a: {  	_ =	shalt  }
0x4b: {  	_ =	shalt  }
0x4c: {  	_ =	shalt  }
0x4d: {  	_ =	shalt  }
0x4e: {  	_ =	shalt  }
0x4f: {  	_ =	shalt  }
0x50: {  	_ =	shalt  }
0x51: {  	_ =	shalt  }
0x52: {  	_ =	shalt  }
0x53: {  	_ =	shalt  }
0x54: {  	_ =	shalt  }
0x55: {  	_ =	shalt  }
0x56: {  	_ =	shalt  }
0x57: {  	_ =	shalt  }
0x58: {  	_ =	shalt  }
0x59: {  	_ =	shalt  }
0x5a: {  	_ =	shalt  }
0x5b: {  	_ =	shalt  }
0x5c: {  	_ =	shalt  }
0x5d: {  	_ =	shalt  }
0x5e: {  	_ =	shalt  }
0x5f: {  	_ =	shalt  }
0x60: {  	_ =	shalt  }
0x61: {  	_ =	shalt  }
0x62: {  	_ =	shalt  }
0x63: {  	_ =	shalt  }
0x64: {  	_ =	shalt  }
0x65: {  	_ =	shalt  }
0x66: {  	_ =	shalt  }
0x67: {  	_ =	shalt  }
0x68: {  	_ =	shalt  }
0x69: {  	_ =	shalt  }
0x6a: {  	_ =	shalt  }
0x6b: {  	_ =	shalt  }
0x6c: {  	_ =	shalt  }
0x6d: {  	_ =	shalt  }
0x6e: {  	_ =	shalt  }
0x6f: {  	_ =	shalt  }
0x70: {  	_ =	shalt  }
0x71: {  	_ =	shalt  }
0x72: {  	_ =	shalt  }
0x73: {  	_ =	shalt  }
0x74: {  	_ =	shalt  }
0x75: {  	_ =	shalt  }
0x76: {  	_ =	shalt  }
0x77: {  	_ =	shalt  }
0x78: {  	_ =	shalt  }
0x79: {  	_ =	shalt  }
0x7a: {  	_ =	shalt  }
0x7b: {  	_ =	shalt  }
0x7c: {  	_ =	shalt  }
0x7d: {  	_ =	shalt  }
0x7e: {  	_ =	shalt  }
0x7f: {  	_ =	shalt  }
0x80: {  	_ =	shalt  }
0x81: {  	_ =	shalt  }
0x82: {  	_ =	shalt  }
0x83: {  	_ =	shalt  }
0x84: {  	_ =	shalt  }
0x85: {  	_ =	shalt  }
0x86: {  	_ =	shalt  }
0x87: {  	_ =	shalt  }
.Lfunc_end0:
.L_simem_size_0:
called_computation.1_lowered:
.L_overlay_start_0:
0x88: {  	s2 =	sld [smem:$0x3FD9]  }
0x89: {  	s3 =	sld [smem:$0x3FFE];
	_ =	sdelay $0x1  }
0x8a: {  	s1 =	srdreg.scid  }
0x8b: {  	s0 =	sand.u32 $0x1, s1  }
0x8c: {  	s17 =	sshll.u32 s0, $0xA;
	s2 =	sadd.s32 s3, s2  }
0x8d: {  	s2 =	sadd.s32 s2, s17  }
0x8e: {  	[smem:$0x3FB8] =	sst s2  }
0x8f: {  	_ = 	snop  }
0x90: {  	s2 =	sld [smem:$0x3FC8]  }
0x91: {  	s18 =	sld [smem:$0x3FD0];
	(tm) =	ssettm $0x1  }
0x92: {  	s4 =	sld [smem:$0x3FFB];
	_ =	sdelay $0x3  }
0x93: {  	_ =	strace s4  }
0x94: {  	s4 =	sld [smem:$0x3FFC];
	_ =	sdelay $0x3  }
0x95: {  	_ =	strace s4  }
0x96: {  	s4 =	sld [smem:$0x3FFD];
	_ =	sdelay $0x3  }
0x97: {  	_ =	strace s4  }
0x98: {  	_ =	strace $0x8FFFFFFF  }
0x99: {  	s19 =	sld [smem:$0x3FDB];
	_ =	sdelay $0x1  }
0x9a: {  	s5 =	simm.s32 $_scs_section_size  }
0x9b: {  	s6 =	simm.s32 $_size__tile_overlayer_lowered;
	s7 =	simm.s32 $_tile_overlayer_lowered  }
0x9c: {  	s22 =	simm.s32 $0x1BFF;
	s21 =	sshll.u32 s7, $0x1;
	s4 =	sadd.s32 s5, s19  }
0x9d: {  	s8 =	simm.s32 $0x0;
	s20 =	sshll.u32 s6, $0x1;
	s6 =	sadd.s32 s21, s4  }
0x9e: {  	[timem:s8], [sflag:s22] =	dma.local [hbm:s6], s20  }
0x9f: {  	_ =	swait.ge [sflag:s22], s20  }
0xa0: {  	s5 =	ssub.s32 $0x0, s20;
	[sflag:s22] =	ssyncset.done $0x0  }
0xa1: {  	[sflag:s22] =	ssyncadd.s32 s5;
	_ =	sdelay $0x1  }
0xa2: {  	s23 =	simm.s32 $0x1B8B  }
0xa3: {  	_ =	swait.ge [sflag:s23], $0x1  }
0xa4: {  	[sflag:s23] =	ssyncset.done $0x0  }
0xa5: {  	s25 =	simm.s32 $0x1B8E;
	s24 =	sld [smem:$0x3FFE];
	[sflag:s23] =	ssyncadd.s32 $0xFFFFFFFF  }
0xa6: {  	s26 =	simm.s32 $execute0_lowered;
	[smem:$0x3FD2] =	sst s25  }
0xa7: {  	s6 =	sshll.u32 s26, $0x1;
	_ =	strace $0x80000049;
	[dreg:$0x1] =	wrdreg $0xFFFFFFFF  }
0xa8: {  	s28 =	simm.s32 $_size_execute0_lowered;
	s4 =	sadd.s32 s4, s6;
	[dreg:$0x0] =	wrdreg $0x0  }
0xa9: {  	s6 =	sshll.u32 s28, $0x1;
	[dreg:$0x2] =	wrdreg s4  }
0xaa: {  	[dreg:$0x3] =	wrdreg s6  }
0xab: {  	[dreg:$0x4] =	wrdreg $0xC0  }
0xac: {  	_ =	task [dreg:s8], $0x5FFFF  }
0xad: {  	[dreg:$0x1] =	wrdreg $0xFFFFFFFF  }
0xae: {  	[dreg:$0x0] =	wrdreg $0x60  }
0xaf: {  	[dreg:$0x2] =	wrdreg s18  }
0xb0: {  	[dreg:$0x3] =	wrdreg s2  }
0xb1: {  	[dreg:$0x4] =	wrdreg s24  }
0xb2: {  	[dreg:$0x5] =	wrdreg $0x8A000  }
0xb3: {  	[dreg:$0x6] =	wrdreg $0x9  }
0xb4: {  	_ =	task.clear_ibuf [dreg:s8], $0x7FFFF;
	_ =	strace $0x90000049  }
0xb5: {  	s29 =	simm.s32 $0x9;
	_ =	strace $0x8000004B  }
0xb6: {  	_ =	swait.ge [sflag:s29], $0x1  }
0xb7: {  	[sflag:s29] =	ssyncadd.s32 $0xFFFFFFFF  }
0xb8: {  	_ =	strace $0x9000004B  }
0xb9: {  	_ =	sfence  }
0xba: {  	s30 =	sld [smem:$0x0];
	_ =	sdelay $0x2  }
0xbb: {  	s31 =	sshll.u32 s1, $0xD;
	s1 =	sshrl.u32 s1, $0x2  }
0xbc: {  	s3 =	sand.u32 $0x4000, s31;
	s1 =	sadd.s32 s1, s30  }
0xbd: {  	s0 =	sor.u32 s3, s0;
	s1 =	sshll.u32 s1, $0x11  }
0xbe: {  	s0 =	sor.u32 s1, s0  }
0xbf: {  	s0 =	sadd.s32 $0x8F2B, s0  }
0xc0: {  	[sflag:s0] =	ssyncadd.remote.s32 $0x1  }
0xc1: {  	_ =	sfence.sel $0xFFFF  }
0xc2: {  	[dreg:$0x0] =	wrdreg $0xFFFFFFFF;
	(pc) =	sbr.abs _section_cstart, $3  }
0xc3: {  	[dreg:$0x1] =	wrdreg $0xFFFFFFFF  }
0xc4: {  	_ =	task.clear_ibuf [dreg:s8], $0x2FFFF;
	_ =	strace $0x9FFFFFFF  }
0xc5: {  	(tm) =	ssettm $0x7FFFFFFF  }
tec
execute0_lowered:
.L_overlay_start_1:
0x0: {  	(tag) =	ssettag $0x1  }
0x1: {  	s1 =	rddreg [dreg:$0x0]  }
0x2: {  	s0 =	rddreg [dreg:$0x1]  }
0x3: {  	s3 =	rddreg [dreg:$0x2];
	s21 =	stileid.u32  }
0x4: {  	s2 =	rddreg [dreg:$0x3];
	s25 =	smul.u32 $0x50000, s21  }
0x5: {  	s5 =	srdreg.scid;
	s4 =	simm.s32 $0x0;
	s11 =	smul.u32 $0x14000, s21  }
0x6: {  	s31 =	simm.s32 $0x8200;
	s7 =	sand.u32 $0x1, s5;
	s23 =	smul.u32 $0x2700, s21  }
0x7: {  	[smem:$0x7FF] =	sst s4;
	s3 =	sadd.s32 $0x3A00, s3;
	s12 =	smul.u32 $0x140000, s7  }
0x8: {  	s13 =	sshll.u32 s21, $0x5;
	s5 =	sshll.u32 s7, $0x4;
	s19 =	smul.u32 $0x4E000, s7  }
0x9: {  	_ =	strace $0x8000004A;
	s6 =	ssub.s32 $0x2, s7;
	s7 =	smul.u32 $0x27000, s7  }
0xa: {  	s24 =	sadd.s32 s13, s0;
	s8 =	sor.u32 s21, s5;
	s10 =	sshrl.u32 s6, $0x1  }
0xb: {  	s5 =	sshrl.u32 s25, $0x2;
	s16 =	sadd.s32 $0x4000, s11;
	s17 =	sadd.s32 $0x8000, s11  }
0xc: {  	s9 =	smul.u32 $0x9C0, s8;
	s10 =	ssub.s32 s6, s10;
	s5 =	sadd.s32 s5, s2  }
0xd: {  	s6 =	sadd.s32 $0x30, s0;
	s14 =	sadd.s32 s12, s11;
	s15 =	sadd.s32 s12, s16  }
0xe: {  	s18 =	sadd.s32 s12, s17;
	s29 =	smul.u32 $0x4E00, s8;
	s7 =	sadd.s32 s23, s7  }
0xf: {  	p0 =	sgt.u32 s8, $0x3;
	s23 =	sadd.s32 s17, s2;
	s8 =	simm.s32 $0x180  }
0x10: {  	s17 =	simm.s32 $0x2;
	s14 =	sshrl.u32 s14, $0x3;
	s15 =	sshrl.u32 s15, $0x3  }
0x11: {  	s28 =	sshrl.u32 s18, $0x3;
	s18 =	sadd.s32 $0xC000, s11;
	s11 =	sadd.s32 $0x10000, s11  }
0x12: {  	[dreg:$0xf] =	wrdreg s23;
	s23 =	simm.s32 $0x0;
	s14 =	sadd.s32 s3, s14  }
0x13: {  	s26 =	sadd.s32 s3, s15;
	s20 =	sadd.s32 s12, s18;
	[dreg:$0x5] =	wrdreg s14  }
0x14: {  	s12 =	sadd.s32 s12, s11;
	s22 =	sshrl.u32 s29, $0x3;
	[dreg:$0x6] =	wrdreg s26  }
0x15: {  	s14 =	sadd.s32 s3, s28;
	s15 =	sshrl.u32 s20, $0x3;
	s20 =	smul.u32 $0x4E00, s21  }
0x16: {  	s12 =	sshrl.u32 s12, $0x3;
	s21 =	smax.u32 s10, $0x1;
	[dreg:$0x7] =	wrdreg s14  }
0x17: {  	s10 =	simm.s32 $0x1;
	s15 =	sadd.s32 s3, s15;
	[dreg:$0xd] =	wrdreg s21  }
0x18: {  	s3 =	sadd.s32 s3, s12;
	s21 =	simm.s32 $0x5;
	[dreg:$0x8] =	wrdreg s15  }
0x19: {  	[dreg:$0x9] =	wrdreg s3;
	s3 =	sadd.s32 s0, s22;
	s25 =	sadd.s32 s20, s19  }
0x1a: {  	s20 =	sadd.s32 $0x13810, s24;
	s22 =	sadd.s32 s16, s2;
	s16 =	simm.s32 $0x4200  }
0x1b: {  	s26 =	sadd.s32 $0x400, s25;
	s28 =	sadd.s32 $0x500, s25;
	[dreg:$0xc] =	wrdreg s20  }
0x1c: {  	s19 =	sadd.s32 $0x480, s25;
	[dreg:$0xe] =	wrdreg s22;
	s25 =	sadd.s32 s11, s2  }
0x1d: {  	s11 =	simm.s32 $0x4;
	s20 =	simm.s32 $0x3;
	s22 =	simm.s32 $0x8  }
0x1e: {  	s14 =	sshrl.u32 s26, $0x3;
	s29 =	sshrl.u32 s28, $0x3;
	s15 =	sshrl.u32 s19, $0x3  }
0x1f: {  	s19 =	sadd.s32 $0x13800, s24;
	s24 =	sadd.s32 s18, s2;
	[dreg:$0x11] =	wrdreg s25  }
0x20: {  	s26 =	sadd.s32 $0x40, s3;
	s28 =	sadd.s32 $0x50, s3;
	s3 =	sadd.s32 $0x60, s3  }
0x21: {  	s25 =	sadd.s32 $0x100, s7;
	s7 =	simm.s32 $0x80;
	[dreg:$0xb] =	wrdreg s19  }
0x22: {  	s18 =	simm.s32 $0x6;
	s12 =	sadd.s32 s14, s0;
	[dreg:$0x10] =	wrdreg s24  }
0x23: {  	s13 =	sadd.s32 s29, s0;
	s14 =	sadd.s32 s15, s0;
	[dreg:$0x12] =	wrdreg s26  }
.Ltmp0:
0x24: {  	s0 =	sadd.s32 s0, s9;
	[dreg:$0x13] =	wrdreg s28;
	(pc) =	sbr.rel .LBB2_1-.Ltmp0, $4  }
0x25: {  	s9 =	sadd.s32 s9, s6;
	[dreg:$0x14] =	wrdreg s3;
	s3 =	simm.s32 $0x100  }
0x26: {  	s19 =	simm.s32 $0x7;
	[dreg:$0xa] =	wrdreg s9;
	s29 =	sadd.s32 $0x10, s0  }
0x27: {  	s30 =	smov.u32 s0;
	s0 =	sadd.s32 $0x20, s0;
	[dreg:$0x15] =	wrdreg s29  }
0x28: {  	v0 =	vimm.f32 $0.0e+00;
	s9 =	simm.s32 $0x200;
	[dreg:$0x16] =	wrdreg s0;
	s0 =	simm.s32 $0x9  }
.LBB2_8:
0x29: {  	_ =	swait.ge [sflag:s22], $0x4000  }
0x2a: {  	s24 =	simm.s32 @!p0 $0x0;
	[sflag:s22] =	ssyncset.done $0x0  }
0x2b: {  	s26 =	simm.s32 @!p0 $0x9;
	s15 =	rddreg [dreg:$0xb];
	[sflag:s22] =	ssyncadd.s32 $0xFFFFC000  }
0x2c: {  	[tilespmem:s24], [sflag:$0x9] =	stream.linear.gather @!p0 [hbm4b:s15+s24], $0x80, $0x38;
	[tilespmem:$0x1CA00] =	vst v63  }
0x2d: {  	_ =	swait.ge @!p0 [sflag:s26], $0x80  }
0x2e: {  	[sflag:s26] =	ssyncset.done @!p0 $0x0  }
0x2f: {  	s28 =	simm.s32 @!p0 $0x100;
	s15 =	rddreg [dreg:$0xc];
	[sflag:s26] =	ssyncadd.s32 @!p0 $0xFFFFFF80  }
0x30: {  	[tilespmem:s28], [sflag:$0x9] =	stream.linear.gather @!p0 [hbm4b:s15+s24], $0x80, $0x38;
	[tilespmem:$0x1CA00] =	vst v63  }
0x31: {  	_ =	swait.ge @!p0 [sflag:s26], $0x80  }
0x32: {  	[sflag:s26] =	ssyncset.done @!p0 $0x0  }
0x33: {  	s29 =	simm.s32 @!p0 $0x80;
	s15 =	simm.s32 @!p0 $0x200;
	[sflag:s26] =	ssyncadd.s32 @!p0 $0xFFFFFF80  }
0x34: {  	[tilespmem:s15], [sflag:$0x1] =	stream.indirect.gather @!p0 [hbm4b:s1+s29], $0x80, s24, s29, $0xb8;
	[tilespmem:$0x1CA00] =	vst v63  }
0x35: {  	s24 =	simm.s32 @!p0 $0x1  }
0x36: {  	_ =	swait.ge @!p0 [sflag:s24], $0x4000  }
0x37: {  	[sflag:s24] =	ssyncset.done @!p0 $0x0  }
0x38: {  	[sflag:s24] =	ssyncadd.s32 @!p0 $0xFFFFC000  }
0x39: {  	[spmem:s2] =	stream.indirect.scatter.add.f32 @!p0 [tilespmem:s15], [sflag:$0x9], $0x80, s28, s29, $0xb8;
	[tilespmem:$0x1CA00] =	vst v63  }
0x3a: {  	_ =	swait.ge @!p0 [sflag:s26], $0x4000  }
0x3b: {  	[sflag:s26] =	ssyncset.done @!p0 $0x0  }
0x3c: {  	[sflag:s26] =	ssyncadd.s32 @!p0 $0xFFFFC000  }
0x3d: {  	[bflag:$0x0] =	sbarrier.arrive $0xFFFF  }
0x3e: {  	[tilespmem:s9], [sflag:$0x9] =	stream.linear.gather [spmem:s5], $0x4000, $0x38;
	[tilespmem:$0x1CA00] =	vst v63  }
0x3f: {  	_ =	swait.ge [sflag:s0], $0x4000  }
0x40: {  	[sflag:s0] =	ssyncset.done $0x0  }
0x41: {  	s28 =	rddreg [dreg:$0x5];
	[sflag:s0] =	ssyncadd.s32 $0xFFFFC000  }
0x42: {  	[hbm4b:s28+s4] =	stream.linear.scatter [tilespmem:s9], [sflag:$0x9], $0x4000, $0x38;
	[tilespmem:$0x1CA00] =	vst v63  }
0x43: {  	_ =	swait.ge [sflag:s0], $0x4000  }
0x44: {  	[sflag:s0] =	ssyncset.done $0x0  }
0x45: {  	s29 =	rddreg [dreg:$0xe];
	[sflag:s0] =	ssyncadd.s32 $0xFFFFC000  }
0x46: {  	[tilespmem:s9], [sflag:$0x9] =	stream.linear.gather [spmem:s29], $0x4000, $0x38;
	[tilespmem:$0x1CA00] =	vst v63  }
0x47: {  	_ =	swait.ge [sflag:s0], $0x4000  }
0x48: {  	[sflag:s0] =	ssyncset.done $0x0  }
0x49: {  	s24 =	rddreg [dreg:$0x6];
	[sflag:s0] =	ssyncadd.s32 $0xFFFFC000  }
0x4a: {  	[hbm4b:s24+s4] =	stream.linear.scatter [tilespmem:s9], [sflag:$0x9], $0x4000, $0x38;
	[tilespmem:$0x1CA00] =	vst v63  }
0x4b: {  	_ =	swait.ge [sflag:s0], $0x4000  }
0x4c: {  	[sflag:s0] =	ssyncset.done $0x0  }
0x4d: {  	s26 =	rddreg [dreg:$0xf];
	[sflag:s0] =	ssyncadd.s32 $0xFFFFC000  }
0x4e: {  	[tilespmem:s9], [sflag:$0x9] =	stream.linear.gather [spmem:s26], $0x4000, $0x38;
	[tilespmem:$0x1CA00] =	vst v63  }
0x4f: {  	_ =	swait.ge [sflag:s0], $0x4000  }
0x50: {  	[sflag:s0] =	ssyncset.done $0x0  }
0x51: {  	s28 =	rddreg [dreg:$0x7];
	[sflag:s0] =	ssyncadd.s32 $0xFFFFC000  }
0x52: {  	[hbm4b:s28+s4] =	stream.linear.scatter [tilespmem:s9], [sflag:$0x9], $0x4000, $0x38;
	[tilespmem:$0x1CA00] =	vst v63  }
0x53: {  	_ =	swait.ge [sflag:s0], $0x4000  }
0x54: {  	[sflag:s0] =	ssyncset.done $0x0  }
0x55: {  	s29 =	rddreg [dreg:$0x10];
	[sflag:s0] =	ssyncadd.s32 $0xFFFFC000  }
0x56: {  	[tilespmem:s9], [sflag:$0x9] =	stream.linear.gather [spmem:s29], $0x4000, $0x38;
	[tilespmem:$0x1CA00] =	vst v63  }
0x57: {  	_ =	swait.ge [sflag:s0], $0x4000  }
0x58: {  	[sflag:s0] =	ssyncset.done $0x0  }
0x59: {  	s24 =	rddreg [dreg:$0x8];
	[sflag:s0] =	ssyncadd.s32 $0xFFFFC000  }
0x5a: {  	[hbm4b:s24+s4] =	stream.linear.scatter [tilespmem:s9], [sflag:$0x9], $0x4000, $0x38;
	[tilespmem:$0x1CA00] =	vst v63  }
0x5b: {  	_ =	swait.ge [sflag:s0], $0x4000  }
0x5c: {  	[sflag:s0] =	ssyncset.done $0x0  }
0x5d: {  	s26 =	rddreg [dreg:$0x11];
	[sflag:s0] =	ssyncadd.s32 $0xFFFFC000  }
0x5e: {  	[tilespmem:s9], [sflag:$0x9] =	stream.linear.gather [spmem:s26], $0x4000, $0x38;
	[tilespmem:$0x1CA00] =	vst v63  }
0x5f: {  	_ =	swait.ge [sflag:s0], $0x4000  }
0x60: {  	[sflag:s0] =	ssyncset.done $0x0  }
0x61: {  	s28 =	rddreg [dreg:$0x9];
	[sflag:s0] =	ssyncadd.s32 $0xFFFFC000  }
0x62: {  	[hbm4b:s28+s4] =	stream.linear.scatter [tilespmem:s9], [sflag:$0x9], $0x4000, $0x38;
	[tilespmem:$0x1CA00] =	vst v63  }
0x63: {  	_ =	swait.ge [sflag:s0], $0x4000  }
0x64: {  	s23 =	sadd.s32 $0x1, s23;
	s29 =	rddreg [dreg:$0xd]  }
0x65: {  	p1 =	sne.s32 s23, s29  }
.Ltmp1:
0x66: {  	_ = 	snop;
	(pc) =	sbr.rel @!p1 .LBB2_9-.Ltmp1, $3  }
0x67: {  	_ =	sdelay $0x1  }
0x68: {  	[sflag:s0] =	ssyncset.done $0x0  }
0x69: {  	[sflag:s0] =	ssyncadd.s32 $0xFFFFC000  }
.LBB2_1:
0x6a: {  	s24 =	simm.s32 $0x0;
	s28 =	simm.s32 $0x0  }
.LBB2_2:
0x6b: {  	p1 =	sne.s32 s28, $0x1FC0  }
.Ltmp2:
0x6c: {  	_ = 	snop;
	(pc) =	sbr.rel @p1 .LBB2_2-.Ltmp2, $4  }
0x6d: {  	s26 =	sand.u32 $0x1E00, s28  }
0x6e: {  	s29 =	sand.u32 $0x70, s24;
	s26 =	sshrl.u32 s26, $0x2  }
0x6f: {  	s26 =	sor.u32 s29, s26  }
0x70: {  	s24 =	sadd.s32 $0x10, s24;
	s28 =	sadd.s32 $0x40, s28;
	[tilespmem:s26+$0x8200] =	vst v0  }
0x71: {  	s24 =	sadd.s32 $0x0, s5  }
0x72: {  	[spmem:s24] =	stream.linear.scatter [tilespmem:s31], [sflag:$0x9], $0x800, $0x38;
	[tilespmem:$0x1CA00] =	vst v63  }
0x73: {  	s24 =	simm.s32 $0x2000;
	_ =	swait.ge [sflag:s0], $0x800  }
.LBB2_4:
0x74: {  	s26 =	sshra.s32 s24, $0x2;
	[sflag:s0] =	ssyncset.done $0x0;
	p1 =	sne.s32 s24, $0x4E000  }
.Ltmp3:
0x75: {  	s26 =	sadd.s32 s26, s5;
	[sflag:s0] =	ssyncadd.s32 $0xFFFFF800;
	(pc) =	sbr.rel @p1 .LBB2_4-.Ltmp3, $3  }
0x76: {  	[spmem:s26] =	stream.linear.scatter [tilespmem:s31], [sflag:$0x9], $0x800, $0x38;
	[tilespmem:$0x1CA00] =	vst v63  }
0x77: {  	s24 =	sadd.s32 $0x2000, s24;
	_ =	sdelay $0x1  }
0x78: {  	_ =	swait.ge [sflag:s0], $0x800  }
0x79: {  	[sflag:s0] =	ssyncset.done $0x0  }
0x7a: {  	[sflag:s0] =	ssyncadd.s32 $0xFFFFF800  }
0x7b: {  	s24 =	simm.s32 $0x0;
	[bflag:$0x0] =	sbarrier.arrive $0xFFFF  }
0x7c: {  	[tilespmem:s24], [sflag:$0x9] =	stream.linear.gather [hbm4b:s30+s24], $0x80, $0x38;
	[tilespmem:$0x1CA00] =	vst v63  }
0x7d: {  	_ =	swait.ge [sflag:s0], $0x80  }
0x7e: {  	[sflag:s0] =	ssyncset.done $0x0  }
0x7f: {  	s15 =	rddreg [dreg:$0x15];
	[sflag:s0] =	ssyncadd.s32 $0xFFFFFF80  }
0x80: {  	[tilespmem:s3], [sflag:$0x9] =	stream.linear.gather [hbm4b:s15+s24], $0x80, $0x38;
	[tilespmem:$0x1CA00] =	vst v63  }
0x81: {  	_ =	swait.ge [sflag:s0], $0x80  }
0x82: {  	[sflag:s0] =	ssyncset.done $0x0  }
0x83: {  	s29 =	rddreg [dreg:$0x16];
	[sflag:s0] =	ssyncadd.s32 $0xFFFFFF80  }
0x84: {  	[tilespmem:s7], [sflag:$0x4] =	stream.linear.gather [hbm4b:s29+s24], $0x80, $0x38;
	[tilespmem:$0x1CA00] =	vst v63  }
0x85: {  	s26 =	rddreg [dreg:$0xa]  }
0x86: {  	[tilespmem:s8], [sflag:$0x6] =	stream.linear.gather [hbm4b:s26+s24], $0x80, $0x38;
	[tilespmem:$0x1CA00] =	vst v63  }
0x87: {  	_ = 	snop  }
0x88: {  	[tilespmem:s9], [sflag:$0x1] =	stream.indirect.gather [hbm4b:s1+s7], $0x80, s24, s7, $0xb8;
	[tilespmem:$0x1CA00] =	vst v63  }
0x89: {  	_ =	swait.ge [sflag:s10], $0x4000  }
0x8a: {  	[sflag:s10] =	ssyncset.done $0x0  }
0x8b: {  	[sflag:s10] =	ssyncadd.s32 $0xFFFFC000  }
0x8c: {  	[spmem:s2] =	stream.indirect.scatter.add.f32 [tilespmem:s9], [sflag:$0x7], $0x80, s3, s7, $0xb8;
	[tilespmem:$0x1CA00] =	vst v63  }
0x8d: {  	s29 =	rddreg [dreg:$0x12]  }
0x8e: {  	[tilespmem:s24], [sflag:$0x3] =	stream.linear.gather [hbm4b:s29+s24], $0x80, $0x38;
	[tilespmem:$0x1CA00] =	vst v63  }
0x8f: {  	_ =	swait.ge [sflag:s11], $0x80  }
0x90: {  	[sflag:s11] =	ssyncset.done $0x0  }
0x91: {  	[sflag:s11] =	ssyncadd.s32 $0xFFFFFF80  }
0x92: {  	[tilespmem:s16], [sflag:$0x2] =	stream.indirect.gather [hbm4b:s1+s7], $0x80, s7, s7, $0xb8;
	[tilespmem:$0x1CA00] =	vst v63  }
0x93: {  	_ =	swait.ge [sflag:s17], $0x4000  }
0x94: {  	[sflag:s17] =	ssyncset.done $0x0  }
0x95: {  	[sflag:s17] =	ssyncadd.s32 $0xFFFFC000  }
0x96: {  	_ =	swait.ge [sflag:s18], $0x80  }
0x97: {  	[sflag:s18] =	ssyncset.done $0x0  }
0x98: {  	[sflag:s18] =	ssyncadd.s32 $0xFFFFFF80  }
0x99: {  	[spmem:s2] =	stream.indirect.scatter.add.f32 [tilespmem:s16], [sflag:$0x8], $0x80, s8, s7, $0xb8;
	[tilespmem:$0x1CA00] =	vst v63  }
0x9a: {  	_ =	swait.ge [sflag:s19], $0x4000  }
0x9b: {  	[sflag:s19] =	ssyncset.done $0x0  }
0x9c: {  	s26 =	rddreg [dreg:$0x13];
	[sflag:s19] =	ssyncadd.s32 $0xFFFFC000  }
0x9d: {  	[tilespmem:s3], [sflag:$0x5] =	stream.linear.gather [hbm4b:s26+s24], $0x80, $0x38;
	[tilespmem:$0x1CA00] =	vst v63  }
0x9e: {  	_ =	swait.ge [sflag:s20], $0x80  }
0x9f: {  	[sflag:s20] =	ssyncset.done $0x0  }
0xa0: {  	[sflag:s20] =	ssyncadd.s32 $0xFFFFFF80  }
0xa1: {  	[tilespmem:s9], [sflag:$0x1] =	stream.indirect.gather [hbm4b:s1+s7], $0x80, s24, s7, $0xb8;
	[tilespmem:$0x1CA00] =	vst v63  }
0xa2: {  	s28 =	smov.u32 s25;
	s29 =	rddreg [dreg:$0x14]  }
0xa3: {  	[tilespmem:s7], [sflag:$0x4] =	stream.linear.gather [hbm4b:s29+s24], $0x80, $0x38;
	[tilespmem:$0x1CA00] =	vst v63  }
.LBB2_6:
0xa4: {  	_ =	swait.ge [sflag:s10], $0x4000  }
0xa5: {  	[sflag:s10] =	ssyncset.done $0x0  }
0xa6: {  	[sflag:s10] =	ssyncadd.s32 $0xFFFFC000  }
0xa7: {  	_ =	swait.ge [sflag:s21], $0x80  }
0xa8: {  	[sflag:s21] =	ssyncset.done $0x0  }
0xa9: {  	p1 =	sne.s32 s24, $0x940;
	[sflag:s21] =	ssyncadd.s32 $0xFFFFFF80  }
0xaa: {  	[spmem:s2] =	stream.indirect.scatter.add.f32 [tilespmem:s9], [sflag:$0x7], $0x80, s3, s7, $0xb8;
	[tilespmem:$0x1CA00] =	vst v63  }
0xab: {  	s26 =	sadd.s32 @p1 s24, s12;
	s29 =	simm.s32 @p1 $0x0  }
0xac: {  	[tilespmem:s29], [sflag:$0x3] =	stream.linear.gather @p1 [hbm4b:s26+s29], $0x80, $0x38;
	[tilespmem:$0x1CA00] =	vst v63  }
0xad: {  	s26 =	simm.s32 @p1 $0x4  }
0xae: {  	_ =	swait.ge @p1 [sflag:s26], $0x80  }
0xaf: {  	[sflag:s26] =	ssyncset.done @p1 $0x0  }
0xb0: {  	[sflag:s26] =	ssyncadd.s32 @p1 $0xFFFFFF80;
	s26 =	simm.s32 @!p1 $0x4  }
0xb1: {  	_ =	swait.ge @!p1 [sflag:s26], $0x80  }
0xb2: {  	[sflag:s26] =	ssyncset.done @!p1 $0x0  }
0xb3: {  	[sflag:s26] =	ssyncadd.s32 @!p1 $0xFFFFFF80  }
0xb4: {  	_ =	swait.ge [sflag:s22], $0x4000  }
0xb5: {  	s29 =	sshrl.u32 s28, $0x2;
	[sflag:s22] =	ssyncset.done $0x0  }
0xb6: {  	s26 =	sadd.s32 s29, s6;
	[sflag:s22] =	ssyncadd.s32 $0xFFFFC000  }
0xb7: {  	[tilespmem:s8], [sflag:$0x6] =	stream.linear.gather [hbm4b:s26+s4], $0x80, $0x38;
	[tilespmem:$0x1CA00] =	vst v63  }
0xb8: {  	_ = 	snop  }
0xb9: {  	[tilespmem:s16], [sflag:$0x2] =	stream.indirect.gather [hbm4b:s1+s7], $0x80, s7, s7, $0xb8;
	[tilespmem:$0x1CA00] =	vst v63  }
0xba: {  	_ =	swait.ge [sflag:s17], $0x4000  }
0xbb: {  	[sflag:s17] =	ssyncset.done $0x0  }
0xbc: {  	[sflag:s17] =	ssyncadd.s32 $0xFFFFC000  }
0xbd: {  	_ =	swait.ge [sflag:s18], $0x80  }
0xbe: {  	p1 =	seq.s32 s24, $0x940;
	[sflag:s18] =	ssyncset.done $0x0  }
.Ltmp4:
0xbf: {  	[sflag:s18] =	ssyncadd.s32 $0xFFFFFF80;
	(pc) =	sbr.rel @p1 .LBB2_8-.Ltmp4, $4  }
0xc0: {  	[spmem:s2] =	stream.indirect.scatter.add.f32 [tilespmem:s16], [sflag:$0x8], $0x80, s8, s7, $0xb8;
	[tilespmem:$0x1CA00] =	vst v63  }
0xc1: {  	_ =	swait.ge [sflag:s19], $0x4000  }
0xc2: {  	[sflag:s19] =	ssyncset.done $0x0  }
0xc3: {  	[sflag:s19] =	ssyncadd.s32 $0xFFFFC000  }
0xc4: {  	s26 =	sadd.s32 s24, s14  }
0xc5: {  	[tilespmem:s3], [sflag:$0x5] =	stream.linear.gather [hbm4b:s26+s4], $0x80, $0x38;
	[tilespmem:$0x1CA00] =	vst v63  }
0xc6: {  	_ =	swait.ge [sflag:s20], $0x80  }
.Ltmp5:
0xc7: {  	[sflag:s20] =	ssyncset.done $0x0;
	(pc) =	sbr.rel .LBB2_6-.Ltmp5, $4  }
0xc8: {  	[sflag:s20] =	ssyncadd.s32 $0xFFFFFF80  }
0xc9: {  	[tilespmem:s9], [sflag:$0x1] =	stream.indirect.gather [hbm4b:s1+s7], $0x80, s4, s7, $0xb8;
	[tilespmem:$0x1CA00] =	vst v63  }
0xca: {  	s29 =	sadd.s32 s24, s13;
	s24 =	sadd.s32 $0x40, s24;
	s28 =	sadd.s32 $0x100, s28  }
0xcb: {  	[tilespmem:s7], [sflag:$0x4] =	stream.linear.gather [hbm4b:s29+s4], $0x80, $0x38;
	[tilespmem:$0x1CA00] =	vst v63  }
.LBB2_9:
0xcc: {  	_ =	sfence.sel $0x180000  }
0xcd: {  	[bflag:$0x0] =	sbarrier.arrive $0xFFFF  }
0xce: {  	_ =	strace $0x9000004A  }
0xcf: {  	s0 =	stileid.u32;
	[bflag:$0x2] =	sbarrier.arrive $0xFFFF  }
0xd0: {  	p0 =	sne.s32 s0, $0x0;
	s0 =	rddreg [dreg:$0x4]  }
0xd1: {  	s0 =	sadd.s32 @!p0 $0x100000, s0  }
0xd2: {  	[sflag:s0] =	ssyncadd.tile.s32 @!p0 $0x1;
	_ =	shalt  }
.Lfunc_end2:
_tile_overlayer_lowered:
.L_overlay_start_2:
0xd3: {  	(tag) =	ssettag $0x2  }
0xd4: {  	s0 =	rddreg [dreg:$0x0];
	s2 =	stileid.u32  }
0xd5: {  	s1 =	rddreg [dreg:$0x1];
	p0 =	sne.s32 s2, $0x0  }
0xd6: {  	s3 =	rddreg [dreg:$0x2];
	[bflag:$0x3] =	sbarrier.arrive $0xFFFF;
	s2 =	simm.s32 @!p0 $0x1C09  }
0xd7: {  	[timem:s3], [sflag:s2] =	dma.local @!p0 [hbm:s0], s1  }
0xd8: {  	s0 =	simm.s32 @!p0 $0x9  }
0xd9: {  	_ =	swait.ge @!p0 [sflag:s0], s1  }
0xda: {  	s1 =	ssub.s32 @!p0 $0x0, s1;
	[sflag:s0] =	ssyncset.done @!p0 $0x0  }
0xdb: {  	[sflag:s0] =	ssyncadd.s32 @!p0 s1  }
0xdc: {  	[bflag:$0x3] =	sbarrier.arrive $0xFFFF  }
0xdd: {  	_ =	shalt  }

// kernel: kernel.14.cloned.1.call-start
scs
__scs_entry_jumppad:
0x0: {  	(pc) =	sbr.rel $0x88, $3  }
0x1: {  	(tag) =	ssettag $0x0;
	lr =	simm.s32 $0x1  }
0x2: {  	[smem:$0x3F91] =	sst lr;
	_ =	strace $0xD0000000  }
0x3: {  	_ = 	snop  }
0x4: {  	_ = 	snop  }
0x5: {  	_ = 	snop  }
0x6: {  	_ = 	snop  }
0x7: {  	_ = 	snop  }
__scs_overlays_trampoline_lowered:
0x8: {  	[smem:$0x3FA0] =	sst s0  }
0x9: {  	[smem:$0x3FA1] =	sst s1  }
0xa: {  	[smem:$0x3FA2] =	sst s2  }
0xb: {  	[smem:$0x3FA3] =	sst s3  }
0xc: {  	[smem:$0x3FA4] =	sst s4  }
0xd: {  	[smem:$0x3FA5] =	sst s5  }
0xe: {  	[smem:$0x3FA6] =	sst s6  }
0xf: {  	[smem:$0x3FA7] =	sst s7  }
0x10: {  	[smem:$0x3FA8] =	sst s8  }
0x11: {  	[smem:$0x3FA9] =	sst s9;
	s0 =	simm.s32 @!p0 $0x0  }
0x12: {  	s1 =	sld [smem:$0x3F8F];
	s0 =	simm.s32 @p0 $0x1  }
0x13: {  	[smem:$0x3FAA] =	sst s0;
	s0 =	simm.s32 @!p1 $0x0  }
0x14: {  	s2 =	sld [smem:$0x3F8E];
	s0 =	simm.s32 @p1 $0x1  }
0x15: {  	[smem:$0x3FAB] =	sst s0;
	s0 =	simm.s32 @!p2 $0x0  }
0x16: {  	s3 =	sld [smem:$0x3FDB];
	s0 =	simm.s32 @p2 $0x1  }
0x17: {  	s4 =	simm.s32 $0x1BF5;
	[smem:$0x3FAD] =	sst s0  }
0x18: {  	s0 =	sld [smem:$0x3F90];
	_ =	swait.ge [sflag:s4], $0x0  }
0x19: {  	s7 =	sld [smem:$0x3F91]  }
0x1a: {  	s8 =	sadd.s32 $0xFFFFE003, lr  }
0x1b: {  	s9 =	sadd.s32 $0xFFFFFEF7, lr;
	s5 =	simm.s32 $0xFFFFFFFF;
	p2 =	slt.u32 s8, $0xFFFFF086  }
0x1c: {  	p1 =	slt.u32 s9, $0xF7A;
	s5 =	simm.s32 @!p2 $0x0  }
0x1d: {  	s5 =	simm.s32 @p1 $0x1;
	p0 =	seq.s32 s7, s2  }
0x1e: {  	s7 =	smul.u32 @!p0 $0xF7A, s2;
	p2 =	seq.s32 @!p0 s5, $0x0  }
0x1f: {  	s9 =	smul.u32 $0xF7A, s1;
	s8 =	simm.s32 @!p0 $0x1BF5;
	p2 =	por !p2, p0  }
0x20: {  	[sflag:s8] =	ssyncset.s32 @!p0 $0xFFFFF086;
	s6 =	sadd.s32 @!p0 s3, s7;
	s7 =	simm.s32 @!p0 $0x108  }
0x21: {  	s3 =	sadd.s32 s3, s9;
	s6 =	sadd.s32 @!p0 $0x88, s6;
	s7 =	simm.s32 @p2 $0x1082  }
0x22: {  	[simem:s7], [sflag:s8] =	dma.local @!p0 [hbm:s6], $0xF7A  }
0x23: {  	s9 =	sor.u32 $0xD0000000, s2;
	s6 =	simm.s32 $0x108;
	_ =	swait.ge @!p0 [sflag:s8], $0x0  }
0x24: {  	s3 =	sadd.s32 $0x88, s3;
	s6 =	simm.s32 @!p1 $0x1082;
	[sflag:s4] =	ssyncset.s32 $0xFFFFF086  }
0x25: {  	[simem:s6], [sflag:s4] =	dma.local [hbm:s3], $0xF7A  }
0x26: {  	[smem:$0x3F91] =	sst s1;
	(tag) =	ssettag s2;
	_ =	strace s9  }
0x27: {  	s1 =	sld [smem:$0x3FA1]  }
0x28: {  	s2 =	sld [smem:$0x3FA2]  }
0x29: {  	s4 =	sld [smem:$0x3FA4]  }
0x2a: {  	p0 =	seq.s32 s5, $0x0;
	s5 =	sld [smem:$0x3FA5]  }
0x2b: {  	s6 =	sld [smem:$0x3FA6]  }
0x2c: {  	s7 =	sld [smem:$0x3FA7]  }
0x2d: {  	s3 =	simm.s32 $0x108;
	s8 =	sld [smem:$0x3FA8]  }
0x2e: {  	s3 =	simm.s32 @!p0 $0x1082;
	s9 =	sld [smem:$0x3FA9]  }
0x2f: {  	lr =	sadd.s32 s0, s3;
	s0 =	sld [smem:$0x3FA0]  }
0x30: {  	s3 =	sld [smem:$0x3FA3]  }
0x31: {  	[smem:$0x3FAC] =	sst s10  }
0x32: {  	s10 =	sld [smem:$0x3FAA];
	_ =	sdelay $0x3  }
0x33: {  	p0 =	seq.s32 s10, $0x1;
	s10 =	sld [smem:$0x3FAC];
	_ =	sdelay $0x3  }
0x34: {  	[smem:$0x3FAC] =	sst s10  }
0x35: {  	s10 =	sld [smem:$0x3FAB];
	_ =	sdelay $0x3  }
0x36: {  	p1 =	seq.s32 s10, $0x1;
	s10 =	sld [smem:$0x3FAC];
	_ =	sdelay $0x3  }
0x37: {  	[smem:$0x3FAC] =	sst s10  }
0x38: {  	s10 =	sld [smem:$0x3FAD]  }
0x39: {  	_ = 	snop;
	(pc) =	sbr.ind lr, $3  }
0x3a: {  	_ = 	snop  }
0x3b: {  	_ = 	snop  }
0x3c: {  	p2 =	seq.s32 s10, $0x1;
	s10 =	sld [smem:$0x3FAC]  }
0x3d: {  	_ =	shalt  }
0x3e: {  	_ =	shalt  }
0x3f: {  	_ =	shalt  }
0x40: {  	_ =	shalt  }
0x41: {  	_ =	shalt  }
0x42: {  	_ =	shalt  }
0x43: {  	_ =	shalt  }
0x44: {  	_ =	shalt  }
0x45: {  	_ =	shalt  }
0x46: {  	_ =	shalt  }
0x47: {  	_ =	shalt  }
0x48: {  	_ =	shalt  }
0x49: {  	_ =	shalt  }
0x4a: {  	_ =	shalt  }
0x4b: {  	_ =	shalt  }
0x4c: {  	_ =	shalt  }
0x4d: {  	_ =	shalt  }
0x4e: {  	_ =	shalt  }
0x4f: {  	_ =	shalt  }
0x50: {  	_ =	shalt  }
0x51: {  	_ =	shalt  }
0x52: {  	_ =	shalt  }
0x53: {  	_ =	shalt  }
0x54: {  	_ =	shalt  }
0x55: {  	_ =	shalt  }
0x56: {  	_ =	shalt  }
0x57: {  	_ =	shalt  }
0x58: {  	_ =	shalt  }
0x59: {  	_ =	shalt  }
0x5a: {  	_ =	shalt  }
0x5b: {  	_ =	shalt  }
0x5c: {  	_ =	shalt  }
0x5d: {  	_ =	shalt  }
0x5e: {  	_ =	shalt  }
0x5f: {  	_ =	shalt  }
0x60: {  	_ =	shalt  }
0x61: {  	_ =	shalt  }
0x62: {  	_ =	shalt  }
0x63: {  	_ =	shalt  }
0x64: {  	_ =	shalt  }
0x65: {  	_ =	shalt  }
0x66: {  	_ =	shalt  }
0x67: {  	_ =	shalt  }
0x68: {  	_ =	shalt  }
0x69: {  	_ =	shalt  }
0x6a: {  	_ =	shalt  }
0x6b: {  	_ =	shalt  }
0x6c: {  	_ =	shalt  }
0x6d: {  	_ =	shalt  }
0x6e: {  	_ =	shalt  }
0x6f: {  	_ =	shalt  }
0x70: {  	_ =	shalt  }
0x71: {  	_ =	shalt  }
0x72: {  	_ =	shalt  }
0x73: {  	_ =	shalt  }
0x74: {  	_ =	shalt  }
0x75: {  	_ =	shalt  }
0x76: {  	_ =	shalt  }
0x77: {  	_ =	shalt  }
0x78: {  	_ =	shalt  }
0x79: {  	_ =	shalt  }
0x7a: {  	_ =	shalt  }
0x7b: {  	_ =	shalt  }
0x7c: {  	_ =	shalt  }
0x7d: {  	_ =	shalt  }
0x7e: {  	_ =	shalt  }
0x7f: {  	_ =	shalt  }
0x80: {  	_ =	shalt  }
0x81: {  	_ =	shalt  }
0x82: {  	_ =	shalt  }
0x83: {  	_ =	shalt  }
0x84: {  	_ =	shalt  }
0x85: {  	_ =	shalt  }
0x86: {  	_ =	shalt  }
0x87: {  	_ =	shalt  }
.Lfunc_end0:
.L_simem_size_0:
called_computation.2_lowered:
.L_overlay_start_0:
0x88: {  	s2 =	sld [smem:$0x3FD9]  }
0x89: {  	s3 =	sld [smem:$0x3FFE];
	_ =	sdelay $0x1  }
0x8a: {  	s1 =	srdreg.scid  }
0x8b: {  	s0 =	sand.u32 $0x1, s1  }
0x8c: {  	s17 =	sshll.u32 s0, $0xA;
	s2 =	sadd.s32 s3, s2  }
0x8d: {  	s2 =	sadd.s32 s2, s17  }
0x8e: {  	[smem:$0x3FB8] =	sst s2  }
0x8f: {  	_ = 	snop  }
0x90: {  	s2 =	sld [smem:$0x3FC8]  }
0x91: {  	s18 =	sld [smem:$0x3FD0];
	(tm) =	ssettm $0x1  }
0x92: {  	s4 =	sld [smem:$0x3FFB];
	_ =	sdelay $0x3  }
0x93: {  	_ =	strace s4  }
0x94: {  	s4 =	sld [smem:$0x3FFC];
	_ =	sdelay $0x3  }
0x95: {  	_ =	strace s4  }
0x96: {  	s4 =	sld [smem:$0x3FFD];
	_ =	sdelay $0x3  }
0x97: {  	_ =	strace s4  }
0x98: {  	_ =	strace $0x8FFFFFFF  }
0x99: {  	s19 =	sld [smem:$0x3FDB];
	_ =	sdelay $0x1  }
0x9a: {  	s5 =	simm.s32 $_scs_section_size  }
0x9b: {  	s6 =	simm.s32 $_size__tile_overlayer_lowered;
	s7 =	simm.s32 $_tile_overlayer_lowered  }
0x9c: {  	s22 =	simm.s32 $0x1BFF;
	s21 =	sshll.u32 s7, $0x1;
	s4 =	sadd.s32 s5, s19  }
0x9d: {  	s8 =	simm.s32 $0x0;
	s20 =	sshll.u32 s6, $0x1;
	s6 =	sadd.s32 s21, s4  }
0x9e: {  	[timem:s8], [sflag:s22] =	dma.local [hbm:s6], s20  }
0x9f: {  	_ =	swait.ge [sflag:s22], s20  }
0xa0: {  	s5 =	ssub.s32 $0x0, s20;
	[sflag:s22] =	ssyncset.done $0x0  }
0xa1: {  	[sflag:s22] =	ssyncadd.s32 s5;
	_ =	sdelay $0x1  }
0xa2: {  	s23 =	simm.s32 $0x1B8B  }
0xa3: {  	_ =	swait.ge [sflag:s23], $0x1  }
0xa4: {  	[sflag:s23] =	ssyncset.done $0x0  }
0xa5: {  	s25 =	simm.s32 $0x1B8E;
	s24 =	sld [smem:$0x3FFE];
	[sflag:s23] =	ssyncadd.s32 $0xFFFFFFFF  }
0xa6: {  	s26 =	simm.s32 $execute0_lowered;
	[smem:$0x3FD2] =	sst s25  }
0xa7: {  	s6 =	sshll.u32 s26, $0x1;
	_ =	strace $0x8000004C;
	[dreg:$0x1] =	wrdreg $0xFFFFFFFF  }
0xa8: {  	s28 =	simm.s32 $_size_execute0_lowered;
	s4 =	sadd.s32 s4, s6;
	[dreg:$0x0] =	wrdreg $0x0  }
0xa9: {  	s6 =	sshll.u32 s28, $0x1;
	[dreg:$0x2] =	wrdreg s4  }
0xaa: {  	[dreg:$0x3] =	wrdreg s6  }
0xab: {  	[dreg:$0x4] =	wrdreg $0xC0  }
0xac: {  	_ =	task [dreg:s8], $0x5FFFF  }
0xad: {  	[dreg:$0x1] =	wrdreg $0xFFFFFFFF  }
0xae: {  	[dreg:$0x0] =	wrdreg $0x60  }
0xaf: {  	[dreg:$0x2] =	wrdreg s18  }
0xb0: {  	[dreg:$0x3] =	wrdreg s2  }
0xb1: {  	[dreg:$0x4] =	wrdreg s24  }
0xb2: {  	[dreg:$0x5] =	wrdreg $0x8A000  }
0xb3: {  	[dreg:$0x6] =	wrdreg $0x9  }
0xb4: {  	_ =	task.clear_ibuf [dreg:s8], $0x7FFFF;
	_ =	strace $0x9000004C  }
0xb5: {  	s29 =	simm.s32 $0x9;
	_ =	strace $0x8000004E  }
0xb6: {  	_ =	swait.ge [sflag:s29], $0x1  }
0xb7: {  	[sflag:s29] =	ssyncadd.s32 $0xFFFFFFFF  }
0xb8: {  	_ =	strace $0x9000004E  }
0xb9: {  	_ =	sfence  }
0xba: {  	s30 =	sld [smem:$0x0];
	_ =	sdelay $0x2  }
0xbb: {  	s31 =	sshll.u32 s1, $0xD;
	s1 =	sshrl.u32 s1, $0x2  }
0xbc: {  	s3 =	sand.u32 $0x4000, s31;
	s1 =	sadd.s32 s1, s30  }
0xbd: {  	s0 =	sor.u32 s3, s0;
	s1 =	sshll.u32 s1, $0x11  }
0xbe: {  	s0 =	sor.u32 s1, s0  }
0xbf: {  	s0 =	sadd.s32 $0x8F2B, s0  }
0xc0: {  	[sflag:s0] =	ssyncadd.remote.s32 $0x1  }
0xc1: {  	_ =	sfence.sel $0xFFFF  }
0xc2: {  	[dreg:$0x0] =	wrdreg $0xFFFFFFFF;
	(pc) =	sbr.abs _section_cstart, $3  }
0xc3: {  	[dreg:$0x1] =	wrdreg $0xFFFFFFFF  }
0xc4: {  	_ =	task.clear_ibuf [dreg:s8], $0x2FFFF;
	_ =	strace $0x9FFFFFFF  }
0xc5: {  	(tm) =	ssettm $0x7FFFFFFF  }
tec
execute0_lowered:
.L_overlay_start_1:
0x0: {  	(tag) =	ssettag $0x1  }
0x1: {  	s1 =	rddreg [dreg:$0x0]  }
0x2: {  	s0 =	rddreg [dreg:$0x1]  }
0x3: {  	s3 =	rddreg [dreg:$0x2];
	s21 =	stileid.u32  }
0x4: {  	s2 =	rddreg [dreg:$0x3];
	s25 =	smul.u32 $0x50000, s21  }
0x5: {  	s5 =	srdreg.scid;
	s4 =	simm.s32 $0x0;
	s11 =	smul.u32 $0x14000, s21  }
0x6: {  	s31 =	simm.s32 $0x8200;
	s7 =	sand.u32 $0x1, s5;
	s23 =	smul.u32 $0x2700, s21  }
0x7: {  	[smem:$0x7FF] =	sst s4;
	s3 =	sadd.s32 $0x3A00, s3;
	s12 =	smul.u32 $0x140000, s7  }
0x8: {  	s13 =	sshll.u32 s21, $0x5;
	s5 =	sshll.u32 s7, $0x4;
	s19 =	smul.u32 $0x4E000, s7  }
0x9: {  	_ =	strace $0x8000004D;
	s6 =	ssub.s32 $0x2, s7;
	s7 =	smul.u32 $0x27000, s7  }
0xa: {  	s24 =	sadd.s32 s13, s0;
	s8 =	sor.u32 s21, s5;
	s10 =	sshrl.u32 s6, $0x1  }
0xb: {  	s5 =	sshrl.u32 s25, $0x2;
	s16 =	sadd.s32 $0x4000, s11;
	s17 =	sadd.s32 $0x8000, s11  }
0xc: {  	s9 =	smul.u32 $0x9C0, s8;
	s10 =	ssub.s32 s6, s10;
	s5 =	sadd.s32 s5, s2  }
0xd: {  	s6 =	sadd.s32 $0x30, s0;
	s14 =	sadd.s32 s12, s11;
	s15 =	sadd.s32 s12, s16  }
0xe: {  	s18 =	sadd.s32 s12, s17;
	s29 =	smul.u32 $0x4E00, s8;
	s7 =	sadd.s32 s23, s7  }
0xf: {  	p0 =	sgt.u32 s8, $0x3;
	s23 =	sadd.s32 s17, s2;
	s8 =	simm.s32 $0x180  }
0x10: {  	s17 =	simm.s32 $0x2;
	s14 =	sshrl.u32 s14, $0x3;
	s15 =	sshrl.u32 s15, $0x3  }
0x11: {  	s28 =	sshrl.u32 s18, $0x3;
	s18 =	sadd.s32 $0xC000, s11;
	s11 =	sadd.s32 $0x10000, s11  }
0x12: {  	[dreg:$0xf] =	wrdreg s23;
	s23 =	simm.s32 $0x0;
	s14 =	sadd.s32 s3, s14  }
0x13: {  	s26 =	sadd.s32 s3, s15;
	s20 =	sadd.s32 s12, s18;
	[dreg:$0x5] =	wrdreg s14  }
0x14: {  	s12 =	sadd.s32 s12, s11;
	s22 =	sshrl.u32 s29, $0x3;
	[dreg:$0x6] =	wrdreg s26  }
0x15: {  	s14 =	sadd.s32 s3, s28;
	s15 =	sshrl.u32 s20, $0x3;
	s20 =	smul.u32 $0x4E00, s21  }
0x16: {  	s12 =	sshrl.u32 s12, $0x3;
	s21 =	smax.u32 s10, $0x1;
	[dreg:$0x7] =	wrdreg s14  }
0x17: {  	s10 =	simm.s32 $0x1;
	s15 =	sadd.s32 s3, s15;
	[dreg:$0xd] =	wrdreg s21  }
0x18: {  	s3 =	sadd.s32 s3, s12;
	s21 =	simm.s32 $0x5;
	[dreg:$0x8] =	wrdreg s15  }
0x19: {  	[dreg:$0x9] =	wrdreg s3;
	s3 =	sadd.s32 s0, s22;
	s25 =	sadd.s32 s20, s19  }
0x1a: {  	s20 =	sadd.s32 $0x13810, s24;
	s22 =	sadd.s32 s16, s2;
	s16 =	simm.s32 $0x4200  }
0x1b: {  	s26 =	sadd.s32 $0x400, s25;
	s28 =	sadd.s32 $0x500, s25;
	[dreg:$0xc] =	wrdreg s20  }
0x1c: {  	s19 =	sadd.s32 $0x480, s25;
	[dreg:$0xe] =	wrdreg s22;
	s25 =	sadd.s32 s11, s2  }
0x1d: {  	s11 =	simm.s32 $0x4;
	s20 =	simm.s32 $0x3;
	s22 =	simm.s32 $0x8  }
0x1e: {  	s14 =	sshrl.u32 s26, $0x3;
	s29 =	sshrl.u32 s28, $0x3;
	s15 =	sshrl.u32 s19, $0x3  }
0x1f: {  	s19 =	sadd.s32 $0x13800, s24;
	s24 =	sadd.s32 s18, s2;
	[dreg:$0x11] =	wrdreg s25  }
0x20: {  	s26 =	sadd.s32 $0x40, s3;
	s28 =	sadd.s32 $0x50, s3;
	s3 =	sadd.s32 $0x60, s3  }
0x21: {  	s25 =	sadd.s32 $0x100, s7;
	s7 =	simm.s32 $0x80;
	[dreg:$0xb] =	wrdreg s19  }
0x22: {  	s18 =	simm.s32 $0x6;
	s12 =	sadd.s32 s14, s0;
	[dreg:$0x10] =	wrdreg s24  }
0x23: {  	s13 =	sadd.s32 s29, s0;
	s14 =	sadd.s32 s15, s0;
	[dreg:$0x12] =	wrdreg s26  }
.Ltmp0:
0x24: {  	s0 =	sadd.s32 s0, s9;
	[dreg:$0x13] =	wrdreg s28;
	(pc) =	sbr.rel .LBB2_1-.Ltmp0, $4  }
0x25: {  	s9 =	sadd.s32 s9, s6;
	[dreg:$0x14] =	wrdreg s3;
	s3 =	simm.s32 $0x100  }
0x26: {  	s19 =	simm.s32 $0x7;
	[dreg:$0xa] =	wrdreg s9;
	s29 =	sadd.s32 $0x10, s0  }
0x27: {  	s30 =	smov.u32 s0;
	s0 =	sadd.s32 $0x20, s0;
	[dreg:$0x15] =	wrdreg s29  }
0x28: {  	v0 =	vimm.f32 $0.0e+00;
	s9 =	simm.s32 $0x200;
	[dreg:$0x16] =	wrdreg s0;
	s0 =	simm.s32 $0x9  }
.LBB2_8:
0x29: {  	_ =	swait.ge [sflag:s22], $0x4000  }
0x2a: {  	s24 =	simm.s32 @!p0 $0x0;
	[sflag:s22] =	ssyncset.done $0x0  }
0x2b: {  	s26 =	simm.s32 @!p0 $0x9;
	s15 =	rddreg [dreg:$0xb];
	[sflag:s22] =	ssyncadd.s32 $0xFFFFC000  }
0x2c: {  	[tilespmem:s24], [sflag:$0x9] =	stream.linear.gather @!p0 [hbm4b:s15+s24], $0x80, $0x38;
	[tilespmem:$0x1CA00] =	vst v63  }
0x2d: {  	_ =	swait.ge @!p0 [sflag:s26], $0x80  }
0x2e: {  	[sflag:s26] =	ssyncset.done @!p0 $0x0  }
0x2f: {  	s28 =	simm.s32 @!p0 $0x100;
	s15 =	rddreg [dreg:$0xc];
	[sflag:s26] =	ssyncadd.s32 @!p0 $0xFFFFFF80  }
0x30: {  	[tilespmem:s28], [sflag:$0x9] =	stream.linear.gather @!p0 [hbm4b:s15+s24], $0x80, $0x38;
	[tilespmem:$0x1CA00] =	vst v63  }
0x31: {  	_ =	swait.ge @!p0 [sflag:s26], $0x80  }
0x32: {  	[sflag:s26] =	ssyncset.done @!p0 $0x0  }
0x33: {  	s29 =	simm.s32 @!p0 $0x80;
	s15 =	simm.s32 @!p0 $0x200;
	[sflag:s26] =	ssyncadd.s32 @!p0 $0xFFFFFF80  }
0x34: {  	[tilespmem:s15], [sflag:$0x1] =	stream.indirect.gather @!p0 [hbm4b:s1+s29], $0x80, s24, s29, $0xb8;
	[tilespmem:$0x1CA00] =	vst v63  }
0x35: {  	s24 =	simm.s32 @!p0 $0x1  }
0x36: {  	_ =	swait.ge @!p0 [sflag:s24], $0x4000  }
0x37: {  	[sflag:s24] =	ssyncset.done @!p0 $0x0  }
0x38: {  	[sflag:s24] =	ssyncadd.s32 @!p0 $0xFFFFC000  }
0x39: {  	[spmem:s2] =	stream.indirect.scatter.add.f32 @!p0 [tilespmem:s15], [sflag:$0x9], $0x80, s28, s29, $0xb8;
	[tilespmem:$0x1CA00] =	vst v63  }
0x3a: {  	_ =	swait.ge @!p0 [sflag:s26], $0x4000  }
0x3b: {  	[sflag:s26] =	ssyncset.done @!p0 $0x0  }
0x3c: {  	[sflag:s26] =	ssyncadd.s32 @!p0 $0xFFFFC000  }
0x3d: {  	[bflag:$0x0] =	sbarrier.arrive $0xFFFF  }
0x3e: {  	[tilespmem:s9], [sflag:$0x9] =	stream.linear.gather [spmem:s5], $0x4000, $0x38;
	[tilespmem:$0x1CA00] =	vst v63  }
0x3f: {  	_ =	swait.ge [sflag:s0], $0x4000  }
0x40: {  	[sflag:s0] =	ssyncset.done $0x0  }
0x41: {  	s28 =	rddreg [dreg:$0x5];
	[sflag:s0] =	ssyncadd.s32 $0xFFFFC000  }
0x42: {  	[hbm4b:s28+s4] =	stream.linear.scatter [tilespmem:s9], [sflag:$0x9], $0x4000, $0x38;
	[tilespmem:$0x1CA00] =	vst v63  }
0x43: {  	_ =	swait.ge [sflag:s0], $0x4000  }
0x44: {  	[sflag:s0] =	ssyncset.done $0x0  }
0x45: {  	s29 =	rddreg [dreg:$0xe];
	[sflag:s0] =	ssyncadd.s32 $0xFFFFC000  }
0x46: {  	[tilespmem:s9], [sflag:$0x9] =	stream.linear.gather [spmem:s29], $0x4000, $0x38;
	[tilespmem:$0x1CA00] =	vst v63  }
0x47: {  	_ =	swait.ge [sflag:s0], $0x4000  }
0x48: {  	[sflag:s0] =	ssyncset.done $0x0  }
0x49: {  	s24 =	rddreg [dreg:$0x6];
	[sflag:s0] =	ssyncadd.s32 $0xFFFFC000  }
0x4a: {  	[hbm4b:s24+s4] =	stream.linear.scatter [tilespmem:s9], [sflag:$0x9], $0x4000, $0x38;
	[tilespmem:$0x1CA00] =	vst v63  }
0x4b: {  	_ =	swait.ge [sflag:s0], $0x4000  }
0x4c: {  	[sflag:s0] =	ssyncset.done $0x0  }
0x4d: {  	s26 =	rddreg [dreg:$0xf];
	[sflag:s0] =	ssyncadd.s32 $0xFFFFC000  }
0x4e: {  	[tilespmem:s9], [sflag:$0x9] =	stream.linear.gather [spmem:s26], $0x4000, $0x38;
	[tilespmem:$0x1CA00] =	vst v63  }
0x4f: {  	_ =	swait.ge [sflag:s0], $0x4000  }
0x50: {  	[sflag:s0] =	ssyncset.done $0x0  }
0x51: {  	s28 =	rddreg [dreg:$0x7];
	[sflag:s0] =	ssyncadd.s32 $0xFFFFC000  }
0x52: {  	[hbm4b:s28+s4] =	stream.linear.scatter [tilespmem:s9], [sflag:$0x9], $0x4000, $0x38;
	[tilespmem:$0x1CA00] =	vst v63  }
0x53: {  	_ =	swait.ge [sflag:s0], $0x4000  }
0x54: {  	[sflag:s0] =	ssyncset.done $0x0  }
0x55: {  	s29 =	rddreg [dreg:$0x10];
	[sflag:s0] =	ssyncadd.s32 $0xFFFFC000  }
0x56: {  	[tilespmem:s9], [sflag:$0x9] =	stream.linear.gather [spmem:s29], $0x4000, $0x38;
	[tilespmem:$0x1CA00] =	vst v63  }
0x57: {  	_ =	swait.ge [sflag:s0], $0x4000  }
0x58: {  	[sflag:s0] =	ssyncset.done $0x0  }
0x59: {  	s24 =	rddreg [dreg:$0x8];
	[sflag:s0] =	ssyncadd.s32 $0xFFFFC000  }
0x5a: {  	[hbm4b:s24+s4] =	stream.linear.scatter [tilespmem:s9], [sflag:$0x9], $0x4000, $0x38;
	[tilespmem:$0x1CA00] =	vst v63  }
0x5b: {  	_ =	swait.ge [sflag:s0], $0x4000  }
0x5c: {  	[sflag:s0] =	ssyncset.done $0x0  }
0x5d: {  	s26 =	rddreg [dreg:$0x11];
	[sflag:s0] =	ssyncadd.s32 $0xFFFFC000  }
0x5e: {  	[tilespmem:s9], [sflag:$0x9] =	stream.linear.gather [spmem:s26], $0x4000, $0x38;
	[tilespmem:$0x1CA00] =	vst v63  }
0x5f: {  	_ =	swait.ge [sflag:s0], $0x4000  }
0x60: {  	[sflag:s0] =	ssyncset.done $0x0  }
0x61: {  	s28 =	rddreg [dreg:$0x9];
	[sflag:s0] =	ssyncadd.s32 $0xFFFFC000  }
0x62: {  	[hbm4b:s28+s4] =	stream.linear.scatter [tilespmem:s9], [sflag:$0x9], $0x4000, $0x38;
	[tilespmem:$0x1CA00] =	vst v63  }
0x63: {  	_ =	swait.ge [sflag:s0], $0x4000  }
0x64: {  	s23 =	sadd.s32 $0x1, s23;
	s29 =	rddreg [dreg:$0xd]  }
0x65: {  	p1 =	sne.s32 s23, s29  }
.Ltmp1:
0x66: {  	_ = 	snop;
	(pc) =	sbr.rel @!p1 .LBB2_9-.Ltmp1, $3  }
0x67: {  	_ =	sdelay $0x1  }
0x68: {  	[sflag:s0] =	ssyncset.done $0x0  }
0x69: {  	[sflag:s0] =	ssyncadd.s32 $0xFFFFC000  }
.LBB2_1:
0x6a: {  	s24 =	simm.s32 $0x0;
	s28 =	simm.s32 $0x0  }
.LBB2_2:
0x6b: {  	p1 =	sne.s32 s28, $0x1FC0  }
.Ltmp2:
0x6c: {  	_ = 	snop;
	(pc) =	sbr.rel @p1 .LBB2_2-.Ltmp2, $4  }
0x6d: {  	s26 =	sand.u32 $0x1E00, s28  }
0x6e: {  	s29 =	sand.u32 $0x70, s24;
	s26 =	sshrl.u32 s26, $0x2  }
0x6f: {  	s26 =	sor.u32 s29, s26  }
0x70: {  	s24 =	sadd.s32 $0x10, s24;
	s28 =	sadd.s32 $0x40, s28;
	[tilespmem:s26+$0x8200] =	vst v0  }
0x71: {  	s24 =	sadd.s32 $0x0, s5  }
0x72: {  	[spmem:s24] =	stream.linear.scatter [tilespmem:s31], [sflag:$0x9], $0x800, $0x38;
	[tilespmem:$0x1CA00] =	vst v63  }
0x73: {  	s24 =	simm.s32 $0x2000;
	_ =	swait.ge [sflag:s0], $0x800  }
.LBB2_4:
0x74: {  	s26 =	sshra.s32 s24, $0x2;
	[sflag:s0] =	ssyncset.done $0x0;
	p1 =	sne.s32 s24, $0x4E000  }
.Ltmp3:
0x75: {  	s26 =	sadd.s32 s26, s5;
	[sflag:s0] =	ssyncadd.s32 $0xFFFFF800;
	(pc) =	sbr.rel @p1 .LBB2_4-.Ltmp3, $3  }
0x76: {  	[spmem:s26] =	stream.linear.scatter [tilespmem:s31], [sflag:$0x9], $0x800, $0x38;
	[tilespmem:$0x1CA00] =	vst v63  }
0x77: {  	s24 =	sadd.s32 $0x2000, s24;
	_ =	sdelay $0x1  }
0x78: {  	_ =	swait.ge [sflag:s0], $0x800  }
0x79: {  	[sflag:s0] =	ssyncset.done $0x0  }
0x7a: {  	[sflag:s0] =	ssyncadd.s32 $0xFFFFF800  }
0x7b: {  	s24 =	simm.s32 $0x0;
	[bflag:$0x0] =	sbarrier.arrive $0xFFFF  }
0x7c: {  	[tilespmem:s24], [sflag:$0x9] =	stream.linear.gather [hbm4b:s30+s24], $0x80, $0x38;
	[tilespmem:$0x1CA00] =	vst v63  }
0x7d: {  	_ =	swait.ge [sflag:s0], $0x80  }
0x7e: {  	[sflag:s0] =	ssyncset.done $0x0  }
0x7f: {  	s15 =	rddreg [dreg:$0x15];
	[sflag:s0] =	ssyncadd.s32 $0xFFFFFF80  }
0x80: {  	[tilespmem:s3], [sflag:$0x9] =	stream.linear.gather [hbm4b:s15+s24], $0x80, $0x38;
	[tilespmem:$0x1CA00] =	vst v63  }
0x81: {  	_ =	swait.ge [sflag:s0], $0x80  }
0x82: {  	[sflag:s0] =	ssyncset.done $0x0  }
0x83: {  	s29 =	rddreg [dreg:$0x16];
	[sflag:s0] =	ssyncadd.s32 $0xFFFFFF80  }
0x84: {  	[tilespmem:s7], [sflag:$0x4] =	stream.linear.gather [hbm4b:s29+s24], $0x80, $0x38;
	[tilespmem:$0x1CA00] =	vst v63  }
0x85: {  	s26 =	rddreg [dreg:$0xa]  }
0x86: {  	[tilespmem:s8], [sflag:$0x6] =	stream.linear.gather [hbm4b:s26+s24], $0x80, $0x38;
	[tilespmem:$0x1CA00] =	vst v63  }
0x87: {  	_ = 	snop  }
0x88: {  	[tilespmem:s9], [sflag:$0x1] =	stream.indirect.gather [hbm4b:s1+s7], $0x80, s24, s7, $0xb8;
	[tilespmem:$0x1CA00] =	vst v63  }
0x89: {  	_ =	swait.ge [sflag:s10], $0x4000  }
0x8a: {  	[sflag:s10] =	ssyncset.done $0x0  }
0x8b: {  	[sflag:s10] =	ssyncadd.s32 $0xFFFFC000  }
0x8c: {  	[spmem:s2] =	stream.indirect.scatter.add.f32 [tilespmem:s9], [sflag:$0x7], $0x80, s3, s7, $0xb8;
	[tilespmem:$0x1CA00] =	vst v63  }
0x8d: {  	s29 =	rddreg [dreg:$0x12]  }
0x8e: {  	[tilespmem:s24], [sflag:$0x3] =	stream.linear.gather [hbm4b:s29+s24], $0x80, $0x38;
	[tilespmem:$0x1CA00] =	vst v63  }
0x8f: {  	_ =	swait.ge [sflag:s11], $0x80  }
0x90: {  	[sflag:s11] =	ssyncset.done $0x0  }
0x91: {  	[sflag:s11] =	ssyncadd.s32 $0xFFFFFF80  }
0x92: {  	[tilespmem:s16], [sflag:$0x2] =	stream.indirect.gather [hbm4b:s1+s7], $0x80, s7, s7, $0xb8;
	[tilespmem:$0x1CA00] =	vst v63  }
0x93: {  	_ =	swait.ge [sflag:s17], $0x4000  }
0x94: {  	[sflag:s17] =	ssyncset.done $0x0  }
0x95: {  	[sflag:s17] =	ssyncadd.s32 $0xFFFFC000  }
0x96: {  	_ =	swait.ge [sflag:s18], $0x80  }
0x97: {  	[sflag:s18] =	ssyncset.done $0x0  }
0x98: {  	[sflag:s18] =	ssyncadd.s32 $0xFFFFFF80  }
0x99: {  	[spmem:s2] =	stream.indirect.scatter.add.f32 [tilespmem:s16], [sflag:$0x8], $0x80, s8, s7, $0xb8;
	[tilespmem:$0x1CA00] =	vst v63  }
0x9a: {  	_ =	swait.ge [sflag:s19], $0x4000  }
0x9b: {  	[sflag:s19] =	ssyncset.done $0x0  }
0x9c: {  	s26 =	rddreg [dreg:$0x13];
	[sflag:s19] =	ssyncadd.s32 $0xFFFFC000  }
0x9d: {  	[tilespmem:s3], [sflag:$0x5] =	stream.linear.gather [hbm4b:s26+s24], $0x80, $0x38;
	[tilespmem:$0x1CA00] =	vst v63  }
0x9e: {  	_ =	swait.ge [sflag:s20], $0x80  }
0x9f: {  	[sflag:s20] =	ssyncset.done $0x0  }
0xa0: {  	[sflag:s20] =	ssyncadd.s32 $0xFFFFFF80  }
0xa1: {  	[tilespmem:s9], [sflag:$0x1] =	stream.indirect.gather [hbm4b:s1+s7], $0x80, s24, s7, $0xb8;
	[tilespmem:$0x1CA00] =	vst v63  }
0xa2: {  	s28 =	smov.u32 s25;
	s29 =	rddreg [dreg:$0x14]  }
0xa3: {  	[tilespmem:s7], [sflag:$0x4] =	stream.linear.gather [hbm4b:s29+s24], $0x80, $0x38;
	[tilespmem:$0x1CA00] =	vst v63  }
.LBB2_6:
0xa4: {  	_ =	swait.ge [sflag:s10], $0x4000  }
0xa5: {  	[sflag:s10] =	ssyncset.done $0x0  }
0xa6: {  	[sflag:s10] =	ssyncadd.s32 $0xFFFFC000  }
0xa7: {  	_ =	swait.ge [sflag:s21], $0x80  }
0xa8: {  	[sflag:s21] =	ssyncset.done $0x0  }
0xa9: {  	p1 =	sne.s32 s24, $0x940;
	[sflag:s21] =	ssyncadd.s32 $0xFFFFFF80  }
0xaa: {  	[spmem:s2] =	stream.indirect.scatter.add.f32 [tilespmem:s9], [sflag:$0x7], $0x80, s3, s7, $0xb8;
	[tilespmem:$0x1CA00] =	vst v63  }
0xab: {  	s26 =	sadd.s32 @p1 s24, s12;
	s29 =	simm.s32 @p1 $0x0  }
0xac: {  	[tilespmem:s29], [sflag:$0x3] =	stream.linear.gather @p1 [hbm4b:s26+s29], $0x80, $0x38;
	[tilespmem:$0x1CA00] =	vst v63  }
0xad: {  	s26 =	simm.s32 @p1 $0x4  }
0xae: {  	_ =	swait.ge @p1 [sflag:s26], $0x80  }
0xaf: {  	[sflag:s26] =	ssyncset.done @p1 $0x0  }
0xb0: {  	[sflag:s26] =	ssyncadd.s32 @p1 $0xFFFFFF80;
	s26 =	simm.s32 @!p1 $0x4  }
0xb1: {  	_ =	swait.ge @!p1 [sflag:s26], $0x80  }
0xb2: {  	[sflag:s26] =	ssyncset.done @!p1 $0x0  }
0xb3: {  	[sflag:s26] =	ssyncadd.s32 @!p1 $0xFFFFFF80  }
0xb4: {  	_ =	swait.ge [sflag:s22], $0x4000  }
0xb5: {  	s29 =	sshrl.u32 s28, $0x2;
	[sflag:s22] =	ssyncset.done $0x0  }
0xb6: {  	s26 =	sadd.s32 s29, s6;
	[sflag:s22] =	ssyncadd.s32 $0xFFFFC000  }
0xb7: {  	[tilespmem:s8], [sflag:$0x6] =	stream.linear.gather [hbm4b:s26+s4], $0x80, $0x38;
	[tilespmem:$0x1CA00] =	vst v63  }
0xb8: {  	_ = 	snop  }
0xb9: {  	[tilespmem:s16], [sflag:$0x2] =	stream.indirect.gather [hbm4b:s1+s7], $0x80, s7, s7, $0xb8;
	[tilespmem:$0x1CA00] =	vst v63  }
0xba: {  	_ =	swait.ge [sflag:s17], $0x4000  }
0xbb: {  	[sflag:s17] =	ssyncset.done $0x0  }
0xbc: {  	[sflag:s17] =	ssyncadd.s32 $0xFFFFC000  }
0xbd: {  	_ =	swait.ge [sflag:s18], $0x80  }
0xbe: {  	p1 =	seq.s32 s24, $0x940;
	[sflag:s18] =	ssyncset.done $0x0  }
.Ltmp4:
0xbf: {  	[sflag:s18] =	ssyncadd.s32 $0xFFFFFF80;
	(pc) =	sbr.rel @p1 .LBB2_8-.Ltmp4, $4  }
0xc0: {  	[spmem:s2] =	stream.indirect.scatter.add.f32 [tilespmem:s16], [sflag:$0x8], $0x80, s8, s7, $0xb8;
	[tilespmem:$0x1CA00] =	vst v63  }
0xc1: {  	_ =	swait.ge [sflag:s19], $0x4000  }
0xc2: {  	[sflag:s19] =	ssyncset.done $0x0  }
0xc3: {  	[sflag:s19] =	ssyncadd.s32 $0xFFFFC000  }
0xc4: {  	s26 =	sadd.s32 s24, s14  }
0xc5: {  	[tilespmem:s3], [sflag:$0x5] =	stream.linear.gather [hbm4b:s26+s4], $0x80, $0x38;
	[tilespmem:$0x1CA00] =	vst v63  }
0xc6: {  	_ =	swait.ge [sflag:s20], $0x80  }
.Ltmp5:
0xc7: {  	[sflag:s20] =	ssyncset.done $0x0;
	(pc) =	sbr.rel .LBB2_6-.Ltmp5, $4  }
0xc8: {  	[sflag:s20] =	ssyncadd.s32 $0xFFFFFF80  }
0xc9: {  	[tilespmem:s9], [sflag:$0x1] =	stream.indirect.gather [hbm4b:s1+s7], $0x80, s4, s7, $0xb8;
	[tilespmem:$0x1CA00] =	vst v63  }
0xca: {  	s29 =	sadd.s32 s24, s13;
	s24 =	sadd.s32 $0x40, s24;
	s28 =	sadd.s32 $0x100, s28  }
0xcb: {  	[tilespmem:s7], [sflag:$0x4] =	stream.linear.gather [hbm4b:s29+s4], $0x80, $0x38;
	[tilespmem:$0x1CA00] =	vst v63  }
.LBB2_9:
0xcc: {  	_ =	sfence.sel $0x180000  }
0xcd: {  	[bflag:$0x0] =	sbarrier.arrive $0xFFFF  }
0xce: {  	_ =	strace $0x9000004D  }
0xcf: {  	s0 =	stileid.u32;
	[bflag:$0x2] =	sbarrier.arrive $0xFFFF  }
0xd0: {  	p0 =	sne.s32 s0, $0x0;
	s0 =	rddreg [dreg:$0x4]  }
0xd1: {  	s0 =	sadd.s32 @!p0 $0x100000, s0  }
0xd2: {  	[sflag:s0] =	ssyncadd.tile.s32 @!p0 $0x1;
	_ =	shalt  }
.Lfunc_end2:
_tile_overlayer_lowered:
.L_overlay_start_2:
0xd3: {  	(tag) =	ssettag $0x2  }
0xd4: {  	s0 =	rddreg [dreg:$0x0];
	s2 =	stileid.u32  }
0xd5: {  	s1 =	rddreg [dreg:$0x1];
	p0 =	sne.s32 s2, $0x0  }
0xd6: {  	s3 =	rddreg [dreg:$0x2];
	[bflag:$0x3] =	sbarrier.arrive $0xFFFF;
	s2 =	simm.s32 @!p0 $0x1C09  }
0xd7: {  	[timem:s3], [sflag:s2] =	dma.local @!p0 [hbm:s0], s1  }
0xd8: {  	s0 =	simm.s32 @!p0 $0x9  }
0xd9: {  	_ =	swait.ge @!p0 [sflag:s0], s1  }
0xda: {  	s1 =	ssub.s32 @!p0 $0x0, s1;
	[sflag:s0] =	ssyncset.done @!p0 $0x0  }
0xdb: {  	[sflag:s0] =	ssyncadd.s32 @!p0 s1  }
0xdc: {  	[bflag:$0x3] =	sbarrier.arrive $0xFFFF  }
0xdd: {  	_ =	shalt  }

// kernel: kernel.8.cloned.1.call-start
scs
__scs_entry_jumppad:
0x0: {  	(pc) =	sbr.rel $0x88, $3  }
0x1: {  	(tag) =	ssettag $0x0;
	lr =	simm.s32 $0x1  }
0x2: {  	[smem:$0x3F91] =	sst lr;
	_ =	strace $0xD0000000  }
0x3: {  	_ = 	snop  }
0x4: {  	_ = 	snop  }
0x5: {  	_ = 	snop  }
0x6: {  	_ = 	snop  }
0x7: {  	_ = 	snop  }
__scs_overlays_trampoline_lowered:
0x8: {  	[smem:$0x3FA0] =	sst s0  }
0x9: {  	[smem:$0x3FA1] =	sst s1  }
0xa: {  	[smem:$0x3FA2] =	sst s2  }
0xb: {  	[smem:$0x3FA3] =	sst s3  }
0xc: {  	[smem:$0x3FA4] =	sst s4  }
0xd: {  	[smem:$0x3FA5] =	sst s5  }
0xe: {  	[smem:$0x3FA6] =	sst s6  }
0xf: {  	[smem:$0x3FA7] =	sst s7  }
0x10: {  	[smem:$0x3FA8] =	sst s8  }
0x11: {  	[smem:$0x3FA9] =	sst s9;
	s0 =	simm.s32 @!p0 $0x0  }
0x12: {  	s1 =	sld [smem:$0x3F8F];
	s0 =	simm.s32 @p0 $0x1  }
0x13: {  	[smem:$0x3FAA] =	sst s0;
	s0 =	simm.s32 @!p1 $0x0  }
0x14: {  	s2 =	sld [smem:$0x3F8E];
	s0 =	simm.s32 @p1 $0x1  }
0x15: {  	[smem:$0x3FAB] =	sst s0;
	s0 =	simm.s32 @!p2 $0x0  }
0x16: {  	s3 =	sld [smem:$0x3FDB];
	s0 =	simm.s32 @p2 $0x1  }
0x17: {  	s4 =	simm.s32 $0x1BF5;
	[smem:$0x3FAD] =	sst s0  }
0x18: {  	s0 =	sld [smem:$0x3F90];
	_ =	swait.ge [sflag:s4], $0x0  }
0x19: {  	s7 =	sld [smem:$0x3F91]  }
0x1a: {  	s8 =	sadd.s32 $0xFFFFE003, lr  }
0x1b: {  	s9 =	sadd.s32 $0xFFFFFEF7, lr;
	s5 =	simm.s32 $0xFFFFFFFF;
	p2 =	slt.u32 s8, $0xFFFFF086  }
0x1c: {  	p1 =	slt.u32 s9, $0xF7A;
	s5 =	simm.s32 @!p2 $0x0  }
0x1d: {  	s5 =	simm.s32 @p1 $0x1;
	p0 =	seq.s32 s7, s2  }
0x1e: {  	s7 =	smul.u32 @!p0 $0xF7A, s2;
	p2 =	seq.s32 @!p0 s5, $0x0  }
0x1f: {  	s9 =	smul.u32 $0xF7A, s1;
	s8 =	simm.s32 @!p0 $0x1BF5;
	p2 =	por !p2, p0  }
0x20: {  	[sflag:s8] =	ssyncset.s32 @!p0 $0xFFFFF086;
	s6 =	sadd.s32 @!p0 s3, s7;
	s7 =	simm.s32 @!p0 $0x108  }
0x21: {  	s3 =	sadd.s32 s3, s9;
	s6 =	sadd.s32 @!p0 $0x88, s6;
	s7 =	simm.s32 @p2 $0x1082  }
0x22: {  	[simem:s7], [sflag:s8] =	dma.local @!p0 [hbm:s6], $0xF7A  }
0x23: {  	s9 =	sor.u32 $0xD0000000, s2;
	s6 =	simm.s32 $0x108;
	_ =	swait.ge @!p0 [sflag:s8], $0x0  }
0x24: {  	s3 =	sadd.s32 $0x88, s3;
	s6 =	simm.s32 @!p1 $0x1082;
	[sflag:s4] =	ssyncset.s32 $0xFFFFF086  }
0x25: {  	[simem:s6], [sflag:s4] =	dma.local [hbm:s3], $0xF7A  }
0x26: {  	[smem:$0x3F91] =	sst s1;
	(tag) =	ssettag s2;
	_ =	strace s9  }
0x27: {  	s1 =	sld [smem:$0x3FA1]  }
0x28: {  	s2 =	sld [smem:$0x3FA2]  }
0x29: {  	s4 =	sld [smem:$0x3FA4]  }
0x2a: {  	p0 =	seq.s32 s5, $0x0;
	s5 =	sld [smem:$0x3FA5]  }
0x2b: {  	s6 =	sld [smem:$0x3FA6]  }
0x2c: {  	s7 =	sld [smem:$0x3FA7]  }
0x2d: {  	s3 =	simm.s32 $0x108;
	s8 =	sld [smem:$0x3FA8]  }
0x2e: {  	s3 =	simm.s32 @!p0 $0x1082;
	s9 =	sld [smem:$0x3FA9]  }
0x2f: {  	lr =	sadd.s32 s0, s3;
	s0 =	sld [smem:$0x3FA0]  }
0x30: {  	s3 =	sld [smem:$0x3FA3]  }
0x31: {  	[smem:$0x3FAC] =	sst s10  }
0x32: {  	s10 =	sld [smem:$0x3FAA];
	_ =	sdelay $0x3  }
0x33: {  	p0 =	seq.s32 s10, $0x1;
	s10 =	sld [smem:$0x3FAC];
	_ =	sdelay $0x3  }
0x34: {  	[smem:$0x3FAC] =	sst s10  }
0x35: {  	s10 =	sld [smem:$0x3FAB];
	_ =	sdelay $0x3  }
0x36: {  	p1 =	seq.s32 s10, $0x1;
	s10 =	sld [smem:$0x3FAC];
	_ =	sdelay $0x3  }
0x37: {  	[smem:$0x3FAC] =	sst s10  }
0x38: {  	s10 =	sld [smem:$0x3FAD]  }
0x39: {  	_ = 	snop;
	(pc) =	sbr.ind lr, $3  }
0x3a: {  	_ = 	snop  }
0x3b: {  	_ = 	snop  }
0x3c: {  	p2 =	seq.s32 s10, $0x1;
	s10 =	sld [smem:$0x3FAC]  }
0x3d: {  	_ =	shalt  }
0x3e: {  	_ =	shalt  }
0x3f: {  	_ =	shalt  }
0x40: {  	_ =	shalt  }
0x41: {  	_ =	shalt  }
0x42: {  	_ =	shalt  }
0x43: {  	_ =	shalt  }
0x44: {  	_ =	shalt  }
0x45: {  	_ =	shalt  }
0x46: {  	_ =	shalt  }
0x47: {  	_ =	shalt  }
0x48: {  	_ =	shalt  }
0x49: {  	_ =	shalt  }
0x4a: {  	_ =	shalt  }
0x4b: {  	_ =	shalt  }
0x4c: {  	_ =	shalt  }
0x4d: {  	_ =	shalt  }
0x4e: {  	_ =	shalt  }
0x4f: {  	_ =	shalt  }
0x50: {  	_ =	shalt  }
0x51: {  	_ =	shalt  }
0x52: {  	_ =	shalt  }
0x53: {  	_ =	shalt  }
0x54: {  	_ =	shalt  }
0x55: {  	_ =	shalt  }
0x56: {  	_ =	shalt  }
0x57: {  	_ =	shalt  }
0x58: {  	_ =	shalt  }
0x59: {  	_ =	shalt  }
0x5a: {  	_ =	shalt  }
0x5b: {  	_ =	shalt  }
0x5c: {  	_ =	shalt  }
0x5d: {  	_ =	shalt  }
0x5e: {  	_ =	shalt  }
0x5f: {  	_ =	shalt  }
0x60: {  	_ =	shalt  }
0x61: {  	_ =	shalt  }
0x62: {  	_ =	shalt  }
0x63: {  	_ =	shalt  }
0x64: {  	_ =	shalt  }
0x65: {  	_ =	shalt  }
0x66: {  	_ =	shalt  }
0x67: {  	_ =	shalt  }
0x68: {  	_ =	shalt  }
0x69: {  	_ =	shalt  }
0x6a: {  	_ =	shalt  }
0x6b: {  	_ =	shalt  }
0x6c: {  	_ =	shalt  }
0x6d: {  	_ =	shalt  }
0x6e: {  	_ =	shalt  }
0x6f: {  	_ =	shalt  }
0x70: {  	_ =	shalt  }
0x71: {  	_ =	shalt  }
0x72: {  	_ =	shalt  }
0x73: {  	_ =	shalt  }
0x74: {  	_ =	shalt  }
0x75: {  	_ =	shalt  }
0x76: {  	_ =	shalt  }
0x77: {  	_ =	shalt  }
0x78: {  	_ =	shalt  }
0x79: {  	_ =	shalt  }
0x7a: {  	_ =	shalt  }
0x7b: {  	_ =	shalt  }
0x7c: {  	_ =	shalt  }
0x7d: {  	_ =	shalt  }
0x7e: {  	_ =	shalt  }
0x7f: {  	_ =	shalt  }
0x80: {  	_ =	shalt  }
0x81: {  	_ =	shalt  }
0x82: {  	_ =	shalt  }
0x83: {  	_ =	shalt  }
0x84: {  	_ =	shalt  }
0x85: {  	_ =	shalt  }
0x86: {  	_ =	shalt  }
0x87: {  	_ =	shalt  }
.Lfunc_end0:
.L_simem_size_0:
called_computation_lowered:
.L_overlay_start_0:
0x88: {  	s2 =	sld [smem:$0x3FD9]  }
0x89: {  	s3 =	sld [smem:$0x3FFE];
	_ =	sdelay $0x1  }
0x8a: {  	s1 =	srdreg.scid  }
0x8b: {  	s0 =	sand.u32 $0x1, s1  }
0x8c: {  	s17 =	sshll.u32 s0, $0xA;
	s2 =	sadd.s32 s3, s2  }
0x8d: {  	s2 =	sadd.s32 s2, s17  }
0x8e: {  	[smem:$0x3FB8] =	sst s2  }
0x8f: {  	_ = 	snop  }
0x90: {  	s2 =	sld [smem:$0x3FC8];
	(tm) =	ssettm $0x1  }
0x91: {  	s18 =	sld [smem:$0x3FFB];
	_ =	sdelay $0x3  }
0x92: {  	_ =	strace s18  }
0x93: {  	s3 =	sld [smem:$0x3FFC];
	_ =	sdelay $0x3  }
0x94: {  	_ =	strace s3  }
0x95: {  	s3 =	sld [smem:$0x3FFD];
	_ =	sdelay $0x3  }
0x96: {  	_ =	strace s3  }
0x97: {  	_ =	strace $0x8FFFFFFF  }
0x98: {  	s19 =	sld [smem:$0x3FDB];
	_ =	sdelay $0x1  }
0x99: {  	s4 =	simm.s32 $_scs_section_size  }
0x9a: {  	s5 =	simm.s32 $_size__tile_overlayer_lowered;
	s6 =	simm.s32 $_tile_overlayer_lowered  }
0x9b: {  	s22 =	simm.s32 $0x1BFF;
	s21 =	sshll.u32 s6, $0x1;
	s3 =	sadd.s32 s4, s19  }
0x9c: {  	s7 =	simm.s32 $0x0;
	s20 =	sshll.u32 s5, $0x1;
	s5 =	sadd.s32 s21, s3  }
0x9d: {  	[timem:s7], [sflag:s22] =	dma.local [hbm:s5], s20  }
0x9e: {  	_ =	swait.ge [sflag:s22], s20  }
0x9f: {  	s4 =	ssub.s32 $0x0, s20;
	[sflag:s22] =	ssyncset.done $0x0  }
0xa0: {  	[sflag:s22] =	ssyncadd.s32 s4;
	_ =	sdelay $0x1  }
0xa1: {  	s23 =	simm.s32 $0x1B8B  }
0xa2: {  	_ =	swait.ge [sflag:s23], $0x1  }
0xa3: {  	[sflag:s23] =	ssyncset.done $0x0  }
0xa4: {  	s25 =	simm.s32 $0x1B8E;
	s24 =	sld [smem:$0x3FFE];
	[sflag:s23] =	ssyncadd.s32 $0xFFFFFFFF  }
0xa5: {  	s26 =	simm.s32 $execute0_lowered;
	[smem:$0x3FD2] =	sst s25  }
0xa6: {  	s5 =	sshll.u32 s26, $0x1;
	_ =	strace $0x80000046;
	[dreg:$0x1] =	wrdreg $0xFFFFFFFF  }
0xa7: {  	s28 =	simm.s32 $_size_execute0_lowered;
	s3 =	sadd.s32 s3, s5;
	[dreg:$0x0] =	wrdreg $0x0  }
0xa8: {  	s5 =	sshll.u32 s28, $0x1;
	[dreg:$0x2] =	wrdreg s3  }
0xa9: {  	[dreg:$0x3] =	wrdreg s5  }
0xaa: {  	[dreg:$0x4] =	wrdreg $0xC0  }
0xab: {  	_ =	task [dreg:s7], $0x5FFFF  }
0xac: {  	[dreg:$0x1] =	wrdreg $0xFFFFFFFF  }
0xad: {  	[dreg:$0x0] =	wrdreg $0x60  }
0xae: {  	[dreg:$0x2] =	wrdreg s2  }
0xaf: {  	[dreg:$0x3] =	wrdreg s24  }
0xb0: {  	[dreg:$0x4] =	wrdreg $0x49000  }
0xb1: {  	[dreg:$0x5] =	wrdreg $0x9  }
0xb2: {  	_ =	task.clear_ibuf [dreg:s7], $0x6FFFF;
	_ =	strace $0x90000046  }
0xb3: {  	s29 =	simm.s32 $0x9;
	_ =	strace $0x80000048  }
0xb4: {  	_ =	swait.ge [sflag:s29], $0x1  }
0xb5: {  	[sflag:s29] =	ssyncadd.s32 $0xFFFFFFFF  }
0xb6: {  	_ =	strace $0x90000048  }
0xb7: {  	_ =	sfence  }
0xb8: {  	s30 =	sld [smem:$0x0];
	_ =	sdelay $0x2  }
0xb9: {  	s31 =	sshll.u32 s1, $0xD;
	s1 =	sshrl.u32 s1, $0x2  }
0xba: {  	s3 =	sand.u32 $0x4000, s31;
	s1 =	sadd.s32 s1, s30  }
0xbb: {  	s0 =	sor.u32 s3, s0;
	s1 =	sshll.u32 s1, $0x11  }
0xbc: {  	s0 =	sor.u32 s1, s0  }
0xbd: {  	s0 =	sadd.s32 $0x8F2B, s0  }
0xbe: {  	[sflag:s0] =	ssyncadd.remote.s32 $0x1  }
0xbf: {  	_ =	sfence.sel $0xFFFF  }
0xc0: {  	[dreg:$0x0] =	wrdreg $0xFFFFFFFF;
	(pc) =	sbr.abs _section_cstart, $3  }
0xc1: {  	[dreg:$0x1] =	wrdreg $0xFFFFFFFF  }
0xc2: {  	_ =	task.clear_ibuf [dreg:s7], $0x2FFFF;
	_ =	strace $0x9FFFFFFF  }
0xc3: {  	(tm) =	ssettm $0x7FFFFFFF  }
tec
execute0_lowered:
.L_overlay_start_1:
0x0: {  	(tag) =	ssettag $0x1  }
0x1: {  	s19 =	rddreg [dreg:$0x0]  }
0x2: {  	s4 =	rddreg [dreg:$0x1]  }
0x3: {  	s1 =	rddreg [dreg:$0x2]  }
0x4: {  	s3 =	simm.s32 $0x0;
	s5 =	srdreg.scid;
	s2 =	stileid.u32  }
0x5: {  	[smem:$0x7FF] =	sst s3;
	s6 =	smul.u32 $0x50000, s2  }
0x6: {  	s13 =	sand.u32 $0x1, s5;
	s17 =	sadd.s32 $0x3A00, s4;
	s16 =	smul.u32 $0x14000, s2  }
0x7: {  	s26 =	sshll.u32 s2, $0x5;
	_ =	strace $0x80000047;
	s18 =	smul.u32 $0x140000, s13  }
0x8: {  	s5 =	sshll.u32 s13, $0x4;
	s22 =	ssub.s32 $0x2, s13;
	s20 =	smul.u32 $0x4E000, s13  }
0x9: {  	s25 =	sor.u32 s2, s5;
	s23 =	sshrl.u32 s22, $0x1;
	s6 =	sshrl.u32 s6, $0x2  }
0xa: {  	s10 =	sadd.s32 $0x4000, s16;
	s14 =	sadd.s32 $0x8000, s16;
	s15 =	sadd.s32 $0xC000, s16  }
0xb: {  	s30 =	sadd.s32 $0x10000, s16;
	s7 =	smul.u32 $0x9C0, s25;
	s8 =	ssub.s32 s22, s23  }
0xc: {  	s4 =	sadd.s32 s6, s1;
	s9 =	sadd.s32 s18, s16;
	s11 =	sadd.s32 s18, s10  }
0xd: {  	s10 =	sadd.s32 s10, s1;
	s12 =	sadd.s32 s14, s1;
	s14 =	sadd.s32 s18, s14  }
0xe: {  	s21 =	sadd.s32 s18, s15;
	s22 =	smul.u32 $0x4E00, s2;
	s16 =	sadd.s32 s30, s1  }
0xf: {  	s18 =	sadd.s32 s18, s30;
	s23 =	simm.s32 $0x100;
	p0 =	sgt.u32 s25, $0x3  }
0x10: {  	s25 =	simm.s32 $0x1;
	s8 =	smax.u32 s8, $0x1;
	s9 =	sshrl.u32 s9, $0x3  }
0x11: {  	s11 =	sshrl.u32 s11, $0x3;
	s28 =	sshrl.u32 s14, $0x3;
	s14 =	sadd.s32 s15, s1  }
0x12: {  	s29 =	sshrl.u32 s21, $0x3;
	s18 =	sshrl.u32 s18, $0x3;
	s24 =	sadd.s32 s7, s19  }
0x13: {  	s7 =	sadd.s32 s26, s19;
	s9 =	sadd.s32 s17, s9;
	s11 =	sadd.s32 s17, s11  }
0x14: {  	s13 =	sadd.s32 s17, s28;
	s15 =	sadd.s32 s17, s29;
	s20 =	sadd.s32 s22, s20  }
0x15: {  	s17 =	sadd.s32 s17, s18;
	s22 =	simm.s32 $0x80;
	s26 =	simm.s32 $0x0  }
0x16: {  	s5 =	sadd.s32 $0x10, s24;
	s6 =	sadd.s32 $0x30, s24;
	s31 =	sadd.s32 $0x280, s20  }
0x17: {  	s7 =	sadd.s32 $0x13810, s7;
	s20 =	sadd.s32 $0x380, s20;
	s21 =	sshrl.u32 s31, $0x3  }
0x18: {  	s24 =	simm.s32 $0x2;
	s20 =	sshrl.u32 s20, $0x3;
	s18 =	sadd.s32 s21, s19  }
0x19: {  	v0 =	vimm.f32 $1.000000000e+00;
	v1 =	vimm.f32 $0.0e+00;
	s19 =	sadd.s32 s20, s19;
	s20 =	simm.s32 $0x4100;
	s21 =	simm.s32 $0x3  }
.LBB2_1:
0x1a: {  	s28 =	sand.u32 $0xFE00, s3  }
0x1b: {  	s30 =	sand.u32 $0x70, s3;
	s28 =	sshrl.u32 s28, $0x2  }
0x1c: {  	s29 =	simm.s32 $0x40;
	s31 =	sor.u32 s30, s28;
	s30 =	simm.s32 $0x0  }
.LBB2_2:
0x1d: {  	p1 =	sne.s32 s29, $0xFFC0  }
0x1e: {  	[tilespmem:s31+$0x100] =	vst v0;
	s30 =	sadd.s32 $0x10, s30;
	s28 =	smov.u32 s29;
	s29 =	sadd.s32 $0x40, s29  }
.Ltmp0:
0x1f: {  	(pc) =	sbr.rel @p1 .LBB2_2-.Ltmp0, $4  }
0x20: {  	_ = 	snop  }
0x21: {  	s28 =	sand.u32 $0xFE00, s28  }
0x22: {  	s31 =	sand.u32 $0x70, s30;
	s28 =	sshrl.u32 s28, $0x2  }
0x23: {  	s31 =	sor.u32 s31, s28;
	s28 =	simm.s32 $0x0  }
0x24: {  	s29 =	sand.u32 $0x1E00, s28  }
0x25: {  	s30 =	sand.u32 $0x70, s28;
	s0 =	sshrl.u32 s29, $0x2  }
0x26: {  	[tilespmem:s31+$0x100] =	vst v0;
	s29 =	simm.s32 $0x40;
	s30 =	sor.u32 s30, s0  }
.LBB2_4:
0x27: {  	p1 =	sne.s32 s29, $0x1FC0  }
0x28: {  	[tilespmem:s30+$0x4100] =	vst v1;
	s28 =	sadd.s32 $0x10, s28;
	s0 =	smov.u32 s29;
	s29 =	sadd.s32 $0x40, s29  }
.Ltmp1:
0x29: {  	(pc) =	sbr.rel @p1 .LBB2_4-.Ltmp1, $4  }
0x2a: {  	_ = 	snop  }
0x2b: {  	s0 =	sand.u32 $0x1E00, s0  }
0x2c: {  	s30 =	sand.u32 $0x70, s28;
	s0 =	sshrl.u32 s0, $0x2  }
0x2d: {  	s30 =	sor.u32 s30, s0  }
0x2e: {  	[tilespmem:s30+$0x4100] =	vst v1;
	s0 =	sadd.s32 $0x0, s4  }
0x2f: {  	[spmem:s0] =	stream.linear.scatter [tilespmem:s20], [sflag:$0x3], $0x800, $0x38;
	[tilespmem:$0x18900] =	vst v63  }
0x30: {  	s28 =	simm.s32 $0x2000;
	_ =	swait.ge [sflag:s21], $0x800  }
.LBB2_6:
0x31: {  	s0 =	sshra.s32 s28, $0x2;
	[sflag:s21] =	ssyncset.done $0x0;
	p1 =	sne.s32 s28, $0x4E000  }
.Ltmp2:
0x32: {  	s0 =	sadd.s32 s0, s4;
	[sflag:s21] =	ssyncadd.s32 $0xFFFFF800;
	(pc) =	sbr.rel @p1 .LBB2_6-.Ltmp2, $3  }
0x33: {  	[spmem:s0] =	stream.linear.scatter [tilespmem:s20], [sflag:$0x3], $0x800, $0x38;
	[tilespmem:$0x18900] =	vst v63  }
0x34: {  	s28 =	sadd.s32 $0x2000, s28;
	_ =	sdelay $0x1  }
0x35: {  	_ =	swait.ge [sflag:s21], $0x800  }
0x36: {  	[sflag:s21] =	ssyncset.done $0x0  }
0x37: {  	[sflag:s21] =	ssyncadd.s32 $0xFFFFF800  }
0x38: {  	s0 =	simm.s32 $0x0;
	[bflag:$0x0] =	sbarrier.arrive $0xFFFF  }
0x39: {  	[tilespmem:s0], [sflag:$0x3] =	stream.linear.gather [hbm4b:s5+s0], $0x80, $0x38;
	[tilespmem:$0x18900] =	vst v63  }
0x3a: {  	_ =	swait.ge [sflag:s21], $0x80  }
0x3b: {  	[sflag:s21] =	ssyncset.done $0x0  }
0x3c: {  	[sflag:s21] =	ssyncadd.s32 $0xFFFFFF80  }
0x3d: {  	[tilespmem:s22], [sflag:$0x2] =	stream.linear.gather [hbm4b:s6+s0], $0x80, $0x38;
	[tilespmem:$0x18900] =	vst v63  }
0x3e: {  	_ = 	snop  }
0x3f: {  	[spmem:s1] =	stream.indirect.scatter.add.f32 [tilespmem:s23], [sflag:$0x3], $0x80, s3, s22, $0xb8;
	[tilespmem:$0x18900] =	vst v63  }
0x40: {  	_ =	swait.ge [sflag:s21], $0x4000  }
0x41: {  	[sflag:s21] =	ssyncset.done $0x0  }
0x42: {  	s30 =	sadd.s32 $0x0, s18;
	[sflag:s21] =	ssyncadd.s32 $0xFFFFC000  }
0x43: {  	[tilespmem:s3], [sflag:$0x1] =	stream.linear.gather [hbm4b:s30+s3], $0x80, $0x38;
	[tilespmem:$0x18900] =	vst v63  }
0x44: {  	_ =	swait.ge [sflag:s24], $0x80  }
0x45: {  	[sflag:s24] =	ssyncset.done $0x0  }
0x46: {  	[sflag:s24] =	ssyncadd.s32 $0xFFFFFF80  }
0x47: {  	[spmem:s1] =	stream.indirect.scatter.add.f32 [tilespmem:s23], [sflag:$0x3], $0x80, s22, s22, $0xb8;
	[tilespmem:$0x18900] =	vst v63  }
0x48: {  	_ =	swait.ge [sflag:s21], $0x4000  }
0x49: {  	[sflag:s21] =	ssyncset.done $0x0  }
0x4a: {  	s31 =	sadd.s32 $0x0, s19;
	[sflag:s21] =	ssyncadd.s32 $0xFFFFC000  }
0x4b: {  	[tilespmem:s22], [sflag:$0x2] =	stream.linear.gather [hbm4b:s31+s3], $0x80, $0x38;
	[tilespmem:$0x18900] =	vst v63  }
0x4c: {  	_ =	swait.ge [sflag:s25], $0x80  }
0x4d: {  	s28 =	simm.s32 $0x40;
	[sflag:s25] =	ssyncset.done $0x0  }
.LBB2_8:
0x4e: {  	p1 =	sne.s32 s28, $0x940  }
0x4f: {  	[sflag:s25] =	ssyncadd.s32 $0xFFFFFF80;
	s0 =	smov.u32 s28;
	s28 =	sadd.s32 $0x40, s28  }
0x50: {  	[spmem:s1] =	stream.indirect.scatter.add.f32 [tilespmem:s23], [sflag:$0x3], $0x80, s3, s22, $0xb8;
	[tilespmem:$0x18900] =	vst v63  }
0x51: {  	_ =	swait.ge [sflag:s21], $0x4000  }
0x52: {  	[sflag:s21] =	ssyncset.done $0x0  }
0x53: {  	s29 =	sadd.s32 s0, s18;
	[sflag:s21] =	ssyncadd.s32 $0xFFFFC000  }
0x54: {  	[tilespmem:s3], [sflag:$0x1] =	stream.linear.gather [hbm4b:s29+s3], $0x80, $0x38;
	[tilespmem:$0x18900] =	vst v63  }
0x55: {  	_ =	swait.ge [sflag:s24], $0x80  }
0x56: {  	[sflag:s24] =	ssyncset.done $0x0  }
0x57: {  	[sflag:s24] =	ssyncadd.s32 $0xFFFFFF80  }
0x58: {  	[spmem:s1] =	stream.indirect.scatter.add.f32 [tilespmem:s23], [sflag:$0x3], $0x80, s22, s22, $0xb8;
	[tilespmem:$0x18900] =	vst v63  }
0x59: {  	_ =	swait.ge [sflag:s21], $0x4000  }
.Ltmp3:
0x5a: {  	[sflag:s21] =	ssyncset.done $0x0;
	(pc) =	sbr.rel @p1 .LBB2_8-.Ltmp3, $4  }
0x5b: {  	s0 =	sadd.s32 s0, s19;
	[sflag:s21] =	ssyncadd.s32 $0xFFFFC000  }
0x5c: {  	[tilespmem:s22], [sflag:$0x2] =	stream.linear.gather [hbm4b:s0+s3], $0x80, $0x38;
	[tilespmem:$0x18900] =	vst v63  }
0x5d: {  	_ =	swait.ge [sflag:s25], $0x80  }
0x5e: {  	[sflag:s25] =	ssyncset.done $0x0  }
0x5f: {  	[sflag:s25] =	ssyncadd.s32 $0xFFFFFF80  }
0x60: {  	[spmem:s1] =	stream.indirect.scatter.add.f32 [tilespmem:s23], [sflag:$0x3], $0x80, s3, s22, $0xb8;
	[tilespmem:$0x18900] =	vst v63  }
0x61: {  	_ =	swait.ge [sflag:s21], $0x4000  }
0x62: {  	[sflag:s21] =	ssyncset.done $0x0  }
0x63: {  	[sflag:s21] =	ssyncadd.s32 $0xFFFFC000  }
0x64: {  	_ =	swait.ge [sflag:s24], $0x80  }
0x65: {  	[sflag:s24] =	ssyncset.done $0x0  }
0x66: {  	[sflag:s24] =	ssyncadd.s32 $0xFFFFFF80  }
0x67: {  	[spmem:s1] =	stream.indirect.scatter.add.f32 [tilespmem:s23], [sflag:$0x3], $0x80, s22, s22, $0xb8;
	[tilespmem:$0x18900] =	vst v63  }
0x68: {  	_ =	swait.ge [sflag:s21], $0x4000  }
0x69: {  	[sflag:s21] =	ssyncset.done $0x0  }
0x6a: {  	s0 =	simm.s32 @!p0 $0x0;
	s28 =	simm.s32 @!p0 $0x3;
	[sflag:s21] =	ssyncadd.s32 $0xFFFFC000  }
0x6b: {  	[tilespmem:s0], [sflag:$0x3] =	stream.linear.gather @!p0 [hbm4b:s7+s0], $0x80, $0x38;
	[tilespmem:$0x18900] =	vst v63  }
0x6c: {  	_ =	swait.ge @!p0 [sflag:s28], $0x80  }
0x6d: {  	[sflag:s28] =	ssyncset.done @!p0 $0x0  }
0x6e: {  	s29 =	simm.s32 @!p0 $0x80;
	s30 =	simm.s32 @!p0 $0x100;
	[sflag:s28] =	ssyncadd.s32 @!p0 $0xFFFFFF80  }
0x6f: {  	[spmem:s1] =	stream.indirect.scatter.add.f32 @!p0 [tilespmem:s30], [sflag:$0x3], $0x80, s0, s29, $0xb8;
	[tilespmem:$0x18900] =	vst v63  }
0x70: {  	_ =	swait.ge @!p0 [sflag:s28], $0x4000  }
0x71: {  	[sflag:s28] =	ssyncset.done @!p0 $0x0  }
0x72: {  	[sflag:s28] =	ssyncadd.s32 @!p0 $0xFFFFC000  }
0x73: {  	[bflag:$0x0] =	sbarrier.arrive $0xFFFF  }
0x74: {  	[tilespmem:s23], [sflag:$0x3] =	stream.linear.gather [spmem:s4], $0x4000, $0x38;
	[tilespmem:$0x18900] =	vst v63  }
0x75: {  	_ =	swait.ge [sflag:s21], $0x4000  }
0x76: {  	[sflag:s21] =	ssyncset.done $0x0  }
0x77: {  	[sflag:s21] =	ssyncadd.s32 $0xFFFFC000  }
0x78: {  	[hbm4b:s9+s3] =	stream.linear.scatter [tilespmem:s23], [sflag:$0x3], $0x4000, $0x38;
	[tilespmem:$0x18900] =	vst v63  }
0x79: {  	_ =	swait.ge [sflag:s21], $0x4000  }
0x7a: {  	[sflag:s21] =	ssyncset.done $0x0  }
0x7b: {  	[sflag:s21] =	ssyncadd.s32 $0xFFFFC000  }
0x7c: {  	[tilespmem:s23], [sflag:$0x3] =	stream.linear.gather [spmem:s10], $0x4000, $0x38;
	[tilespmem:$0x18900] =	vst v63  }
0x7d: {  	_ =	swait.ge [sflag:s21], $0x4000  }
0x7e: {  	[sflag:s21] =	ssyncset.done $0x0  }
0x7f: {  	[sflag:s21] =	ssyncadd.s32 $0xFFFFC000  }
0x80: {  	[hbm4b:s11+s3] =	stream.linear.scatter [tilespmem:s23], [sflag:$0x3], $0x4000, $0x38;
	[tilespmem:$0x18900] =	vst v63  }
0x81: {  	_ =	swait.ge [sflag:s21], $0x4000  }
0x82: {  	[sflag:s21] =	ssyncset.done $0x0  }
0x83: {  	[sflag:s21] =	ssyncadd.s32 $0xFFFFC000  }
0x84: {  	[tilespmem:s23], [sflag:$0x3] =	stream.linear.gather [spmem:s12], $0x4000, $0x38;
	[tilespmem:$0x18900] =	vst v63  }
0x85: {  	_ =	swait.ge [sflag:s21], $0x4000  }
0x86: {  	[sflag:s21] =	ssyncset.done $0x0  }
0x87: {  	[sflag:s21] =	ssyncadd.s32 $0xFFFFC000  }
0x88: {  	[hbm4b:s13+s3] =	stream.linear.scatter [tilespmem:s23], [sflag:$0x3], $0x4000, $0x38;
	[tilespmem:$0x18900] =	vst v63  }
0x89: {  	_ =	swait.ge [sflag:s21], $0x4000  }
0x8a: {  	[sflag:s21] =	ssyncset.done $0x0  }
0x8b: {  	[sflag:s21] =	ssyncadd.s32 $0xFFFFC000  }
0x8c: {  	[tilespmem:s23], [sflag:$0x3] =	stream.linear.gather [spmem:s14], $0x4000, $0x38;
	[tilespmem:$0x18900] =	vst v63  }
0x8d: {  	_ =	swait.ge [sflag:s21], $0x4000  }
0x8e: {  	[sflag:s21] =	ssyncset.done $0x0  }
0x8f: {  	[sflag:s21] =	ssyncadd.s32 $0xFFFFC000  }
0x90: {  	[hbm4b:s15+s3] =	stream.linear.scatter [tilespmem:s23], [sflag:$0x3], $0x4000, $0x38;
	[tilespmem:$0x18900] =	vst v63  }
0x91: {  	_ =	swait.ge [sflag:s21], $0x4000  }
0x92: {  	[sflag:s21] =	ssyncset.done $0x0  }
0x93: {  	[sflag:s21] =	ssyncadd.s32 $0xFFFFC000  }
0x94: {  	[tilespmem:s23], [sflag:$0x3] =	stream.linear.gather [spmem:s16], $0x4000, $0x38;
	[tilespmem:$0x18900] =	vst v63  }
0x95: {  	s26 =	sadd.s32 $0x1, s26;
	_ =	swait.ge [sflag:s21], $0x4000  }
0x96: {  	p1 =	sne.s32 s26, s8;
	[sflag:s21] =	ssyncset.done $0x0  }
.Ltmp4:
0x97: {  	[sflag:s21] =	ssyncadd.s32 $0xFFFFC000;
	(pc) =	sbr.rel @p1 .LBB2_1-.Ltmp4, $4  }
0x98: {  	[hbm4b:s17+s3] =	stream.linear.scatter [tilespmem:s23], [sflag:$0x3], $0x4000, $0x38;
	[tilespmem:$0x18900] =	vst v63  }
0x99: {  	_ =	swait.ge [sflag:s21], $0x4000  }
0x9a: {  	[sflag:s21] =	ssyncset.done $0x0  }
0x9b: {  	[sflag:s21] =	ssyncadd.s32 $0xFFFFC000  }
0x9c: {  	_ =	sfence.sel $0x180000  }
0x9d: {  	[bflag:$0x0] =	sbarrier.arrive $0xFFFF  }
0x9e: {  	_ =	strace $0x90000047  }
0x9f: {  	[bflag:$0x2] =	sbarrier.arrive $0xFFFF  }
0xa0: {  	p0 =	sne.s32 s2, $0x0;
	s0 =	rddreg [dreg:$0x3]  }
0xa1: {  	s0 =	sadd.s32 @!p0 $0x100000, s0  }
0xa2: {  	[sflag:s0] =	ssyncadd.tile.s32 @!p0 $0x1;
	_ =	shalt  }
.Lfunc_end2:
_tile_overlayer_lowered:
.L_overlay_start_2:
0xa3: {  	(tag) =	ssettag $0x2  }
0xa4: {  	s0 =	rddreg [dreg:$0x0];
	s2 =	stileid.u32  }
0xa5: {  	s1 =	rddreg [dreg:$0x1];
	p0 =	sne.s32 s2, $0x0  }
0xa6: {  	s3 =	rddreg [dreg:$0x2];
	[bflag:$0x3] =	sbarrier.arrive $0xFFFF;
	s2 =	simm.s32 @!p0 $0x1C03  }
0xa7: {  	[timem:s3], [sflag:s2] =	dma.local @!p0 [hbm:s0], s1  }
0xa8: {  	s0 =	simm.s32 @!p0 $0x3  }
0xa9: {  	_ =	swait.ge @!p0 [sflag:s0], s1  }
0xaa: {  	s1 =	ssub.s32 @!p0 $0x0, s1;
	[sflag:s0] =	ssyncset.done @!p0 $0x0  }
0xab: {  	[sflag:s0] =	ssyncadd.s32 @!p0 s1  }
0xac: {  	[bflag:$0x3] =	sbarrier.arrive $0xFFFF  }
0xad: {  	_ =	shalt  }

</sc_bundles>
